<compile_context>
chip_gen: v7x
topology: tpu7x:2x2x1
jax: 0.10.2.dev20260603
libtpu: 0.0.44.dev20260713+nightly
codegen_flags: <defaults>
</compile_context>

<pallas_src>
import functools

import jax
import jax.numpy as jnp
from jax import lax
from jax.experimental import pallas as pl
from jax.experimental.pallas import tpu as pltpu
from jax.experimental.pallas import tpu_sc as plsc

IN_F = 4096
OUT_F = 4096

W_SIZE = IN_F * OUT_F
HALF = W_SIZE // 2
CHUNK = 1_678_336
N_PASS = 5
SLICE = CHUNK // 16
W_PAD = HALF + N_PASS * CHUNK
ZCOPY = 5712

NB = 1024
N_ROWS = NB // 128
PER_TILE = 106_496
NBLOCKS = PER_TILE // NB
NNZ_PAD = 16 * PER_TILE

BN = 512


def _build_w_sc(rows, cols, vals):
    mesh = plsc.VectorSubcoreMesh(core_axis_name="c", subcore_axis_name="s")

    @functools.partial(
        pl.kernel,
        mesh=mesh,
        out_type=jax.ShapeDtypeStruct((W_PAD,), jnp.float32),
        scratch_types=[
            pltpu.VMEM((NB,), jnp.int32),
            pltpu.VMEM((NB,), jnp.int32),
            pltpu.VMEM((NB,), jnp.float32),
            pltpu.VMEM((NB,), jnp.int32),
            pltpu.VMEM((NB,), jnp.int32),
            pltpu.VMEM((NB,), jnp.float32),
            pltpu.VMEM((NB,), jnp.int32),
            pltpu.VMEM((NB,), jnp.float32),
            pltpu.VMEM((NB,), jnp.int32),
            pltpu.VMEM((NB,), jnp.float32),
            pltpu.VMEM((NB,), jnp.int32),
            pltpu.VMEM((NB,), jnp.float32),
            pltpu.VMEM((NB,), jnp.int32),
            pltpu.VMEM((NB,), jnp.float32),
            pltpu.VMEM((ZCOPY,), jnp.float32),
            pltpu.VMEM((ZCOPY,), jnp.float32),
            pltpu.VMEM_SHARED((CHUNK,), jnp.float32),
            pltpu.SemaphoreType.DMA,
            pltpu.SemaphoreType.DMA,
            pltpu.SemaphoreType.DMA,
            pltpu.SemaphoreType.DMA,
            pltpu.SemaphoreType.DMA,
            pltpu.SemaphoreType.DMA,
            pltpu.SemaphoreType.DMA,
        ],
    )
    def scatter_kernel(rows_hbm, cols_hbm, vals_hbm, w_hbm,
                       r_a, c_a, v_a, r_b, c_b, v_b,
                       idx_0, val_0, idx_1, val_1, idx_2, val_2,
                       idx_3, val_3, wb_a, wb_b, chunk,
                       sem_ia, sem_ib, sem_s0, sem_s1, sem_s2, sem_s3,
                       sem_wb):
        insets = [(r_a, c_a, v_a, sem_ia), (r_b, c_b, v_b, sem_ib)]
        scsets = [(idx_0, val_0, sem_s0), (idx_1, val_1, sem_s1),
                  (idx_2, val_2, sem_s2), (idx_3, val_3, sem_s3)]
        cid = lax.axis_index("c")
        sid = lax.axis_index("s")

        def zinit(i, carry):
            wb_a[pl.ds(i * 16, 16)] = jnp.zeros((16,), jnp.float32)
            return carry

        def in_off(b):
            return sid * PER_TILE + jnp.minimum(b, NBLOCKS - 1) * NB

        def issue_inputs(b, rb, cb, vb, sem):
            off = in_off(b)
            pltpu.async_copy(rows_hbm.at[pl.ds(off, NB)], rb, sem)
            pltpu.async_copy(cols_hbm.at[pl.ds(off, NB)], cb, sem)
            pltpu.async_copy(vals_hbm.at[pl.ds(off, NB)], vb, sem)

        def wait_inputs(b, rb, cb, vb, sem):
            off = in_off(b)
            pltpu.make_async_copy(rows_hbm.at[pl.ds(off, NB)], rb, sem).wait()
            pltpu.make_async_copy(cols_hbm.at[pl.ds(off, NB)], cb, sem).wait()
            pltpu.make_async_copy(vals_hbm.at[pl.ds(off, NB)], vb, sem).wait()

        def compute_block(base, rb, cb, vb, ib, vb2):
            lanes = lax.iota(jnp.int32, 16)

            @plsc.parallel_loop(0, NB, step=16, unroll=4)
            def _(j):
                r = rb[pl.ds(j, 16)]
                c = cb[pl.ds(j, 16)]
                v = vb[pl.ds(j, 16)]
                flat = r * OUT_F + c
                loc = flat - base
                inb = (loc >= 0) & (loc < CHUNK)
                ib[pl.ds(j, 16)] = jnp.where(inb, loc, j * 16 + lanes)
                vb2[pl.ds(j, 16)] = jnp.where(
                    inb, v, jnp.zeros((16,), jnp.float32))

        def fire_scatter(ib, vb2, sem):
            return pltpu.async_copy(vb2, chunk.at[ib], sem, add=True)

        def drain_scatter(ib, vb2, sem):
            pltpu.make_async_copy(vb2, chunk.at[ib], sem).wait()

        def run_pass(base):
            wb = SLICE
            lax.fori_loop(0, ZCOPY // 16, zinit, 0)
            zcps = []
            zdone = 0
            while zdone < SLICE:
                zsz = min(ZCOPY, SLICE - zdone)
                zcps.append(pltpu.async_copy(
                    wb_a.at[pl.ds(0, zsz)],
                    chunk.at[pl.ds(sid * SLICE + zdone, zsz)],
                    sem_wb))
                zdone += zsz
            for cp in zcps:
                cp.wait()
            plsc.subcore_barrier()

            lanes0 = lax.iota(jnp.int32, 16)
            for sidx in (1, 2, 3):
                ibp, vbp, semp = scsets[sidx]

                def zs(i, carry, ibp=ibp, vbp=vbp):
                    ibp[pl.ds(i * 16, 16)] = i * 16 + lanes0
                    vbp[pl.ds(i * 16, 16)] = jnp.zeros((16,), jnp.float32)
                    return carry
                lax.fori_loop(0, NB // 16, zs, 0)
                fire_scatter(ibp, vbp, semp)
            issue_inputs(0, *insets[0])
            issue_inputs(1, *insets[1])

            def body(t, carry):
                b0 = 4 * t
                for i in range(4):
                    rb, cb, vb, semi = insets[i % 2]
                    ib, vb2, sems = scsets[i]
                    ib_old, vb2_old, sems_old = scsets[(i + 1) % 4]
                    wait_inputs(b0 + i, rb, cb, vb, semi)
                    drain_scatter(ib_old, vb2_old, sems_old)
                    compute_block(base, rb, cb, vb, ib, vb2)
                    fire_scatter(ib, vb2, sems)
                    issue_inputs(b0 + i + 2, rb, cb, vb, semi)
                return carry

            lax.fori_loop(0, NBLOCKS // 4, body, 0)
            for sidx in (1, 2, 3):
                ibp, vbp, semp = scsets[sidx]
                drain_scatter(ibp, vbp, semp)
            wait_inputs(NBLOCKS - 1, *insets[0])
            wait_inputs(NBLOCKS - 1, *insets[1])
            plsc.subcore_barrier()

            bufs = [wb_a, wb_b]
            pending = [None, None]
            done = 0
            i = 0
            while done < wb:
                sz = min(ZCOPY, wb - done)
                buf = bufs[i % 2]
                if pending[i % 2] is not None:
                    pending[i % 2].wait()
                pltpu.sync_copy(
                    chunk.at[pl.ds(sid * wb + done, sz)],
                    buf.at[pl.ds(0, sz)])
                pending[i % 2] = pltpu.async_copy(
                    buf.at[pl.ds(0, sz)],
                    w_hbm.at[pl.ds(base + sid * wb + done, sz)],
                    sem_wb)
                done += sz
                i += 1
            for cp in pending:
                if cp is not None:
                    cp.wait()

        def pass_body(p, carry):
            run_pass(cid * HALF + p * CHUNK)
            return carry

        lax.fori_loop(0, N_PASS, pass_body, 0)

    return scatter_kernel(rows, cols, vals)


def _matmul_body(x_ref, w_ref, b_ref, o_ref):
    o_ref[...] = (
        jnp.dot(x_ref[...], w_ref[...], preferred_element_type=jnp.float32)
        + b_ref[...]
    )


def _matmul(x, w, bias):
    batch = x.shape[0]
    return pl.pallas_call(
        _matmul_body,
        grid=(OUT_F // BN,),
        in_specs=[
            pl.BlockSpec((batch, IN_F), lambda j: (0, 0)),
            pl.BlockSpec((IN_F, BN), lambda j: (0, j)),
            pl.BlockSpec((1, BN), lambda j: (0, j)),
        ],
        out_specs=pl.BlockSpec((batch, BN), lambda j: (0, j)),
        out_shape=jax.ShapeDtypeStruct((batch, OUT_F), jnp.float32),
    )(x, w, bias[None, :])


def kernel(x, rows, cols, vals, bias):
    if x.ndim == 1:
        x = x[None, :]
    pad = NNZ_PAD - rows.shape[0]
    rows_p = jnp.concatenate([rows, jnp.zeros((pad,), rows.dtype)])
    cols_p = jnp.concatenate([cols, jnp.zeros((pad,), cols.dtype)])
    vals_p = jnp.concatenate([vals, jnp.zeros((pad,), vals.dtype)])
    w = _build_w_sc(rows_p, cols_p, vals_p)[:W_SIZE].reshape(IN_F, OUT_F)
    return _matmul(x, w, bias)

# --- scband reference (transcript-rebuilt; emitter-appended) ---
"""Pipeline reference for scband-sparse-linear-44135083933804 (READ-ONLY COPY).

The authoritative reference and input builder live on the scoring server;
editing this copy changes nothing except your own understanding.
"""

import jax, jax.numpy as jnp
import numpy as np

IN_FEATURES = 4096
OUT_FEATURES = 4096
SPARSITY = 0.9
BATCH = 512
NNZ = max(int(IN_FEATURES * OUT_FEATURES * (1.0 - SPARSITY)), 1)


def setup_inputs(seed: int = 0) -> dict:
    key = jax.random.key(seed)
    k1, k2, k3, k4 = jax.random.split(key, 4)
    x = jax.random.normal(k1, (BATCH, IN_FEATURES), dtype=jnp.float32)
    rows = jax.random.randint(k2, (NNZ,), 0, IN_FEATURES, dtype=jnp.int32)
    cols = jax.random.randint(k3, (NNZ,), 0, OUT_FEATURES, dtype=jnp.int32)
    vals = jax.random.normal(k4, (NNZ,), dtype=jnp.float32) * (1.0 / np.sqrt(IN_FEATURES))
    bias = jnp.zeros((OUT_FEATURES,), dtype=jnp.float32)
    return {"x": x, "rows": rows, "cols": cols, "vals": vals, "bias": bias}


def reference(x, rows, cols, vals, bias):
    # SparseLinear.forward: res = addmm(bias, x, W_sparse) where W (In, Out) is
    # a sparse matrix given by COO (rows, cols, vals). Coalescing duplicate
    # indices sums their values, which scatter-add reproduces exactly.
    if x.ndim == 1:
        x = x[None, :]
    W = jnp.zeros((IN_FEATURES, OUT_FEATURES), dtype=x.dtype).at[rows, cols].add(vals)
    res = x @ W + bias[None, :]
    return res

if __name__ == "__main__":
    import jax
    _d = setup_inputs()
    print(jax.jit(kernel)(*tuple(_d.values())))

</pallas_src>

<mosaic_0001>
#map = affine_map<(d0, d1) -> (0)>
module attributes {stable_mosaic.version = 14 : i64} {
  func.func @scatter_kernel(%arg0: i32, %arg1: i32, %arg2: memref<1703936xi32, #tpu.memory_space<hbm>>, %arg3: memref<1703936xi32, #tpu.memory_space<hbm>>, %arg4: memref<1703936xf32, #tpu.memory_space<hbm>>, %arg5: memref<16780288xf32, #tpu.memory_space<hbm>>, %arg6: memref<1024xi32, #tpu.memory_space<vmem>>, %arg7: memref<1024xi32, #tpu.memory_space<vmem>>, %arg8: memref<1024xf32, #tpu.memory_space<vmem>>, %arg9: memref<1024xi32, #tpu.memory_space<vmem>>, %arg10: memref<1024xi32, #tpu.memory_space<vmem>>, %arg11: memref<1024xf32, #tpu.memory_space<vmem>>, %arg12: memref<1024xi32, #tpu.memory_space<vmem>>, %arg13: memref<1024xf32, #tpu.memory_space<vmem>>, %arg14: memref<1024xi32, #tpu.memory_space<vmem>>, %arg15: memref<1024xf32, #tpu.memory_space<vmem>>, %arg16: memref<1024xi32, #tpu.memory_space<vmem>>, %arg17: memref<1024xf32, #tpu.memory_space<vmem>>, %arg18: memref<1024xi32, #tpu.memory_space<vmem>>, %arg19: memref<1024xf32, #tpu.memory_space<vmem>>, %arg20: memref<5712xf32, #tpu.memory_space<vmem>>, %arg21: memref<5712xf32, #tpu.memory_space<vmem>>, %arg22: memref<1678336xf32, #tpu.memory_space<vmem_shared>>, %arg23: memref<!tpu.dma_semaphore, #tpu.memory_space<semaphore_mem>>, %arg24: memref<!tpu.dma_semaphore, #tpu.memory_space<semaphore_mem>>, %arg25: memref<!tpu.dma_semaphore, #tpu.memory_space<semaphore_mem>>, %arg26: memref<!tpu.dma_semaphore, #tpu.memory_space<semaphore_mem>>, %arg27: memref<!tpu.dma_semaphore, #tpu.memory_space<semaphore_mem>>, %arg28: memref<!tpu.dma_semaphore, #tpu.memory_space<semaphore_mem>>, %arg29: memref<!tpu.dma_semaphore, #tpu.memory_space<semaphore_mem>>) attributes {dimension_semantics = [#tpu.dimension_semantics<core_parallel>, #tpu.dimension_semantics<subcore_parallel>], iteration_bounds = array<i64: 2, 16>, scalar_prefetch = 0 : i64, scratch_operands = 24 : i64, tpu.core_type = #tpu.core_type<sc_vector_subcore>, window_params = [{transform_indices = #map}, {transform_indices = #map}, {transform_indices = #map}, {transform_indices = #map}]} {
    %scan3A = arith.constant 0 : i32
    %scan3A_0 = arith.constant 0 : i32
    %scan3A_1 = arith.constant 5 : i32
    %scan3A_2 = arith.addi %scan3A_0, %scan3A_1 : i32
    %scan3A_3 = arith.constant 1 : i32
    scf.for %scan3A_5 = %scan3A_0 to %scan3A_2 step %scan3A_3  : i32 {
      %mul3A = arith.constant 8388608 : i32
      %mul3A_6 = arith.muli %arg0, %mul3A : i32
      %mul3A_7 = arith.constant 1678336 : i32
      %mul3A_8 = arith.muli %scan3A_5, %mul3A_7 : i32
      %add3A = arith.addi %mul3A_6, %mul3A_8 : i32
      %scan3A_9 = arith.constant 0 : i32
      %scan3A_10 = arith.constant 0 : i32
      %scan3A_11 = arith.constant 357 : i32
      %scan3A_12 = arith.addi %scan3A_10, %scan3A_11 : i32
      %scan3A_13 = arith.constant 1 : i32
      scf.for %scan3A_808 = %scan3A_10 to %scan3A_12 step %scan3A_13  : i32 {
        %broadcast_in_dim3A = arith.constant 0.000000e+00 : f32
        %broadcast_in_dim3A_809 = vector.broadcast %broadcast_in_dim3A : f32 to vector<16xf32>
        %mul3A_810 = arith.constant 16 : i32
        %mul3A_811 = arith.muli %scan3A_808, %mul3A_810 : i32
        %swap3A = arith.index_cast %mul3A_811 : i32 to index
        %swap3A_812 = tpu.vector_load %arg20[%swap3A] {strides = array<i32>} : memref<5712xf32, #tpu.memory_space<vmem>>, vector<16xf32>,
        %swap3A_813 = vector.shape_cast %swap3A_812 : vector<16xf32> to vector<16xf32>
        %swap3A_814 = vector.shape_cast %broadcast_in_dim3A_809 : vector<16xf32> to vector<16xf32>
        tpu.vector_store %arg20[%swap3A], %swap3A_814 {strides = array<i32>} : memref<5712xf32, #tpu.memory_space<vmem>>, vector<16xf32>,
      }
      %scan3A_14 = arith.constant 357 : i32
      %mul3A_15 = arith.constant 104896 : i32
      %mul3A_16 = arith.muli %arg1, %mul3A_15 : i32
      %add3A_17 = arith.constant 0 : i32
      %add3A_18 = arith.addi %mul3A_16, %add3A_17 : i32
      %dma_start3A = arith.constant 0 : i32
      %dma_start3A_19 = tpu.memref_slice %arg20[%dma_start3A] : memref<5712xf32, #tpu.memory_space<vmem>> -> memref<5712xf32, #tpu.memory_space<vmem>>
      %dma_start3A_20 = tpu.memref_slice %arg22[%add3A_18] : memref<1678336xf32, #tpu.memory_space<vmem_shared>> -> memref<5712xf32, #tpu.memory_space<vmem_shared>>
      %dma_start3A_21 = tpu.memref_slice %arg22[%add3A_18] : memref<1678336xf32, #tpu.memory_space<vmem_shared>> -> memref<5712xf32, #tpu.memory_space<vmem_shared>>
      %dma_start3A_22 = arith.constant 0 : i32
      %dma_start3A_23 = tpu.memref_slice %arg20[%dma_start3A_22] : memref<5712xf32, #tpu.memory_space<vmem>> -> memref<5712xf32, #tpu.memory_space<vmem>>
      tpu.enqueue_dma source(%dma_start3A_23 : memref<5712xf32, #tpu.memory_space<vmem>>) target(%dma_start3A_21 : memref<5712xf32, #tpu.memory_space<vmem_shared>>) target_semaphore(%arg29 : memref<!tpu.dma_semaphore, #tpu.memory_space<semaphore_mem>>)
      %mul3A_24 = arith.constant 104896 : i32
      %mul3A_25 = arith.muli %arg1, %mul3A_24 : i32
      %add3A_26 = arith.constant 5712 : i32
      %add3A_27 = arith.addi %mul3A_25, %add3A_26 : i32
      %dma_start3A_28 = arith.constant 0 : i32
      %dma_start3A_29 = tpu.memref_slice %arg20[%dma_start3A_28] : memref<5712xf32, #tpu.memory_space<vmem>> -> memref<5712xf32, #tpu.memory_space<vmem>>
      %dma_start3A_30 = tpu.memref_slice %arg22[%add3A_27] : memref<1678336xf32, #tpu.memory_space<vmem_shared>> -> memref<5712xf32, #tpu.memory_space<vmem_shared>>
      %dma_start3A_31 = tpu.memref_slice %arg22[%add3A_27] : memref<1678336xf32, #tpu.memory_space<vmem_shared>> -> memref<5712xf32, #tpu.memory_space<vmem_shared>>
      %dma_start3A_32 = arith.constant 0 : i32
      %dma_start3A_33 = tpu.memref_slice %arg20[%dma_start3A_32] : memref<5712xf32, #tpu.memory_space<vmem>> -> memref<5712xf32, #tpu.memory_space<vmem>>
      tpu.enqueue_dma source(%dma_start3A_33 : memref<5712xf32, #tpu.memory_space<vmem>>) target(%dma_start3A_31 : memref<5712xf32, #tpu.memory_space<vmem_shared>>) target_semaphore(%arg29 : memref<!tpu.dma_semaphore, #tpu.memory_space<semaphore_mem>>)
      %mul3A_34 = arith.constant 104896 : i32
      %mul3A_35 = arith.muli %arg1, %mul3A_34 : i32
      %add3A_36 = arith.constant 11424 : i32
      %add3A_37 = arith.addi %mul3A_35, %add3A_36 : i32
      %dma_start3A_38 = arith.constant 0 : i32
      %dma_start3A_39 = tpu.memref_slice %arg20[%dma_start3A_38] : memref<5712xf32, #tpu.memory_space<vmem>> -> memref<5712xf32, #tpu.memory_space<vmem>>
      %dma_start3A_40 = tpu.memref_slice %arg22[%add3A_37] : memref<1678336xf32, #tpu.memory_space<vmem_shared>> -> memref<5712xf32, #tpu.memory_space<vmem_shared>>
      %dma_start3A_41 = tpu.memref_slice %arg22[%add3A_37] : memref<1678336xf32, #tpu.memory_space<vmem_shared>> -> memref<5712xf32, #tpu.memory_space<vmem_shared>>
      %dma_start3A_42 = arith.constant 0 : i32
      %dma_start3A_43 = tpu.memref_slice %arg20[%dma_start3A_42] : memref<5712xf32, #tpu.memory_space<vmem>> -> memref<5712xf32, #tpu.memory_space<vmem>>
      tpu.enqueue_dma source(%dma_start3A_43 : memref<5712xf32, #tpu.memory_space<vmem>>) target(%dma_start3A_41 : memref<5712xf32, #tpu.memory_space<vmem_shared>>) target_semaphore(%arg29 : memref<!tpu.dma_semaphore, #tpu.memory_space<semaphore_mem>>)
      %mul3A_44 = arith.constant 104896 : i32
      %mul3A_45 = arith.muli %arg1, %mul3A_44 : i32
      %add3A_46 = arith.constant 17136 : i32
      %add3A_47 = arith.addi %mul3A_45, %add3A_46 : i32
      %dma_start3A_48 = arith.constant 0 : i32
      %dma_start3A_49 = tpu.memref_slice %arg20[%dma_start3A_48] : memref<5712xf32, #tpu.memory_space<vmem>> -> memref<5712xf32, #tpu.memory_space<vmem>>
      %dma_start3A_50 = tpu.memref_slice %arg22[%add3A_47] : memref<1678336xf32, #tpu.memory_space<vmem_shared>> -> memref<5712xf32, #tpu.memory_space<vmem_shared>>
      %dma_start3A_51 = tpu.memref_slice %arg22[%add3A_47] : memref<1678336xf32, #tpu.memory_space<vmem_shared>> -> memref<5712xf32, #tpu.memory_space<vmem_shared>>
      %dma_start3A_52 = arith.constant 0 : i32
      %dma_start3A_53 = tpu.memref_slice %arg20[%dma_start3A_52] : memref<5712xf32, #tpu.memory_space<vmem>> -> memref<5712xf32, #tpu.memory_space<vmem>>
      tpu.enqueue_dma source(%dma_start3A_53 : memref<5712xf32, #tpu.memory_space<vmem>>) target(%dma_start3A_51 : memref<5712xf32, #tpu.memory_space<vmem_shared>>) target_semaphore(%arg29 : memref<!tpu.dma_semaphore, #tpu.memory_space<semaphore_mem>>)
      %mul3A_54 = arith.constant 104896 : i32
      %mul3A_55 = arith.muli %arg1, %mul3A_54 : i32
      %add3A_56 = arith.constant 22848 : i32
      %add3A_57 = arith.addi %mul3A_55, %add3A_56 : i32
      %dma_start3A_58 = arith.constant 0 : i32
      %dma_start3A_59 = tpu.memref_slice %arg20[%dma_start3A_58] : memref<5712xf32, #tpu.memory_space<vmem>> -> memref<5712xf32, #tpu.memory_space<vmem>>
      %dma_start3A_60 = tpu.memref_slice %arg22[%add3A_57] : memref<1678336xf32, #tpu.memory_space<vmem_shared>> -> memref<5712xf32, #tpu.memory_space<vmem_shared>>
      %dma_start3A_61 = tpu.memref_slice %arg22[%add3A_57] : memref<1678336xf32, #tpu.memory_space<vmem_shared>> -> memref<5712xf32, #tpu.memory_space<vmem_shared>>
      %dma_start3A_62 = arith.constant 0 : i32
      %dma_start3A_63 = tpu.memref_slice %arg20[%dma_start3A_62] : memref<5712xf32, #tpu.memory_space<vmem>> -> memref<5712xf32, #tpu.memory_space<vmem>>
      tpu.enqueue_dma source(%dma_start3A_63 : memref<5712xf32, #tpu.memory_space<vmem>>) target(%dma_start3A_61 : memref<5712xf32, #tpu.memory_space<vmem_shared>>) target_semaphore(%arg29 : memref<!tpu.dma_semaphore, #tpu.memory_space<semaphore_mem>>)
      %mul3A_64 = arith.constant 104896 : i32
      %mul3A_65 = arith.muli %arg1, %mul3A_64 : i32
      %add3A_66 = arith.constant 28560 : i32
      %add3A_67 = arith.addi %mul3A_65, %add3A_66 : i32
      %dma_start3A_68 = arith.constant 0 : i32
      %dma_start3A_69 = tpu.memref_slice %arg20[%dma_start3A_68] : memref<5712xf32, #tpu.memory_space<vmem>> -> memref<5712xf32, #tpu.memory_space<vmem>>
      %dma_start3A_70 = tpu.memref_slice %arg22[%add3A_67] : memref<1678336xf32, #tpu.memory_space<vmem_shared>> -> memref<5712xf32, #tpu.memory_space<vmem_shared>>
      %dma_start3A_71 = tpu.memref_slice %arg22[%add3A_67] : memref<1678336xf32, #tpu.memory_space<vmem_shared>> -> memref<5712xf32, #tpu.memory_space<vmem_shared>>
      %dma_start3A_72 = arith.constant 0 : i32
      %dma_start3A_73 = tpu.memref_slice %arg20[%dma_start3A_72] : memref<5712xf32, #tpu.memory_space<vmem>> -> memref<5712xf32, #tpu.memory_space<vmem>>
      tpu.enqueue_dma source(%dma_start3A_73 : memref<5712xf32, #tpu.memory_space<vmem>>) target(%dma_start3A_71 : memref<5712xf32, #tpu.memory_space<vmem_shared>>) target_semaphore(%arg29 : memref<!tpu.dma_semaphore, #tpu.memory_space<semaphore_mem>>)
      %mul3A_74 = arith.constant 104896 : i32
      %mul3A_75 = arith.muli %arg1, %mul3A_74 : i32
      %add3A_76 = arith.constant 34272 : i32
      %add3A_77 = arith.addi %mul3A_75, %add3A_76 : i32
      %dma_start3A_78 = arith.constant 0 : i32
      %dma_start3A_79 = tpu.memref_slice %arg20[%dma_start3A_78] : memref<5712xf32, #tpu.memory_space<vmem>> -> memref<5712xf32, #tpu.memory_space<vmem>>
      %dma_start3A_80 = tpu.memref_slice %arg22[%add3A_77] : memref<1678336xf32, #tpu.memory_space<vmem_shared>> -> memref<5712xf32, #tpu.memory_space<vmem_shared>>
      %dma_start3A_81 = tpu.memref_slice %arg22[%add3A_77] : memref<1678336xf32, #tpu.memory_space<vmem_shared>> -> memref<5712xf32, #tpu.memory_space<vmem_shared>>
      %dma_start3A_82 = arith.constant 0 : i32
      %dma_start3A_83 = tpu.memref_slice %arg20[%dma_start3A_82] : memref<5712xf32, #tpu.memory_space<vmem>> -> memref<5712xf32, #tpu.memory_space<vmem>>
      tpu.enqueue_dma source(%dma_start3A_83 : memref<5712xf32, #tpu.memory_space<vmem>>) target(%dma_start3A_81 : memref<5712xf32, #tpu.memory_space<vmem_shared>>) target_semaphore(%arg29 : memref<!tpu.dma_semaphore, #tpu.memory_space<semaphore_mem>>)
      %mul3A_84 = arith.constant 104896 : i32
      %mul3A_85 = arith.muli %arg1, %mul3A_84 : i32
      %add3A_86 = arith.constant 39984 : i32
      %add3A_87 = arith.addi %mul3A_85, %add3A_86 : i32
      %dma_start3A_88 = arith.constant 0 : i32
      %dma_start3A_89 = tpu.memref_slice %arg20[%dma_start3A_88] : memref<5712xf32, #tpu.memory_space<vmem>> -> memref<5712xf32, #tpu.memory_space<vmem>>
      %dma_start3A_90 = tpu.memref_slice %arg22[%add3A_87] : memref<1678336xf32, #tpu.memory_space<vmem_shared>> -> memref<5712xf32, #tpu.memory_space<vmem_shared>>
      %dma_start3A_91 = tpu.memref_slice %arg22[%add3A_87] : memref<1678336xf32, #tpu.memory_space<vmem_shared>> -> memref<5712xf32, #tpu.memory_space<vmem_shared>>
      %dma_start3A_92 = arith.constant 0 : i32
      %dma_start3A_93 = tpu.memref_slice %arg20[%dma_start3A_92] : memref<5712xf32, #tpu.memory_space<vmem>> -> memref<5712xf32, #tpu.memory_space<vmem>>
      tpu.enqueue_dma source(%dma_start3A_93 : memref<5712xf32, #tpu.memory_space<vmem>>) target(%dma_start3A_91 : memref<5712xf32, #tpu.memory_space<vmem_shared>>) target_semaphore(%arg29 : memref<!tpu.dma_semaphore, #tpu.memory_space<semaphore_mem>>)
      %mul3A_94 = arith.constant 104896 : i32
      %mul3A_95 = arith.muli %arg1, %mul3A_94 : i32
      %add3A_96 = arith.constant 45696 : i32
      %add3A_97 = arith.addi %mul3A_95, %add3A_96 : i32
      %dma_start3A_98 = arith.constant 0 : i32
      %dma_start3A_99 = tpu.memref_slice %arg20[%dma_start3A_98] : memref<5712xf32, #tpu.memory_space<vmem>> -> memref<5712xf32, #tpu.memory_space<vmem>>
      %dma_start3A_100 = tpu.memref_slice %arg22[%add3A_97] : memref<1678336xf32, #tpu.memory_space<vmem_shared>> -> memref<5712xf32, #tpu.memory_space<vmem_shared>>
      %dma_start3A_101 = tpu.memref_slice %arg22[%add3A_97] : memref<1678336xf32, #tpu.memory_space<vmem_shared>> -> memref<5712xf32, #tpu.memory_space<vmem_shared>>
      %dma_start3A_102 = arith.constant 0 : i32
      %dma_start3A_103 = tpu.memref_slice %arg20[%dma_start3A_102] : memref<5712xf32, #tpu.memory_space<vmem>> -> memref<5712xf32, #tpu.memory_space<vmem>>
      tpu.enqueue_dma source(%dma_start3A_103 : memref<5712xf32, #tpu.memory_space<vmem>>) target(%dma_start3A_101 : memref<5712xf32, #tpu.memory_space<vmem_shared>>) target_semaphore(%arg29 : memref<!tpu.dma_semaphore, #tpu.memory_space<semaphore_mem>>)
      %mul3A_104 = arith.constant 104896 : i32
      %mul3A_105 = arith.muli %arg1, %mul3A_104 : i32
      %add3A_106 = arith.constant 51408 : i32
      %add3A_107 = arith.addi %mul3A_105, %add3A_106 : i32
      %dma_start3A_108 = arith.constant 0 : i32
      %dma_start3A_109 = tpu.memref_slice %arg20[%dma_start3A_108] : memref<5712xf32, #tpu.memory_space<vmem>> -> memref<5712xf32, #tpu.memory_space<vmem>>
      %dma_start3A_110 = tpu.memref_slice %arg22[%add3A_107] : memref<1678336xf32, #tpu.memory_space<vmem_shared>> -> memref<5712xf32, #tpu.memory_space<vmem_shared>>
      %dma_start3A_111 = tpu.memref_slice %arg22[%add3A_107] : memref<1678336xf32, #tpu.memory_space<vmem_shared>> -> memref<5712xf32, #tpu.memory_space<vmem_shared>>
      %dma_start3A_112 = arith.constant 0 : i32
      %dma_start3A_113 = tpu.memref_slice %arg20[%dma_start3A_112] : memref<5712xf32, #tpu.memory_space<vmem>> -> memref<5712xf32, #tpu.memory_space<vmem>>
      tpu.enqueue_dma source(%dma_start3A_113 : memref<5712xf32, #tpu.memory_space<vmem>>) target(%dma_start3A_111 : memref<5712xf32, #tpu.memory_space<vmem_shared>>) target_semaphore(%arg29 : memref<!tpu.dma_semaphore, #tpu.memory_space<semaphore_mem>>)
      %mul3A_114 = arith.constant 104896 : i32
      %mul3A_115 = arith.muli %arg1, %mul3A_114 : i32
      %add3A_116 = arith.constant 57120 : i32
      %add3A_117 = arith.addi %mul3A_115, %add3A_116 : i32
      %dma_start3A_118 = arith.constant 0 : i32
      %dma_start3A_119 = tpu.memref_slice %arg20[%dma_start3A_118] : memref<5712xf32, #tpu.memory_space<vmem>> -> memref<5712xf32, #tpu.memory_space<vmem>>
      %dma_start3A_120 = tpu.memref_slice %arg22[%add3A_117] : memref<1678336xf32, #tpu.memory_space<vmem_shared>> -> memref<5712xf32, #tpu.memory_space<vmem_shared>>
      %dma_start3A_121 = tpu.memref_slice %arg22[%add3A_117] : memref<1678336xf32, #tpu.memory_space<vmem_shared>> -> memref<5712xf32, #tpu.memory_space<vmem_shared>>
      %dma_start3A_122 = arith.constant 0 : i32
      %dma_start3A_123 = tpu.memref_slice %arg20[%dma_start3A_122] : memref<5712xf32, #tpu.memory_space<vmem>> -> memref<5712xf32, #tpu.memory_space<vmem>>
      tpu.enqueue_dma source(%dma_start3A_123 : memref<5712xf32, #tpu.memory_space<vmem>>) target(%dma_start3A_121 : memref<5712xf32, #tpu.memory_space<vmem_shared>>) target_semaphore(%arg29 : memref<!tpu.dma_semaphore, #tpu.memory_space<semaphore_mem>>)
      %mul3A_124 = arith.constant 104896 : i32
      %mul3A_125 = arith.muli %arg1, %mul3A_124 : i32
      %add3A_126 = arith.constant 62832 : i32
      %add3A_127 = arith.addi %mul3A_125, %add3A_126 : i32
      %dma_start3A_128 = arith.constant 0 : i32
      %dma_start3A_129 = tpu.memref_slice %arg20[%dma_start3A_128] : memref<5712xf32, #tpu.memory_space<vmem>> -> memref<5712xf32, #tpu.memory_space<vmem>>
      %dma_start3A_130 = tpu.memref_slice %arg22[%add3A_127] : memref<1678336xf32, #tpu.memory_space<vmem_shared>> -> memref<5712xf32, #tpu.memory_space<vmem_shared>>
      %dma_start3A_131 = tpu.memref_slice %arg22[%add3A_127] : memref<1678336xf32, #tpu.memory_space<vmem_shared>> -> memref<5712xf32, #tpu.memory_space<vmem_shared>>
      %dma_start3A_132 = arith.constant 0 : i32
      %dma_start3A_133 = tpu.memref_slice %arg20[%dma_start3A_132] : memref<5712xf32, #tpu.memory_space<vmem>> -> memref<5712xf32, #tpu.memory_space<vmem>>
      tpu.enqueue_dma source(%dma_start3A_133 : memref<5712xf32, #tpu.memory_space<vmem>>) target(%dma_start3A_131 : memref<5712xf32, #tpu.memory_space<vmem_shared>>) target_semaphore(%arg29 : memref<!tpu.dma_semaphore, #tpu.memory_space<semaphore_mem>>)
      %mul3A_134 = arith.constant 104896 : i32
      %mul3A_135 = arith.muli %arg1, %mul3A_134 : i32
      %add3A_136 = arith.constant 68544 : i32
      %add3A_137 = arith.addi %mul3A_135, %add3A_136 : i32
      %dma_start3A_138 = arith.constant 0 : i32
      %dma_start3A_139 = tpu.memref_slice %arg20[%dma_start3A_138] : memref<5712xf32, #tpu.memory_space<vmem>> -> memref<5712xf32, #tpu.memory_space<vmem>>
      %dma_start3A_140 = tpu.memref_slice %arg22[%add3A_137] : memref<1678336xf32, #tpu.memory_space<vmem_shared>> -> memref<5712xf32, #tpu.memory_space<vmem_shared>>
      %dma_start3A_141 = tpu.memref_slice %arg22[%add3A_137] : memref<1678336xf32, #tpu.memory_space<vmem_shared>> -> memref<5712xf32, #tpu.memory_space<vmem_shared>>
      %dma_start3A_142 = arith.constant 0 : i32
      %dma_start3A_143 = tpu.memref_slice %arg20[%dma_start3A_142] : memref<5712xf32, #tpu.memory_space<vmem>> -> memref<5712xf32, #tpu.memory_space<vmem>>
      tpu.enqueue_dma source(%dma_start3A_143 : memref<5712xf32, #tpu.memory_space<vmem>>) target(%dma_start3A_141 : memref<5712xf32, #tpu.memory_space<vmem_shared>>) target_semaphore(%arg29 : memref<!tpu.dma_semaphore, #tpu.memory_space<semaphore_mem>>)
      %mul3A_144 = arith.constant 104896 : i32
      %mul3A_145 = arith.muli %arg1, %mul3A_144 : i32
      %add3A_146 = arith.constant 74256 : i32
      %add3A_147 = arith.addi %mul3A_145, %add3A_146 : i32
      %dma_start3A_148 = arith.constant 0 : i32
      %dma_start3A_149 = tpu.memref_slice %arg20[%dma_start3A_148] : memref<5712xf32, #tpu.memory_space<vmem>> -> memref<5712xf32, #tpu.memory_space<vmem>>
      %dma_start3A_150 = tpu.memref_slice %arg22[%add3A_147] : memref<1678336xf32, #tpu.memory_space<vmem_shared>> -> memref<5712xf32, #tpu.memory_space<vmem_shared>>
      %dma_start3A_151 = tpu.memref_slice %arg22[%add3A_147] : memref<1678336xf32, #tpu.memory_space<vmem_shared>> -> memref<5712xf32, #tpu.memory_space<vmem_shared>>
      %dma_start3A_152 = arith.constant 0 : i32
      %dma_start3A_153 = tpu.memref_slice %arg20[%dma_start3A_152] : memref<5712xf32, #tpu.memory_space<vmem>> -> memref<5712xf32, #tpu.memory_space<vmem>>
      tpu.enqueue_dma source(%dma_start3A_153 : memref<5712xf32, #tpu.memory_space<vmem>>) target(%dma_start3A_151 : memref<5712xf32, #tpu.memory_space<vmem_shared>>) target_semaphore(%arg29 : memref<!tpu.dma_semaphore, #tpu.memory_space<semaphore_mem>>)
      %mul3A_154 = arith.constant 104896 : i32
      %mul3A_155 = arith.muli %arg1, %mul3A_154 : i32
      %add3A_156 = arith.constant 79968 : i32
      %add3A_157 = arith.addi %mul3A_155, %add3A_156 : i32
      %dma_start3A_158 = arith.constant 0 : i32
      %dma_start3A_159 = tpu.memref_slice %arg20[%dma_start3A_158] : memref<5712xf32, #tpu.memory_space<vmem>> -> memref<5712xf32, #tpu.memory_space<vmem>>
      %dma_start3A_160 = tpu.memref_slice %arg22[%add3A_157] : memref<1678336xf32, #tpu.memory_space<vmem_shared>> -> memref<5712xf32, #tpu.memory_space<vmem_shared>>
      %dma_start3A_161 = tpu.memref_slice %arg22[%add3A_157] : memref<1678336xf32, #tpu.memory_space<vmem_shared>> -> memref<5712xf32, #tpu.memory_space<vmem_shared>>
      %dma_start3A_162 = arith.constant 0 : i32
      %dma_start3A_163 = tpu.memref_slice %arg20[%dma_start3A_162] : memref<5712xf32, #tpu.memory_space<vmem>> -> memref<5712xf32, #tpu.memory_space<vmem>>
      tpu.enqueue_dma source(%dma_start3A_163 : memref<5712xf32, #tpu.memory_space<vmem>>) target(%dma_start3A_161 : memref<5712xf32, #tpu.memory_space<vmem_shared>>) target_semaphore(%arg29 : memref<!tpu.dma_semaphore, #tpu.memory_space<semaphore_mem>>)
      %mul3A_164 = arith.constant 104896 : i32
      %mul3A_165 = arith.muli %arg1, %mul3A_164 : i32
      %add3A_166 = arith.constant 85680 : i32
      %add3A_167 = arith.addi %mul3A_165, %add3A_166 : i32
      %dma_start3A_168 = arith.constant 0 : i32
      %dma_start3A_169 = tpu.memref_slice %arg20[%dma_start3A_168] : memref<5712xf32, #tpu.memory_space<vmem>> -> memref<5712xf32, #tpu.memory_space<vmem>>
      %dma_start3A_170 = tpu.memref_slice %arg22[%add3A_167] : memref<1678336xf32, #tpu.memory_space<vmem_shared>> -> memref<5712xf32, #tpu.memory_space<vmem_shared>>
      %dma_start3A_171 = tpu.memref_slice %arg22[%add3A_167] : memref<1678336xf32, #tpu.memory_space<vmem_shared>> -> memref<5712xf32, #tpu.memory_space<vmem_shared>>
      %dma_start3A_172 = arith.constant 0 : i32
      %dma_start3A_173 = tpu.memref_slice %arg20[%dma_start3A_172] : memref<5712xf32, #tpu.memory_space<vmem>> -> memref<5712xf32, #tpu.memory_space<vmem>>
      tpu.enqueue_dma source(%dma_start3A_173 : memref<5712xf32, #tpu.memory_space<vmem>>) target(%dma_start3A_171 : memref<5712xf32, #tpu.memory_space<vmem_shared>>) target_semaphore(%arg29 : memref<!tpu.dma_semaphore, #tpu.memory_space<semaphore_mem>>)
      %mul3A_174 = arith.constant 104896 : i32
      %mul3A_175 = arith.muli %arg1, %mul3A_174 : i32
      %add3A_176 = arith.constant 91392 : i32
      %add3A_177 = arith.addi %mul3A_175, %add3A_176 : i32
      %dma_start3A_178 = arith.constant 0 : i32
      %dma_start3A_179 = tpu.memref_slice %arg20[%dma_start3A_178] : memref<5712xf32, #tpu.memory_space<vmem>> -> memref<5712xf32, #tpu.memory_space<vmem>>
      %dma_start3A_180 = tpu.memref_slice %arg22[%add3A_177] : memref<1678336xf32, #tpu.memory_space<vmem_shared>> -> memref<5712xf32, #tpu.memory_space<vmem_shared>>
      %dma_start3A_181 = tpu.memref_slice %arg22[%add3A_177] : memref<1678336xf32, #tpu.memory_space<vmem_shared>> -> memref<5712xf32, #tpu.memory_space<vmem_shared>>
      %dma_start3A_182 = arith.constant 0 : i32
      %dma_start3A_183 = tpu.memref_slice %arg20[%dma_start3A_182] : memref<5712xf32, #tpu.memory_space<vmem>> -> memref<5712xf32, #tpu.memory_space<vmem>>
      tpu.enqueue_dma source(%dma_start3A_183 : memref<5712xf32, #tpu.memory_space<vmem>>) target(%dma_start3A_181 : memref<5712xf32, #tpu.memory_space<vmem_shared>>) target_semaphore(%arg29 : memref<!tpu.dma_semaphore, #tpu.memory_space<semaphore_mem>>)
      %mul3A_184 = arith.constant 104896 : i32
      %mul3A_185 = arith.muli %arg1, %mul3A_184 : i32
      %add3A_186 = arith.constant 97104 : i32
      %add3A_187 = arith.addi %mul3A_185, %add3A_186 : i32
      %dma_start3A_188 = arith.constant 0 : i32
      %dma_start3A_189 = tpu.memref_slice %arg20[%dma_start3A_188] : memref<5712xf32, #tpu.memory_space<vmem>> -> memref<5712xf32, #tpu.memory_space<vmem>>
      %dma_start3A_190 = tpu.memref_slice %arg22[%add3A_187] : memref<1678336xf32, #tpu.memory_space<vmem_shared>> -> memref<5712xf32, #tpu.memory_space<vmem_shared>>
      %dma_start3A_191 = tpu.memref_slice %arg22[%add3A_187] : memref<1678336xf32, #tpu.memory_space<vmem_shared>> -> memref<5712xf32, #tpu.memory_space<vmem_shared>>
      %dma_start3A_192 = arith.constant 0 : i32
      %dma_start3A_193 = tpu.memref_slice %arg20[%dma_start3A_192] : memref<5712xf32, #tpu.memory_space<vmem>> -> memref<5712xf32, #tpu.memory_space<vmem>>
      tpu.enqueue_dma source(%dma_start3A_193 : memref<5712xf32, #tpu.memory_space<vmem>>) target(%dma_start3A_191 : memref<5712xf32, #tpu.memory_space<vmem_shared>>) target_semaphore(%arg29 : memref<!tpu.dma_semaphore, #tpu.memory_space<semaphore_mem>>)
      %mul3A_194 = arith.constant 104896 : i32
      %mul3A_195 = arith.muli %arg1, %mul3A_194 : i32
      %add3A_196 = arith.constant 102816 : i32
      %add3A_197 = arith.addi %mul3A_195, %add3A_196 : i32
      %dma_start3A_198 = arith.constant 0 : i32
      %dma_start3A_199 = tpu.memref_slice %arg20[%dma_start3A_198] : memref<5712xf32, #tpu.memory_space<vmem>> -> memref<2080xf32, #tpu.memory_space<vmem>>
      %dma_start3A_200 = tpu.memref_slice %arg22[%add3A_197] : memref<1678336xf32, #tpu.memory_space<vmem_shared>> -> memref<2080xf32, #tpu.memory_space<vmem_shared>>
      %dma_start3A_201 = tpu.memref_slice %arg22[%add3A_197] : memref<1678336xf32, #tpu.memory_space<vmem_shared>> -> memref<2080xf32, #tpu.memory_space<vmem_shared>>
      %dma_start3A_202 = arith.constant 0 : i32
      %dma_start3A_203 = tpu.memref_slice %arg20[%dma_start3A_202] : memref<5712xf32, #tpu.memory_space<vmem>> -> memref<2080xf32, #tpu.memory_space<vmem>>
      tpu.enqueue_dma source(%dma_start3A_203 : memref<2080xf32, #tpu.memory_space<vmem>>) target(%dma_start3A_201 : memref<2080xf32, #tpu.memory_space<vmem_shared>>) target_semaphore(%arg29 : memref<!tpu.dma_semaphore, #tpu.memory_space<semaphore_mem>>)
      %dma_wait3A = arith.constant 0 : i32
      %dma_wait3A_204 = tpu.memref_slice %arg20[%dma_wait3A] : memref<5712xf32, #tpu.memory_space<vmem>> -> memref<5712xf32, #tpu.memory_space<vmem>>
      %dma_wait3A_205 = tpu.memref_slice %arg22[%add3A_18] : memref<1678336xf32, #tpu.memory_space<vmem_shared>> -> memref<5712xf32, #tpu.memory_space<vmem_shared>>
      %dma_wait3A_206 = tpu.memref_slice %arg22[%add3A_18] : memref<1678336xf32, #tpu.memory_space<vmem_shared>> -> memref<5712xf32, #tpu.memory_space<vmem_shared>>
      %dma_wait3A_207 = arith.constant 0 : i32
      %dma_wait3A_208 = tpu.memref_slice %arg20[%dma_wait3A_207] : memref<5712xf32, #tpu.memory_space<vmem>> -> memref<5712xf32, #tpu.memory_space<vmem>>
      tpu.wait_dma2 semaphore(%arg29 : memref<!tpu.dma_semaphore, #tpu.memory_space<semaphore_mem>>) src(%dma_wait3A_208 : memref<5712xf32, #tpu.memory_space<vmem>>) dst(%dma_wait3A_206 : memref<5712xf32, #tpu.memory_space<vmem_shared>>)
      %dma_wait3A_209 = arith.constant 0 : i32
      %dma_wait3A_210 = tpu.memref_slice %arg20[%dma_wait3A_209] : memref<5712xf32, #tpu.memory_space<vmem>> -> memref<5712xf32, #tpu.memory_space<vmem>>
      %dma_wait3A_211 = tpu.memref_slice %arg22[%add3A_27] : memref<1678336xf32, #tpu.memory_space<vmem_shared>> -> memref<5712xf32, #tpu.memory_space<vmem_shared>>
      %dma_wait3A_212 = tpu.memref_slice %arg22[%add3A_27] : memref<1678336xf32, #tpu.memory_space<vmem_shared>> -> memref<5712xf32, #tpu.memory_space<vmem_shared>>
      %dma_wait3A_213 = arith.constant 0 : i32
      %dma_wait3A_214 = tpu.memref_slice %arg20[%dma_wait3A_213] : memref<5712xf32, #tpu.memory_space<vmem>> -> memref<5712xf32, #tpu.memory_space<vmem>>
      tpu.wait_dma2 semaphore(%arg29 : memref<!tpu.dma_semaphore, #tpu.memory_space<semaphore_mem>>) src(%dma_wait3A_214 : memref<5712xf32, #tpu.memory_space<vmem>>) dst(%dma_wait3A_212 : memref<5712xf32, #tpu.memory_space<vmem_shared>>)
      %dma_wait3A_215 = arith.constant 0 : i32
      %dma_wait3A_216 = tpu.memref_slice %arg20[%dma_wait3A_215] : memref<5712xf32, #tpu.memory_space<vmem>> -> memref<5712xf32, #tpu.memory_space<vmem>>
      %dma_wait3A_217 = tpu.memref_slice %arg22[%add3A_37] : memref<1678336xf32, #tpu.memory_space<vmem_shared>> -> memref<5712xf32, #tpu.memory_space<vmem_shared>>
      %dma_wait3A_218 = tpu.memref_slice %arg22[%add3A_37] : memref<1678336xf32, #tpu.memory_space<vmem_shared>> -> memref<5712xf32, #tpu.memory_space<vmem_shared>>
      %dma_wait3A_219 = arith.constant 0 : i32
      %dma_wait3A_220 = tpu.memref_slice %arg20[%dma_wait3A_219] : memref<5712xf32, #tpu.memory_space<vmem>> -> memref<5712xf32, #tpu.memory_space<vmem>>
      tpu.wait_dma2 semaphore(%arg29 : memref<!tpu.dma_semaphore, #tpu.memory_space<semaphore_mem>>) src(%dma_wait3A_220 : memref<5712xf32, #tpu.memory_space<vmem>>) dst(%dma_wait3A_218 : memref<5712xf32, #tpu.memory_space<vmem_shared>>)
      %dma_wait3A_221 = arith.constant 0 : i32
      %dma_wait3A_222 = tpu.memref_slice %arg20[%dma_wait3A_221] : memref<5712xf32, #tpu.memory_space<vmem>> -> memref<5712xf32, #tpu.memory_space<vmem>>
      %dma_wait3A_223 = tpu.memref_slice %arg22[%add3A_47] : memref<1678336xf32, #tpu.memory_space<vmem_shared>> -> memref<5712xf32, #tpu.memory_space<vmem_shared>>
      %dma_wait3A_224 = tpu.memref_slice %arg22[%add3A_47] : memref<1678336xf32, #tpu.memory_space<vmem_shared>> -> memref<5712xf32, #tpu.memory_space<vmem_shared>>
      %dma_wait3A_225 = arith.constant 0 : i32
      %dma_wait3A_226 = tpu.memref_slice %arg20[%dma_wait3A_225] : memref<5712xf32, #tpu.memory_space<vmem>> -> memref<5712xf32, #tpu.memory_space<vmem>>
      tpu.wait_dma2 semaphore(%arg29 : memref<!tpu.dma_semaphore, #tpu.memory_space<semaphore_mem>>) src(%dma_wait3A_226 : memref<5712xf32, #tpu.memory_space<vmem>>) dst(%dma_wait3A_224 : memref<5712xf32, #tpu.memory_space<vmem_shared>>)
      %dma_wait3A_227 = arith.constant 0 : i32
      %dma_wait3A_228 = tpu.memref_slice %arg20[%dma_wait3A_227] : memref<5712xf32, #tpu.memory_space<vmem>> -> memref<5712xf32, #tpu.memory_space<vmem>>
      %dma_wait3A_229 = tpu.memref_slice %arg22[%add3A_57] : memref<1678336xf32, #tpu.memory_space<vmem_shared>> -> memref<5712xf32, #tpu.memory_space<vmem_shared>>
      %dma_wait3A_230 = tpu.memref_slice %arg22[%add3A_57] : memref<1678336xf32, #tpu.memory_space<vmem_shared>> -> memref<5712xf32, #tpu.memory_space<vmem_shared>>
      %dma_wait3A_231 = arith.constant 0 : i32
      %dma_wait3A_232 = tpu.memref_slice %arg20[%dma_wait3A_231] : memref<5712xf32, #tpu.memory_space<vmem>> -> memref<5712xf32, #tpu.memory_space<vmem>>
      tpu.wait_dma2 semaphore(%arg29 : memref<!tpu.dma_semaphore, #tpu.memory_space<semaphore_mem>>) src(%dma_wait3A_232 : memref<5712xf32, #tpu.memory_space<vmem>>) dst(%dma_wait3A_230 : memref<5712xf32, #tpu.memory_space<vmem_shared>>)
      %dma_wait3A_233 = arith.constant 0 : i32
      %dma_wait3A_234 = tpu.memref_slice %arg20[%dma_wait3A_233] : memref<5712xf32, #tpu.memory_space<vmem>> -> memref<5712xf32, #tpu.memory_space<vmem>>
      %dma_wait3A_235 = tpu.memref_slice %arg22[%add3A_67] : memref<1678336xf32, #tpu.memory_space<vmem_shared>> -> memref<5712xf32, #tpu.memory_space<vmem_shared>>
      %dma_wait3A_236 = tpu.memref_slice %arg22[%add3A_67] : memref<1678336xf32, #tpu.memory_space<vmem_shared>> -> memref<5712xf32, #tpu.memory_space<vmem_shared>>
      %dma_wait3A_237 = arith.constant 0 : i32
      %dma_wait3A_238 = tpu.memref_slice %arg20[%dma_wait3A_237] : memref<5712xf32, #tpu.memory_space<vmem>> -> memref<5712xf32, #tpu.memory_space<vmem>>
      tpu.wait_dma2 semaphore(%arg29 : memref<!tpu.dma_semaphore, #tpu.memory_space<semaphore_mem>>) src(%dma_wait3A_238 : memref<5712xf32, #tpu.memory_space<vmem>>) dst(%dma_wait3A_236 : memref<5712xf32, #tpu.memory_space<vmem_shared>>)
      %dma_wait3A_239 = arith.constant 0 : i32
      %dma_wait3A_240 = tpu.memref_slice %arg20[%dma_wait3A_239] : memref<5712xf32, #tpu.memory_space<vmem>> -> memref<5712xf32, #tpu.memory_space<vmem>>
      %dma_wait3A_241 = tpu.memref_slice %arg22[%add3A_77] : memref<1678336xf32, #tpu.memory_space<vmem_shared>> -> memref<5712xf32, #tpu.memory_space<vmem_shared>>
      %dma_wait3A_242 = tpu.memref_slice %arg22[%add3A_77] : memref<1678336xf32, #tpu.memory_space<vmem_shared>> -> memref<5712xf32, #tpu.memory_space<vmem_shared>>
      %dma_wait3A_243 = arith.constant 0 : i32
      %dma_wait3A_244 = tpu.memref_slice %arg20[%dma_wait3A_243] : memref<5712xf32, #tpu.memory_space<vmem>> -> memref<5712xf32, #tpu.memory_space<vmem>>
      tpu.wait_dma2 semaphore(%arg29 : memref<!tpu.dma_semaphore, #tpu.memory_space<semaphore_mem>>) src(%dma_wait3A_244 : memref<5712xf32, #tpu.memory_space<vmem>>) dst(%dma_wait3A_242 : memref<5712xf32, #tpu.memory_space<vmem_shared>>)
      %dma_wait3A_245 = arith.constant 0 : i32
      %dma_wait3A_246 = tpu.memref_slice %arg20[%dma_wait3A_245] : memref<5712xf32, #tpu.memory_space<vmem>> -> memref<5712xf32, #tpu.memory_space<vmem>>
      %dma_wait3A_247 = tpu.memref_slice %arg22[%add3A_87] : memref<1678336xf32, #tpu.memory_space<vmem_shared>> -> memref<5712xf32, #tpu.memory_space<vmem_shared>>
      %dma_wait3A_248 = tpu.memref_slice %arg22[%add3A_87] : memref<1678336xf32, #tpu.memory_space<vmem_shared>> -> memref<5712xf32, #tpu.memory_space<vmem_shared>>
      %dma_wait3A_249 = arith.constant 0 : i32
      %dma_wait3A_250 = tpu.memref_slice %arg20[%dma_wait3A_249] : memref<5712xf32, #tpu.memory_space<vmem>> -> memref<5712xf32, #tpu.memory_space<vmem>>
      tpu.wait_dma2 semaphore(%arg29 : memref<!tpu.dma_semaphore, #tpu.memory_space<semaphore_mem>>) src(%dma_wait3A_250 : memref<5712xf32, #tpu.memory_space<vmem>>) dst(%dma_wait3A_248 : memref<5712xf32, #tpu.memory_space<vmem_shared>>)
      %dma_wait3A_251 = arith.constant 0 : i32
      %dma_wait3A_252 = tpu.memref_slice %arg20[%dma_wait3A_251] : memref<5712xf32, #tpu.memory_space<vmem>> -> memref<5712xf32, #tpu.memory_space<vmem>>
      %dma_wait3A_253 = tpu.memref_slice %arg22[%add3A_97] : memref<1678336xf32, #tpu.memory_space<vmem_shared>> -> memref<5712xf32, #tpu.memory_space<vmem_shared>>
      %dma_wait3A_254 = tpu.memref_slice %arg22[%add3A_97] : memref<1678336xf32, #tpu.memory_space<vmem_shared>> -> memref<5712xf32, #tpu.memory_space<vmem_shared>>
      %dma_wait3A_255 = arith.constant 0 : i32
      %dma_wait3A_256 = tpu.memref_slice %arg20[%dma_wait3A_255] : memref<5712xf32, #tpu.memory_space<vmem>> -> memref<5712xf32, #tpu.memory_space<vmem>>
      tpu.wait_dma2 semaphore(%arg29 : memref<!tpu.dma_semaphore, #tpu.memory_space<semaphore_mem>>) src(%dma_wait3A_256 : memref<5712xf32, #tpu.memory_space<vmem>>) dst(%dma_wait3A_254 : memref<5712xf32, #tpu.memory_space<vmem_shared>>)
      %dma_wait3A_257 = arith.constant 0 : i32
      %dma_wait3A_258 = tpu.memref_slice %arg20[%dma_wait3A_257] : memref<5712xf32, #tpu.memory_space<vmem>> -> memref<5712xf32, #tpu.memory_space<vmem>>
      %dma_wait3A_259 = tpu.memref_slice %arg22[%add3A_107] : memref<1678336xf32, #tpu.memory_space<vmem_shared>> -> memref<5712xf32, #tpu.memory_space<vmem_shared>>
      %dma_wait3A_260 = tpu.memref_slice %arg22[%add3A_107] : memref<1678336xf32, #tpu.memory_space<vmem_shared>> -> memref<5712xf32, #tpu.memory_space<vmem_shared>>
      %dma_wait3A_261 = arith.constant 0 : i32
      %dma_wait3A_262 = tpu.memref_slice %arg20[%dma_wait3A_261] : memref<5712xf32, #tpu.memory_space<vmem>> -> memref<5712xf32, #tpu.memory_space<vmem>>
      tpu.wait_dma2 semaphore(%arg29 : memref<!tpu.dma_semaphore, #tpu.memory_space<semaphore_mem>>) src(%dma_wait3A_262 : memref<5712xf32, #tpu.memory_space<vmem>>) dst(%dma_wait3A_260 : memref<5712xf32, #tpu.memory_space<vmem_shared>>)
      %dma_wait3A_263 = arith.constant 0 : i32
      %dma_wait3A_264 = tpu.memref_slice %arg20[%dma_wait3A_263] : memref<5712xf32, #tpu.memory_space<vmem>> -> memref<5712xf32, #tpu.memory_space<vmem>>
      %dma_wait3A_265 = tpu.memref_slice %arg22[%add3A_117] : memref<1678336xf32, #tpu.memory_space<vmem_shared>> -> memref<5712xf32, #tpu.memory_space<vmem_shared>>
      %dma_wait3A_266 = tpu.memref_slice %arg22[%add3A_117] : memref<1678336xf32, #tpu.memory_space<vmem_shared>> -> memref<5712xf32, #tpu.memory_space<vmem_shared>>
      %dma_wait3A_267 = arith.constant 0 : i32
      %dma_wait3A_268 = tpu.memref_slice %arg20[%dma_wait3A_267] : memref<5712xf32, #tpu.memory_space<vmem>> -> memref<5712xf32, #tpu.memory_space<vmem>>
      tpu.wait_dma2 semaphore(%arg29 : memref<!tpu.dma_semaphore, #tpu.memory_space<semaphore_mem>>) src(%dma_wait3A_268 : memref<5712xf32, #tpu.memory_space<vmem>>) dst(%dma_wait3A_266 : memref<5712xf32, #tpu.memory_space<vmem_shared>>)
      %dma_wait3A_269 = arith.constant 0 : i32
      %dma_wait3A_270 = tpu.memref_slice %arg20[%dma_wait3A_269] : memref<5712xf32, #tpu.memory_space<vmem>> -> memref<5712xf32, #tpu.memory_space<vmem>>
      %dma_wait3A_271 = tpu.memref_slice %arg22[%add3A_127] : memref<1678336xf32, #tpu.memory_space<vmem_shared>> -> memref<5712xf32, #tpu.memory_space<vmem_shared>>
      %dma_wait3A_272 = tpu.memref_slice %arg22[%add3A_127] : memref<1678336xf32, #tpu.memory_space<vmem_shared>> -> memref<5712xf32, #tpu.memory_space<vmem_shared>>
      %dma_wait3A_273 = arith.constant 0 : i32
      %dma_wait3A_274 = tpu.memref_slice %arg20[%dma_wait3A_273] : memref<5712xf32, #tpu.memory_space<vmem>> -> memref<5712xf32, #tpu.memory_space<vmem>>
      tpu.wait_dma2 semaphore(%arg29 : memref<!tpu.dma_semaphore, #tpu.memory_space<semaphore_mem>>) src(%dma_wait3A_274 : memref<5712xf32, #tpu.memory_space<vmem>>) dst(%dma_wait3A_272 : memref<5712xf32, #tpu.memory_space<vmem_shared>>)
      %dma_wait3A_275 = arith.constant 0 : i32
      %dma_wait3A_276 = tpu.memref_slice %arg20[%dma_wait3A_275] : memref<5712xf32, #tpu.memory_space<vmem>> -> memref<5712xf32, #tpu.memory_space<vmem>>
      %dma_wait3A_277 = tpu.memref_slice %arg22[%add3A_137] : memref<1678336xf32, #tpu.memory_space<vmem_shared>> -> memref<5712xf32, #tpu.memory_space<vmem_shared>>
      %dma_wait3A_278 = tpu.memref_slice %arg22[%add3A_137] : memref<1678336xf32, #tpu.memory_space<vmem_shared>> -> memref<5712xf32, #tpu.memory_space<vmem_shared>>
      %dma_wait3A_279 = arith.constant 0 : i32
      %dma_wait3A_280 = tpu.memref_slice %arg20[%dma_wait3A_279] : memref<5712xf32, #tpu.memory_space<vmem>> -> memref<5712xf32, #tpu.memory_space<vmem>>
      tpu.wait_dma2 semaphore(%arg29 : memref<!tpu.dma_semaphore, #tpu.memory_space<semaphore_mem>>) src(%dma_wait3A_280 : memref<5712xf32, #tpu.memory_space<vmem>>) dst(%dma_wait3A_278 : memref<5712xf32, #tpu.memory_space<vmem_shared>>)
      %dma_wait3A_281 = arith.constant 0 : i32
      %dma_wait3A_282 = tpu.memref_slice %arg20[%dma_wait3A_281] : memref<5712xf32, #tpu.memory_space<vmem>> -> memref<5712xf32, #tpu.memory_space<vmem>>
      %dma_wait3A_283 = tpu.memref_slice %arg22[%add3A_147] : memref<1678336xf32, #tpu.memory_space<vmem_shared>> -> memref<5712xf32, #tpu.memory_space<vmem_shared>>
      %dma_wait3A_284 = tpu.memref_slice %arg22[%add3A_147] : memref<1678336xf32, #tpu.memory_space<vmem_shared>> -> memref<5712xf32, #tpu.memory_space<vmem_shared>>
      %dma_wait3A_285 = arith.constant 0 : i32
      %dma_wait3A_286 = tpu.memref_slice %arg20[%dma_wait3A_285] : memref<5712xf32, #tpu.memory_space<vmem>> -> memref<5712xf32, #tpu.memory_space<vmem>>
      tpu.wait_dma2 semaphore(%arg29 : memref<!tpu.dma_semaphore, #tpu.memory_space<semaphore_mem>>) src(%dma_wait3A_286 : memref<5712xf32, #tpu.memory_space<vmem>>) dst(%dma_wait3A_284 : memref<5712xf32, #tpu.memory_space<vmem_shared>>)
      %dma_wait3A_287 = arith.constant 0 : i32
      %dma_wait3A_288 = tpu.memref_slice %arg20[%dma_wait3A_287] : memref<5712xf32, #tpu.memory_space<vmem>> -> memref<5712xf32, #tpu.memory_space<vmem>>
      %dma_wait3A_289 = tpu.memref_slice %arg22[%add3A_157] : memref<1678336xf32, #tpu.memory_space<vmem_shared>> -> memref<5712xf32, #tpu.memory_space<vmem_shared>>
      %dma_wait3A_290 = tpu.memref_slice %arg22[%add3A_157] : memref<1678336xf32, #tpu.memory_space<vmem_shared>> -> memref<5712xf32, #tpu.memory_space<vmem_shared>>
      %dma_wait3A_291 = arith.constant 0 : i32
      %dma_wait3A_292 = tpu.memref_slice %arg20[%dma_wait3A_291] : memref<5712xf32, #tpu.memory_space<vmem>> -> memref<5712xf32, #tpu.memory_space<vmem>>
      tpu.wait_dma2 semaphore(%arg29 : memref<!tpu.dma_semaphore, #tpu.memory_space<semaphore_mem>>) src(%dma_wait3A_292 : memref<5712xf32, #tpu.memory_space<vmem>>) dst(%dma_wait3A_290 : memref<5712xf32, #tpu.memory_space<vmem_shared>>)
      %dma_wait3A_293 = arith.constant 0 : i32
      %dma_wait3A_294 = tpu.memref_slice %arg20[%dma_wait3A_293] : memref<5712xf32, #tpu.memory_space<vmem>> -> memref<5712xf32, #tpu.memory_space<vmem>>
      %dma_wait3A_295 = tpu.memref_slice %arg22[%add3A_167] : memref<1678336xf32, #tpu.memory_space<vmem_shared>> -> memref<5712xf32, #tpu.memory_space<vmem_shared>>
      %dma_wait3A_296 = tpu.memref_slice %arg22[%add3A_167] : memref<1678336xf32, #tpu.memory_space<vmem_shared>> -> memref<5712xf32, #tpu.memory_space<vmem_shared>>
      %dma_wait3A_297 = arith.constant 0 : i32
      %dma_wait3A_298 = tpu.memref_slice %arg20[%dma_wait3A_297] : memref<5712xf32, #tpu.memory_space<vmem>> -> memref<5712xf32, #tpu.memory_space<vmem>>
      tpu.wait_dma2 semaphore(%arg29 : memref<!tpu.dma_semaphore, #tpu.memory_space<semaphore_mem>>) src(%dma_wait3A_298 : memref<5712xf32, #tpu.memory_space<vmem>>) dst(%dma_wait3A_296 : memref<5712xf32, #tpu.memory_space<vmem_shared>>)
      %dma_wait3A_299 = arith.constant 0 : i32
      %dma_wait3A_300 = tpu.memref_slice %arg20[%dma_wait3A_299] : memref<5712xf32, #tpu.memory_space<vmem>> -> memref<5712xf32, #tpu.memory_space<vmem>>
      %dma_wait3A_301 = tpu.memref_slice %arg22[%add3A_177] : memref<1678336xf32, #tpu.memory_space<vmem_shared>> -> memref<5712xf32, #tpu.memory_space<vmem_shared>>
      %dma_wait3A_302 = tpu.memref_slice %arg22[%add3A_177] : memref<1678336xf32, #tpu.memory_space<vmem_shared>> -> memref<5712xf32, #tpu.memory_space<vmem_shared>>
      %dma_wait3A_303 = arith.constant 0 : i32
      %dma_wait3A_304 = tpu.memref_slice %arg20[%dma_wait3A_303] : memref<5712xf32, #tpu.memory_space<vmem>> -> memref<5712xf32, #tpu.memory_space<vmem>>
      tpu.wait_dma2 semaphore(%arg29 : memref<!tpu.dma_semaphore, #tpu.memory_space<semaphore_mem>>) src(%dma_wait3A_304 : memref<5712xf32, #tpu.memory_space<vmem>>) dst(%dma_wait3A_302 : memref<5712xf32, #tpu.memory_space<vmem_shared>>)
      %dma_wait3A_305 = arith.constant 0 : i32
      %dma_wait3A_306 = tpu.memref_slice %arg20[%dma_wait3A_305] : memref<5712xf32, #tpu.memory_space<vmem>> -> memref<5712xf32, #tpu.memory_space<vmem>>
      %dma_wait3A_307 = tpu.memref_slice %arg22[%add3A_187] : memref<1678336xf32, #tpu.memory_space<vmem_shared>> -> memref<5712xf32, #tpu.memory_space<vmem_shared>>
      %dma_wait3A_308 = tpu.memref_slice %arg22[%add3A_187] : memref<1678336xf32, #tpu.memory_space<vmem_shared>> -> memref<5712xf32, #tpu.memory_space<vmem_shared>>
      %dma_wait3A_309 = arith.constant 0 : i32
      %dma_wait3A_310 = tpu.memref_slice %arg20[%dma_wait3A_309] : memref<5712xf32, #tpu.memory_space<vmem>> -> memref<5712xf32, #tpu.memory_space<vmem>>
      tpu.wait_dma2 semaphore(%arg29 : memref<!tpu.dma_semaphore, #tpu.memory_space<semaphore_mem>>) src(%dma_wait3A_310 : memref<5712xf32, #tpu.memory_space<vmem>>) dst(%dma_wait3A_308 : memref<5712xf32, #tpu.memory_space<vmem_shared>>)
      %dma_wait3A_311 = arith.constant 0 : i32
      %dma_wait3A_312 = tpu.memref_slice %arg20[%dma_wait3A_311] : memref<5712xf32, #tpu.memory_space<vmem>> -> memref<2080xf32, #tpu.memory_space<vmem>>
      %dma_wait3A_313 = tpu.memref_slice %arg22[%add3A_197] : memref<1678336xf32, #tpu.memory_space<vmem_shared>> -> memref<2080xf32, #tpu.memory_space<vmem_shared>>
      %dma_wait3A_314 = tpu.memref_slice %arg22[%add3A_197] : memref<1678336xf32, #tpu.memory_space<vmem_shared>> -> memref<2080xf32, #tpu.memory_space<vmem_shared>>
      %dma_wait3A_315 = arith.constant 0 : i32
      %dma_wait3A_316 = tpu.memref_slice %arg20[%dma_wait3A_315] : memref<5712xf32, #tpu.memory_space<vmem>> -> memref<2080xf32, #tpu.memory_space<vmem>>
      tpu.wait_dma2 semaphore(%arg29 : memref<!tpu.dma_semaphore, #tpu.memory_space<semaphore_mem>>) src(%dma_wait3A_316 : memref<2080xf32, #tpu.memory_space<vmem>>) dst(%dma_wait3A_314 : memref<2080xf32, #tpu.memory_space<vmem_shared>>)
      %barrier3A = arith.constant 0 : index
      tpu.barrier barrier_id(%barrier3A)
      %iota3A = tpu.iota {dimensions = array<i32: 0>} : vector<16xi32>
      %scan3A_317 = arith.constant 0 : i32
      %scan3A_318 = arith.constant 0 : i32
      %scan3A_319 = arith.constant 64 : i32
      %scan3A_320 = arith.addi %scan3A_318, %scan3A_319 : i32
      %scan3A_321 = arith.constant 1 : i32
      scf.for %scan3A_808 = %scan3A_318 to %scan3A_320 step %scan3A_321  : i32 {
        %mul3A_809 = arith.constant 16 : i32
        %mul3A_810 = arith.muli %scan3A_808, %mul3A_809 : i32
        %add3A_811 = vector.broadcast %mul3A_810 : i32 to vector<16xi32>
        %add3A_812 = arith.addi %add3A_811, %iota3A : vector<16xi32>
        %mul3A_813 = arith.constant 16 : i32
        %mul3A_814 = arith.muli %scan3A_808, %mul3A_813 : i32
        %swap3A = arith.index_cast %mul3A_814 : i32 to index
        %swap3A_815 = tpu.vector_load %arg14[%swap3A] {strides = array<i32>} : memref<1024xi32, #tpu.memory_space<vmem>>, vector<16xi32>,
        %swap3A_816 = vector.shape_cast %swap3A_815 : vector<16xi32> to vector<16xi32>
        %swap3A_817 = vector.shape_cast %add3A_812 : vector<16xi32> to vector<16xi32>
        tpu.vector_store %arg14[%swap3A], %swap3A_817 {strides = array<i32>} : memref<1024xi32, #tpu.memory_space<vmem>>, vector<16xi32>,
        %broadcast_in_dim3A = arith.constant 0.000000e+00 : f32
        %broadcast_in_dim3A_818 = vector.broadcast %broadcast_in_dim3A : f32 to vector<16xf32>
        %mul3A_819 = arith.constant 16 : i32
        %mul3A_820 = arith.muli %scan3A_808, %mul3A_819 : i32
        %swap3A_821 = arith.index_cast %mul3A_820 : i32 to index
        %swap3A_822 = tpu.vector_load %arg15[%swap3A_821] {strides = array<i32>} : memref<1024xf32, #tpu.memory_space<vmem>>, vector<16xf32>,
        %swap3A_823 = vector.shape_cast %swap3A_822 : vector<16xf32> to vector<16xf32>
        %swap3A_824 = vector.shape_cast %broadcast_in_dim3A_818 : vector<16xf32> to vector<16xf32>
        tpu.vector_store %arg15[%swap3A_821], %swap3A_824 {strides = array<i32>} : memref<1024xf32, #tpu.memory_space<vmem>>, vector<16xf32>,
      }
      %scan3A_322 = arith.constant 64 : i32
      %dma_start3A_323 = arith.constant 0 : i32
      %dma_start3A_324 = tpu.memref_slice %arg22[%dma_start3A_323] : memref<1678336xf32, #tpu.memory_space<vmem_shared>> -> memref<1678336xf32, #tpu.memory_space<vmem_shared>>
      tpu.enqueue_indirect_dma source(%arg15 : memref<1024xf32, #tpu.memory_space<vmem>>) target(%dma_start3A_324 : memref<1678336xf32, #tpu.memory_space<vmem_shared>>) offsets(%arg14 : memref<1024xi32, #tpu.memory_space<vmem>>) semaphore(%arg26 : memref<!tpu.dma_semaphore, #tpu.memory_space<semaphore_mem>>) {add = true}
      %scan3A_325 = arith.constant 0 : i32
      %scan3A_326 = arith.constant 0 : i32
      %scan3A_327 = arith.constant 64 : i32
      %scan3A_328 = arith.addi %scan3A_326, %scan3A_327 : i32
      %scan3A_329 = arith.constant 1 : i32
      scf.for %scan3A_808 = %scan3A_326 to %scan3A_328 step %scan3A_329  : i32 {
        %mul3A_809 = arith.constant 16 : i32
        %mul3A_810 = arith.muli %scan3A_808, %mul3A_809 : i32
        %add3A_811 = vector.broadcast %mul3A_810 : i32 to vector<16xi32>
        %add3A_812 = arith.addi %add3A_811, %iota3A : vector<16xi32>
        %mul3A_813 = arith.constant 16 : i32
        %mul3A_814 = arith.muli %scan3A_808, %mul3A_813 : i32
        %swap3A = arith.index_cast %mul3A_814 : i32 to index
        %swap3A_815 = tpu.vector_load %arg16[%swap3A] {strides = array<i32>} : memref<1024xi32, #tpu.memory_space<vmem>>, vector<16xi32>,
        %swap3A_816 = vector.shape_cast %swap3A_815 : vector<16xi32> to vector<16xi32>
        %swap3A_817 = vector.shape_cast %add3A_812 : vector<16xi32> to vector<16xi32>
        tpu.vector_store %arg16[%swap3A], %swap3A_817 {strides = array<i32>} : memref<1024xi32, #tpu.memory_space<vmem>>, vector<16xi32>,
        %broadcast_in_dim3A = arith.constant 0.000000e+00 : f32
        %broadcast_in_dim3A_818 = vector.broadcast %broadcast_in_dim3A : f32 to vector<16xf32>
        %mul3A_819 = arith.constant 16 : i32
        %mul3A_820 = arith.muli %scan3A_808, %mul3A_819 : i32
        %swap3A_821 = arith.index_cast %mul3A_820 : i32 to index
        %swap3A_822 = tpu.vector_load %arg17[%swap3A_821] {strides = array<i32>} : memref<1024xf32, #tpu.memory_space<vmem>>, vector<16xf32>,
        %swap3A_823 = vector.shape_cast %swap3A_822 : vector<16xf32> to vector<16xf32>
        %swap3A_824 = vector.shape_cast %broadcast_in_dim3A_818 : vector<16xf32> to vector<16xf32>
        tpu.vector_store %arg17[%swap3A_821], %swap3A_824 {strides = array<i32>} : memref<1024xf32, #tpu.memory_space<vmem>>, vector<16xf32>,
      }
      %scan3A_330 = arith.constant 64 : i32
      %dma_start3A_331 = arith.constant 0 : i32
      %dma_start3A_332 = tpu.memref_slice %arg22[%dma_start3A_331] : memref<1678336xf32, #tpu.memory_space<vmem_shared>> -> memref<1678336xf32, #tpu.memory_space<vmem_shared>>
      tpu.enqueue_indirect_dma source(%arg17 : memref<1024xf32, #tpu.memory_space<vmem>>) target(%dma_start3A_332 : memref<1678336xf32, #tpu.memory_space<vmem_shared>>) offsets(%arg16 : memref<1024xi32, #tpu.memory_space<vmem>>) semaphore(%arg27 : memref<!tpu.dma_semaphore, #tpu.memory_space<semaphore_mem>>) {add = true}
      %scan3A_333 = arith.constant 0 : i32
      %scan3A_334 = arith.constant 0 : i32
      %scan3A_335 = arith.constant 64 : i32
      %scan3A_336 = arith.addi %scan3A_334, %scan3A_335 : i32
      %scan3A_337 = arith.constant 1 : i32
      scf.for %scan3A_808 = %scan3A_334 to %scan3A_336 step %scan3A_337  : i32 {
        %mul3A_809 = arith.constant 16 : i32
        %mul3A_810 = arith.muli %scan3A_808, %mul3A_809 : i32
        %add3A_811 = vector.broadcast %mul3A_810 : i32 to vector<16xi32>
        %add3A_812 = arith.addi %add3A_811, %iota3A : vector<16xi32>
        %mul3A_813 = arith.constant 16 : i32
        %mul3A_814 = arith.muli %scan3A_808, %mul3A_813 : i32
        %swap3A = arith.index_cast %mul3A_814 : i32 to index
        %swap3A_815 = tpu.vector_load %arg18[%swap3A] {strides = array<i32>} : memref<1024xi32, #tpu.memory_space<vmem>>, vector<16xi32>,
        %swap3A_816 = vector.shape_cast %swap3A_815 : vector<16xi32> to vector<16xi32>
        %swap3A_817 = vector.shape_cast %add3A_812 : vector<16xi32> to vector<16xi32>
        tpu.vector_store %arg18[%swap3A], %swap3A_817 {strides = array<i32>} : memref<1024xi32, #tpu.memory_space<vmem>>, vector<16xi32>,
        %broadcast_in_dim3A = arith.constant 0.000000e+00 : f32
        %broadcast_in_dim3A_818 = vector.broadcast %broadcast_in_dim3A : f32 to vector<16xf32>
        %mul3A_819 = arith.constant 16 : i32
        %mul3A_820 = arith.muli %scan3A_808, %mul3A_819 : i32
        %swap3A_821 = arith.index_cast %mul3A_820 : i32 to index
        %swap3A_822 = tpu.vector_load %arg19[%swap3A_821] {strides = array<i32>} : memref<1024xf32, #tpu.memory_space<vmem>>, vector<16xf32>,
        %swap3A_823 = vector.shape_cast %swap3A_822 : vector<16xf32> to vector<16xf32>
        %swap3A_824 = vector.shape_cast %broadcast_in_dim3A_818 : vector<16xf32> to vector<16xf32>
        tpu.vector_store %arg19[%swap3A_821], %swap3A_824 {strides = array<i32>} : memref<1024xf32, #tpu.memory_space<vmem>>, vector<16xf32>,
      }
      %scan3A_338 = arith.constant 64 : i32
      %dma_start3A_339 = arith.constant 0 : i32
      %dma_start3A_340 = tpu.memref_slice %arg22[%dma_start3A_339] : memref<1678336xf32, #tpu.memory_space<vmem_shared>> -> memref<1678336xf32, #tpu.memory_space<vmem_shared>>
      tpu.enqueue_indirect_dma source(%arg19 : memref<1024xf32, #tpu.memory_space<vmem>>) target(%dma_start3A_340 : memref<1678336xf32, #tpu.memory_space<vmem_shared>>) offsets(%arg18 : memref<1024xi32, #tpu.memory_space<vmem>>) semaphore(%arg28 : memref<!tpu.dma_semaphore, #tpu.memory_space<semaphore_mem>>) {add = true}
      %mul3A_341 = arith.constant 106496 : i32
      %mul3A_342 = arith.muli %arg1, %mul3A_341 : i32
      %min3A = arith.constant 0 : i32
      %min3A_343 = arith.constant 103 : i32
      %min3A_344 = arith.minsi %min3A, %min3A_343 : i32
      %mul3A_345 = arith.constant 1024 : i32
      %mul3A_346 = arith.muli %min3A_344, %mul3A_345 : i32
      %add3A_347 = arith.addi %mul3A_342, %mul3A_346 : i32
      %dma_start3A_348 = tpu.memref_slice %arg2[%add3A_347] : memref<1703936xi32, #tpu.memory_space<hbm>> -> memref<1024xi32, #tpu.memory_space<hbm>>
      %dma_start3A_349 = tpu.memref_slice %arg2[%add3A_347] : memref<1703936xi32, #tpu.memory_space<hbm>> -> memref<1024xi32, #tpu.memory_space<hbm>>
      tpu.enqueue_dma source(%dma_start3A_349 : memref<1024xi32, #tpu.memory_space<hbm>>) target(%arg6 : memref<1024xi32, #tpu.memory_space<vmem>>) target_semaphore(%arg23 : memref<!tpu.dma_semaphore, #tpu.memory_space<semaphore_mem>>)
      %dma_start3A_350 = tpu.memref_slice %arg3[%add3A_347] : memref<1703936xi32, #tpu.memory_space<hbm>> -> memref<1024xi32, #tpu.memory_space<hbm>>
      %dma_start3A_351 = tpu.memref_slice %arg3[%add3A_347] : memref<1703936xi32, #tpu.memory_space<hbm>> -> memref<1024xi32, #tpu.memory_space<hbm>>
      tpu.enqueue_dma source(%dma_start3A_351 : memref<1024xi32, #tpu.memory_space<hbm>>) target(%arg7 : memref<1024xi32, #tpu.memory_space<vmem>>) target_semaphore(%arg23 : memref<!tpu.dma_semaphore, #tpu.memory_space<semaphore_mem>>)
      %dma_start3A_352 = tpu.memref_slice %arg4[%add3A_347] : memref<1703936xf32, #tpu.memory_space<hbm>> -> memref<1024xf32, #tpu.memory_space<hbm>>
      %dma_start3A_353 = tpu.memref_slice %arg4[%add3A_347] : memref<1703936xf32, #tpu.memory_space<hbm>> -> memref<1024xf32, #tpu.memory_space<hbm>>
      tpu.enqueue_dma source(%dma_start3A_353 : memref<1024xf32, #tpu.memory_space<hbm>>) target(%arg8 : memref<1024xf32, #tpu.memory_space<vmem>>) target_semaphore(%arg23 : memref<!tpu.dma_semaphore, #tpu.memory_space<semaphore_mem>>)
      %mul3A_354 = arith.constant 106496 : i32
      %mul3A_355 = arith.muli %arg1, %mul3A_354 : i32
      %min3A_356 = arith.constant 1 : i32
      %min3A_357 = arith.constant 103 : i32
      %min3A_358 = arith.minsi %min3A_356, %min3A_357 : i32
      %mul3A_359 = arith.constant 1024 : i32
      %mul3A_360 = arith.muli %min3A_358, %mul3A_359 : i32
      %add3A_361 = arith.addi %mul3A_355, %mul3A_360 : i32
      %dma_start3A_362 = tpu.memref_slice %arg2[%add3A_361] : memref<1703936xi32, #tpu.memory_space<hbm>> -> memref<1024xi32, #tpu.memory_space<hbm>>
      %dma_start3A_363 = tpu.memref_slice %arg2[%add3A_361] : memref<1703936xi32, #tpu.memory_space<hbm>> -> memref<1024xi32, #tpu.memory_space<hbm>>
      tpu.enqueue_dma source(%dma_start3A_363 : memref<1024xi32, #tpu.memory_space<hbm>>) target(%arg9 : memref<1024xi32, #tpu.memory_space<vmem>>) target_semaphore(%arg24 : memref<!tpu.dma_semaphore, #tpu.memory_space<semaphore_mem>>)
      %dma_start3A_364 = tpu.memref_slice %arg3[%add3A_361] : memref<1703936xi32, #tpu.memory_space<hbm>> -> memref<1024xi32, #tpu.memory_space<hbm>>
      %dma_start3A_365 = tpu.memref_slice %arg3[%add3A_361] : memref<1703936xi32, #tpu.memory_space<hbm>> -> memref<1024xi32, #tpu.memory_space<hbm>>
      tpu.enqueue_dma source(%dma_start3A_365 : memref<1024xi32, #tpu.memory_space<hbm>>) target(%arg10 : memref<1024xi32, #tpu.memory_space<vmem>>) target_semaphore(%arg24 : memref<!tpu.dma_semaphore, #tpu.memory_space<semaphore_mem>>)
      %dma_start3A_366 = tpu.memref_slice %arg4[%add3A_361] : memref<1703936xf32, #tpu.memory_space<hbm>> -> memref<1024xf32, #tpu.memory_space<hbm>>
      %dma_start3A_367 = tpu.memref_slice %arg4[%add3A_361] : memref<1703936xf32, #tpu.memory_space<hbm>> -> memref<1024xf32, #tpu.memory_space<hbm>>
      tpu.enqueue_dma source(%dma_start3A_367 : memref<1024xf32, #tpu.memory_space<hbm>>) target(%arg11 : memref<1024xf32, #tpu.memory_space<vmem>>) target_semaphore(%arg24 : memref<!tpu.dma_semaphore, #tpu.memory_space<semaphore_mem>>)
      %scan3A_368 = arith.constant 0 : i32
      %scan3A_369 = arith.constant 0 : i32
      %scan3A_370 = arith.constant 26 : i32
      %scan3A_371 = arith.addi %scan3A_369, %scan3A_370 : i32
      %scan3A_372 = arith.constant 1 : i32
      scf.for %scan3A_808 = %scan3A_369 to %scan3A_371 step %scan3A_372  : i32 {
        %mul3A_809 = arith.constant 4 : i32
        %mul3A_810 = arith.muli %mul3A_809, %scan3A_808 : i32
        %add3A_811 = arith.constant 0 : i32
        %add3A_812 = arith.addi %mul3A_810, %add3A_811 : i32
        %mul3A_813 = arith.constant 106496 : i32
        %mul3A_814 = arith.muli %arg1, %mul3A_813 : i32
        %min3A_815 = arith.constant 103 : i32
        %min3A_816 = arith.minsi %add3A_812, %min3A_815 : i32
        %mul3A_817 = arith.constant 1024 : i32
        %mul3A_818 = arith.muli %min3A_816, %mul3A_817 : i32
        %add3A_819 = arith.addi %mul3A_814, %mul3A_818 : i32
        %dma_wait3A_820 = tpu.memref_slice %arg2[%add3A_819] : memref<1703936xi32, #tpu.memory_space<hbm>> -> memref<1024xi32, #tpu.memory_space<hbm>>
        %dma_wait3A_821 = tpu.memref_slice %arg2[%add3A_819] : memref<1703936xi32, #tpu.memory_space<hbm>> -> memref<1024xi32, #tpu.memory_space<hbm>>
        tpu.wait_dma2 semaphore(%arg23 : memref<!tpu.dma_semaphore, #tpu.memory_space<semaphore_mem>>) src(%dma_wait3A_821 : memref<1024xi32, #tpu.memory_space<hbm>>) dst(%arg6 : memref<1024xi32, #tpu.memory_space<vmem>>)
        %dma_wait3A_822 = tpu.memref_slice %arg3[%add3A_819] : memref<1703936xi32, #tpu.memory_space<hbm>> -> memref<1024xi32, #tpu.memory_space<hbm>>
        %dma_wait3A_823 = tpu.memref_slice %arg3[%add3A_819] : memref<1703936xi32, #tpu.memory_space<hbm>> -> memref<1024xi32, #tpu.memory_space<hbm>>
        tpu.wait_dma2 semaphore(%arg23 : memref<!tpu.dma_semaphore, #tpu.memory_space<semaphore_mem>>) src(%dma_wait3A_823 : memref<1024xi32, #tpu.memory_space<hbm>>) dst(%arg7 : memref<1024xi32, #tpu.memory_space<vmem>>)
        %dma_wait3A_824 = tpu.memref_slice %arg4[%add3A_819] : memref<1703936xf32, #tpu.memory_space<hbm>> -> memref<1024xf32, #tpu.memory_space<hbm>>
        %dma_wait3A_825 = tpu.memref_slice %arg4[%add3A_819] : memref<1703936xf32, #tpu.memory_space<hbm>> -> memref<1024xf32, #tpu.memory_space<hbm>>
        tpu.wait_dma2 semaphore(%arg23 : memref<!tpu.dma_semaphore, #tpu.memory_space<semaphore_mem>>) src(%dma_wait3A_825 : memref<1024xf32, #tpu.memory_space<hbm>>) dst(%arg8 : memref<1024xf32, #tpu.memory_space<vmem>>)
        %dma_wait3A_826 = arith.constant 0 : i32
        %dma_wait3A_827 = tpu.memref_slice %arg22[%dma_wait3A_826] : memref<1678336xf32, #tpu.memory_space<vmem_shared>> -> memref<1678336xf32, #tpu.memory_space<vmem_shared>>
        tpu.wait_indirect_dma semaphore(%arg26 : memref<!tpu.dma_semaphore, #tpu.memory_space<semaphore_mem>>) src(%arg15 : memref<1024xf32, #tpu.memory_space<vmem>>) dst(%dma_wait3A_827 : memref<1678336xf32, #tpu.memory_space<vmem_shared>>)
        %iota3A_828 = tpu.iota {dimensions = array<i32: 0>} : vector<16xi32>
        %parallel_loop3A = arith.constant 0 : i32
        %parallel_loop3A_829 = arith.constant 1024 : i32
        %parallel_loop3A_830 = arith.constant 16 : i32
        scf.for %parallel_loop3A_970 = %parallel_loop3A to %parallel_loop3A_829 step %parallel_loop3A_830  : i32 {
          %parallel_loop3A_971 = arith.index_cast %parallel_loop3A_970 : i32 to index
          %parallel_loop3A_972 = tpu.vector_load %arg6[%parallel_loop3A_971] {strides = array<i32>} : memref<1024xi32, #tpu.memory_space<vmem>>, vector<16xi32>,
          %parallel_loop3A_973 = vector.shape_cast %parallel_loop3A_972 : vector<16xi32> to vector<16xi32>
          %parallel_loop3A_974 = arith.index_cast %parallel_loop3A_970 : i32 to index
          %parallel_loop3A_975 = tpu.vector_load %arg7[%parallel_loop3A_974] {strides = array<i32>} : memref<1024xi32, #tpu.memory_space<vmem>>, vector<16xi32>,
          %parallel_loop3A_976 = vector.shape_cast %parallel_loop3A_975 : vector<16xi32> to vector<16xi32>
          %parallel_loop3A_977 = arith.index_cast %parallel_loop3A_970 : i32 to index
          %parallel_loop3A_978 = tpu.vector_load %arg8[%parallel_loop3A_977] {strides = array<i32>} : memref<1024xf32, #tpu.memory_space<vmem>>, vector<16xf32>,
          %parallel_loop3A_979 = vector.shape_cast %parallel_loop3A_978 : vector<16xf32> to vector<16xf32>
          %parallel_loop3A_980 = arith.constant 4096 : i32
          %parallel_loop3A_981 = vector.broadcast %parallel_loop3A_980 : i32 to vector<16xi32>
          %parallel_loop3A_982 = arith.muli %parallel_loop3A_973, %parallel_loop3A_981 : vector<16xi32>
          %parallel_loop3A_983 = arith.addi %parallel_loop3A_982, %parallel_loop3A_976 : vector<16xi32>
          %parallel_loop3A_984 = vector.broadcast %add3A : i32 to vector<16xi32>
          %parallel_loop3A_985 = arith.subi %parallel_loop3A_983, %parallel_loop3A_984 : vector<16xi32>
          %parallel_loop3A_986 = arith.constant 0 : i32
          %parallel_loop3A_987 = vector.broadcast %parallel_loop3A_986 : i32 to vector<16xi32>
          %parallel_loop3A_988 = arith.cmpi sge, %parallel_loop3A_985, %parallel_loop3A_987 : vector<16xi32>
          %parallel_loop3A_989 = arith.constant 1678336 : i32
          %parallel_loop3A_990 = vector.broadcast %parallel_loop3A_989 : i32 to vector<16xi32>
          %parallel_loop3A_991 = arith.cmpi slt, %parallel_loop3A_985, %parallel_loop3A_990 : vector<16xi32>
          %parallel_loop3A_992 = arith.andi %parallel_loop3A_988, %parallel_loop3A_991 : vector<16xi1>
          %parallel_loop3A_993 = arith.constant 16 : i32
          %parallel_loop3A_994 = arith.muli %parallel_loop3A_970, %parallel_loop3A_993 : i32
          %parallel_loop3A_995 = vector.broadcast %parallel_loop3A_994 : i32 to vector<16xi32>
          %parallel_loop3A_996 = arith.addi %parallel_loop3A_995, %iota3A_828 : vector<16xi32>
          %parallel_loop3A_997 = arith.select %parallel_loop3A_992, %parallel_loop3A_985, %parallel_loop3A_996 : vector<16xi1>, vector<16xi32>
          %parallel_loop3A_998 = arith.index_cast %parallel_loop3A_970 : i32 to index
          %parallel_loop3A_999 = tpu.vector_load %arg12[%parallel_loop3A_998] {strides = array<i32>} : memref<1024xi32, #tpu.memory_space<vmem>>, vector<16xi32>,
          %parallel_loop3A_1000 = vector.shape_cast %parallel_loop3A_999 : vector<16xi32> to vector<16xi32>
          %parallel_loop3A_1001 = vector.shape_cast %parallel_loop3A_997 : vector<16xi32> to vector<16xi32>
          tpu.vector_store %arg12[%parallel_loop3A_998], %parallel_loop3A_1001 {strides = array<i32>} : memref<1024xi32, #tpu.memory_space<vmem>>, vector<16xi32>,
          %parallel_loop3A_1002 = arith.constant 0.000000e+00 : f32
          %parallel_loop3A_1003 = vector.broadcast %parallel_loop3A_1002 : f32 to vector<16xf32>
          %parallel_loop3A_1004 = arith.select %parallel_loop3A_992, %parallel_loop3A_979, %parallel_loop3A_1003 : vector<16xi1>, vector<16xf32>
          %parallel_loop3A_1005 = arith.index_cast %parallel_loop3A_970 : i32 to index
          %parallel_loop3A_1006 = tpu.vector_load %arg13[%parallel_loop3A_1005] {strides = array<i32>} : memref<1024xf32, #tpu.memory_space<vmem>>, vector<16xf32>,
          %parallel_loop3A_1007 = vector.shape_cast %parallel_loop3A_1006 : vector<16xf32> to vector<16xf32>
          %parallel_loop3A_1008 = vector.shape_cast %parallel_loop3A_1004 : vector<16xf32> to vector<16xf32>
          tpu.vector_store %arg13[%parallel_loop3A_1005], %parallel_loop3A_1008 {strides = array<i32>} : memref<1024xf32, #tpu.memory_space<vmem>>, vector<16xf32>,
        } {sc.loop_unroll_factor = 4 : i64, sc.parallel_access}
        %dma_start3A_831 = arith.constant 0 : i32
        %dma_start3A_832 = tpu.memref_slice %arg22[%dma_start3A_831] : memref<1678336xf32, #tpu.memory_space<vmem_shared>> -> memref<1678336xf32, #tpu.memory_space<vmem_shared>>
        tpu.enqueue_indirect_dma source(%arg13 : memref<1024xf32, #tpu.memory_space<vmem>>) target(%dma_start3A_832 : memref<1678336xf32, #tpu.memory_space<vmem_shared>>) offsets(%arg12 : memref<1024xi32, #tpu.memory_space<vmem>>) semaphore(%arg25 : memref<!tpu.dma_semaphore, #tpu.memory_space<semaphore_mem>>) {add = true}
        %add3A_833 = arith.constant 0 : i32
        %add3A_834 = arith.addi %mul3A_810, %add3A_833 : i32
        %add3A_835 = arith.constant 2 : i32
        %add3A_836 = arith.addi %add3A_834, %add3A_835 : i32
        %mul3A_837 = arith.constant 106496 : i32
        %mul3A_838 = arith.muli %arg1, %mul3A_837 : i32
        %min3A_839 = arith.constant 103 : i32
        %min3A_840 = arith.minsi %add3A_836, %min3A_839 : i32
        %mul3A_841 = arith.constant 1024 : i32
        %mul3A_842 = arith.muli %min3A_840, %mul3A_841 : i32
        %add3A_843 = arith.addi %mul3A_838, %mul3A_842 : i32
        %dma_start3A_844 = tpu.memref_slice %arg2[%add3A_843] : memref<1703936xi32, #tpu.memory_space<hbm>> -> memref<1024xi32, #tpu.memory_space<hbm>>
        %dma_start3A_845 = tpu.memref_slice %arg2[%add3A_843] : memref<1703936xi32, #tpu.memory_space<hbm>> -> memref<1024xi32, #tpu.memory_space<hbm>>
        tpu.enqueue_dma source(%dma_start3A_845 : memref<1024xi32, #tpu.memory_space<hbm>>) target(%arg6 : memref<1024xi32, #tpu.memory_space<vmem>>) target_semaphore(%arg23 : memref<!tpu.dma_semaphore, #tpu.memory_space<semaphore_mem>>)
        %dma_start3A_846 = tpu.memref_slice %arg3[%add3A_843] : memref<1703936xi32, #tpu.memory_space<hbm>> -> memref<1024xi32, #tpu.memory_space<hbm>>
        %dma_start3A_847 = tpu.memref_slice %arg3[%add3A_843] : memref<1703936xi32, #tpu.memory_space<hbm>> -> memref<1024xi32, #tpu.memory_space<hbm>>
        tpu.enqueue_dma source(%dma_start3A_847 : memref<1024xi32, #tpu.memory_space<hbm>>) target(%arg7 : memref<1024xi32, #tpu.memory_space<vmem>>) target_semaphore(%arg23 : memref<!tpu.dma_semaphore, #tpu.memory_space<semaphore_mem>>)
        %dma_start3A_848 = tpu.memref_slice %arg4[%add3A_843] : memref<1703936xf32, #tpu.memory_space<hbm>> -> memref<1024xf32, #tpu.memory_space<hbm>>
        %dma_start3A_849 = tpu.memref_slice %arg4[%add3A_843] : memref<1703936xf32, #tpu.memory_space<hbm>> -> memref<1024xf32, #tpu.memory_space<hbm>>
        tpu.enqueue_dma source(%dma_start3A_849 : memref<1024xf32, #tpu.memory_space<hbm>>) target(%arg8 : memref<1024xf32, #tpu.memory_space<vmem>>) target_semaphore(%arg23 : memref<!tpu.dma_semaphore, #tpu.memory_space<semaphore_mem>>)
        %add3A_850 = arith.constant 1 : i32
        %add3A_851 = arith.addi %mul3A_810, %add3A_850 : i32
        %mul3A_852 = arith.constant 106496 : i32
        %mul3A_853 = arith.muli %arg1, %mul3A_852 : i32
        %min3A_854 = arith.constant 103 : i32
        %min3A_855 = arith.minsi %add3A_851, %min3A_854 : i32
        %mul3A_856 = arith.constant 1024 : i32
        %mul3A_857 = arith.muli %min3A_855, %mul3A_856 : i32
        %add3A_858 = arith.addi %mul3A_853, %mul3A_857 : i32
        %dma_wait3A_859 = tpu.memref_slice %arg2[%add3A_858] : memref<1703936xi32, #tpu.memory_space<hbm>> -> memref<1024xi32, #tpu.memory_space<hbm>>
        %dma_wait3A_860 = tpu.memref_slice %arg2[%add3A_858] : memref<1703936xi32, #tpu.memory_space<hbm>> -> memref<1024xi32, #tpu.memory_space<hbm>>
        tpu.wait_dma2 semaphore(%arg24 : memref<!tpu.dma_semaphore, #tpu.memory_space<semaphore_mem>>) src(%dma_wait3A_860 : memref<1024xi32, #tpu.memory_space<hbm>>) dst(%arg9 : memref<1024xi32, #tpu.memory_space<vmem>>)
        %dma_wait3A_861 = tpu.memref_slice %arg3[%add3A_858] : memref<1703936xi32, #tpu.memory_space<hbm>> -> memref<1024xi32, #tpu.memory_space<hbm>>
        %dma_wait3A_862 = tpu.memref_slice %arg3[%add3A_858] : memref<1703936xi32, #tpu.memory_space<hbm>> -> memref<1024xi32, #tpu.memory_space<hbm>>
        tpu.wait_dma2 semaphore(%arg24 : memref<!tpu.dma_semaphore, #tpu.memory_space<semaphore_mem>>) src(%dma_wait3A_862 : memref<1024xi32, #tpu.memory_space<hbm>>) dst(%arg10 : memref<1024xi32, #tpu.memory_space<vmem>>)
        %dma_wait3A_863 = tpu.memref_slice %arg4[%add3A_858] : memref<1703936xf32, #tpu.memory_space<hbm>> -> memref<1024xf32, #tpu.memory_space<hbm>>
        %dma_wait3A_864 = tpu.memref_slice %arg4[%add3A_858] : memref<1703936xf32, #tpu.memory_space<hbm>> -> memref<1024xf32, #tpu.memory_space<hbm>>
        tpu.wait_dma2 semaphore(%arg24 : memref<!tpu.dma_semaphore, #tpu.memory_space<semaphore_mem>>) src(%dma_wait3A_864 : memref<1024xf32, #tpu.memory_space<hbm>>) dst(%arg11 : memref<1024xf32, #tpu.memory_space<vmem>>)
        %dma_wait3A_865 = arith.constant 0 : i32
        %dma_wait3A_866 = tpu.memref_slice %arg22[%dma_wait3A_865] : memref<1678336xf32, #tpu.memory_space<vmem_shared>> -> memref<1678336xf32, #tpu.memory_space<vmem_shared>>
        tpu.wait_indirect_dma semaphore(%arg27 : memref<!tpu.dma_semaphore, #tpu.memory_space<semaphore_mem>>) src(%arg17 : memref<1024xf32, #tpu.memory_space<vmem>>) dst(%dma_wait3A_866 : memref<1678336xf32, #tpu.memory_space<vmem_shared>>)
        %iota3A_867 = tpu.iota {dimensions = array<i32: 0>} : vector<16xi32>
        %parallel_loop3A_868 = arith.constant 0 : i32
        %parallel_loop3A_869 = arith.constant 1024 : i32
        %parallel_loop3A_870 = arith.constant 16 : i32
        scf.for %parallel_loop3A_970 = %parallel_loop3A_868 to %parallel_loop3A_869 step %parallel_loop3A_870  : i32 {
          %parallel_loop3A_971 = arith.index_cast %parallel_loop3A_970 : i32 to index
          %parallel_loop3A_972 = tpu.vector_load %arg9[%parallel_loop3A_971] {strides = array<i32>} : memref<1024xi32, #tpu.memory_space<vmem>>, vector<16xi32>,
          %parallel_loop3A_973 = vector.shape_cast %parallel_loop3A_972 : vector<16xi32> to vector<16xi32>
          %parallel_loop3A_974 = arith.index_cast %parallel_loop3A_970 : i32 to index
          %parallel_loop3A_975 = tpu.vector_load %arg10[%parallel_loop3A_974] {strides = array<i32>} : memref<1024xi32, #tpu.memory_space<vmem>>, vector<16xi32>,
          %parallel_loop3A_976 = vector.shape_cast %parallel_loop3A_975 : vector<16xi32> to vector<16xi32>
          %parallel_loop3A_977 = arith.index_cast %parallel_loop3A_970 : i32 to index
          %parallel_loop3A_978 = tpu.vector_load %arg11[%parallel_loop3A_977] {strides = array<i32>} : memref<1024xf32, #tpu.memory_space<vmem>>, vector<16xf32>,
          %parallel_loop3A_979 = vector.shape_cast %parallel_loop3A_978 : vector<16xf32> to vector<16xf32>
          %parallel_loop3A_980 = arith.constant 4096 : i32
          %parallel_loop3A_981 = vector.broadcast %parallel_loop3A_980 : i32 to vector<16xi32>
          %parallel_loop3A_982 = arith.muli %parallel_loop3A_973, %parallel_loop3A_981 : vector<16xi32>
          %parallel_loop3A_983 = arith.addi %parallel_loop3A_982, %parallel_loop3A_976 : vector<16xi32>
          %parallel_loop3A_984 = vector.broadcast %add3A : i32 to vector<16xi32>
          %parallel_loop3A_985 = arith.subi %parallel_loop3A_983, %parallel_loop3A_984 : vector<16xi32>
          %parallel_loop3A_986 = arith.constant 0 : i32
          %parallel_loop3A_987 = vector.broadcast %parallel_loop3A_986 : i32 to vector<16xi32>
          %parallel_loop3A_988 = arith.cmpi sge, %parallel_loop3A_985, %parallel_loop3A_987 : vector<16xi32>
          %parallel_loop3A_989 = arith.constant 1678336 : i32
          %parallel_loop3A_990 = vector.broadcast %parallel_loop3A_989 : i32 to vector<16xi32>
          %parallel_loop3A_991 = arith.cmpi slt, %parallel_loop3A_985, %parallel_loop3A_990 : vector<16xi32>
          %parallel_loop3A_992 = arith.andi %parallel_loop3A_988, %parallel_loop3A_991 : vector<16xi1>
          %parallel_loop3A_993 = arith.constant 16 : i32
          %parallel_loop3A_994 = arith.muli %parallel_loop3A_970, %parallel_loop3A_993 : i32
          %parallel_loop3A_995 = vector.broadcast %parallel_loop3A_994 : i32 to vector<16xi32>
          %parallel_loop3A_996 = arith.addi %parallel_loop3A_995, %iota3A_867 : vector<16xi32>
          %parallel_loop3A_997 = arith.select %parallel_loop3A_992, %parallel_loop3A_985, %parallel_loop3A_996 : vector<16xi1>, vector<16xi32>
          %parallel_loop3A_998 = arith.index_cast %parallel_loop3A_970 : i32 to index
          %parallel_loop3A_999 = tpu.vector_load %arg14[%parallel_loop3A_998] {strides = array<i32>} : memref<1024xi32, #tpu.memory_space<vmem>>, vector<16xi32>,
          %parallel_loop3A_1000 = vector.shape_cast %parallel_loop3A_999 : vector<16xi32> to vector<16xi32>
          %parallel_loop3A_1001 = vector.shape_cast %parallel_loop3A_997 : vector<16xi32> to vector<16xi32>
          tpu.vector_store %arg14[%parallel_loop3A_998], %parallel_loop3A_1001 {strides = array<i32>} : memref<1024xi32, #tpu.memory_space<vmem>>, vector<16xi32>,
          %parallel_loop3A_1002 = arith.constant 0.000000e+00 : f32
          %parallel_loop3A_1003 = vector.broadcast %parallel_loop3A_1002 : f32 to vector<16xf32>
          %parallel_loop3A_1004 = arith.select %parallel_loop3A_992, %parallel_loop3A_979, %parallel_loop3A_1003 : vector<16xi1>, vector<16xf32>
          %parallel_loop3A_1005 = arith.index_cast %parallel_loop3A_970 : i32 to index
          %parallel_loop3A_1006 = tpu.vector_load %arg15[%parallel_loop3A_1005] {strides = array<i32>} : memref<1024xf32, #tpu.memory_space<vmem>>, vector<16xf32>,
          %parallel_loop3A_1007 = vector.shape_cast %parallel_loop3A_1006 : vector<16xf32> to vector<16xf32>
          %parallel_loop3A_1008 = vector.shape_cast %parallel_loop3A_1004 : vector<16xf32> to vector<16xf32>
          tpu.vector_store %arg15[%parallel_loop3A_1005], %parallel_loop3A_1008 {strides = array<i32>} : memref<1024xf32, #tpu.memory_space<vmem>>, vector<16xf32>,
        } {sc.loop_unroll_factor = 4 : i64, sc.parallel_access}
        %dma_start3A_871 = arith.constant 0 : i32
        %dma_start3A_872 = tpu.memref_slice %arg22[%dma_start3A_871] : memref<1678336xf32, #tpu.memory_space<vmem_shared>> -> memref<1678336xf32, #tpu.memory_space<vmem_shared>>
        tpu.enqueue_indirect_dma source(%arg15 : memref<1024xf32, #tpu.memory_space<vmem>>) target(%dma_start3A_872 : memref<1678336xf32, #tpu.memory_space<vmem_shared>>) offsets(%arg14 : memref<1024xi32, #tpu.memory_space<vmem>>) semaphore(%arg26 : memref<!tpu.dma_semaphore, #tpu.memory_space<semaphore_mem>>) {add = true}
        %add3A_873 = arith.constant 1 : i32
        %add3A_874 = arith.addi %mul3A_810, %add3A_873 : i32
        %add3A_875 = arith.constant 2 : i32
        %add3A_876 = arith.addi %add3A_874, %add3A_875 : i32
        %mul3A_877 = arith.constant 106496 : i32
        %mul3A_878 = arith.muli %arg1, %mul3A_877 : i32
        %min3A_879 = arith.constant 103 : i32
        %min3A_880 = arith.minsi %add3A_876, %min3A_879 : i32
        %mul3A_881 = arith.constant 1024 : i32
        %mul3A_882 = arith.muli %min3A_880, %mul3A_881 : i32
        %add3A_883 = arith.addi %mul3A_878, %mul3A_882 : i32
        %dma_start3A_884 = tpu.memref_slice %arg2[%add3A_883] : memref<1703936xi32, #tpu.memory_space<hbm>> -> memref<1024xi32, #tpu.memory_space<hbm>>
        %dma_start3A_885 = tpu.memref_slice %arg2[%add3A_883] : memref<1703936xi32, #tpu.memory_space<hbm>> -> memref<1024xi32, #tpu.memory_space<hbm>>
        tpu.enqueue_dma source(%dma_start3A_885 : memref<1024xi32, #tpu.memory_space<hbm>>) target(%arg9 : memref<1024xi32, #tpu.memory_space<vmem>>) target_semaphore(%arg24 : memref<!tpu.dma_semaphore, #tpu.memory_space<semaphore_mem>>)
        %dma_start3A_886 = tpu.memref_slice %arg3[%add3A_883] : memref<1703936xi32, #tpu.memory_space<hbm>> -> memref<1024xi32, #tpu.memory_space<hbm>>
        %dma_start3A_887 = tpu.memref_slice %arg3[%add3A_883] : memref<1703936xi32, #tpu.memory_space<hbm>> -> memref<1024xi32, #tpu.memory_space<hbm>>
        tpu.enqueue_dma source(%dma_start3A_887 : memref<1024xi32, #tpu.memory_space<hbm>>) target(%arg10 : memref<1024xi32, #tpu.memory_space<vmem>>) target_semaphore(%arg24 : memref<!tpu.dma_semaphore, #tpu.memory_space<semaphore_mem>>)
        %dma_start3A_888 = tpu.memref_slice %arg4[%add3A_883] : memref<1703936xf32, #tpu.memory_space<hbm>> -> memref<1024xf32, #tpu.memory_space<hbm>>
        %dma_start3A_889 = tpu.memref_slice %arg4[%add3A_883] : memref<1703936xf32, #tpu.memory_space<hbm>> -> memref<1024xf32, #tpu.memory_space<hbm>>
        tpu.enqueue_dma source(%dma_start3A_889 : memref<1024xf32, #tpu.memory_space<hbm>>) target(%arg11 : memref<1024xf32, #tpu.memory_space<vmem>>) target_semaphore(%arg24 : memref<!tpu.dma_semaphore, #tpu.memory_space<semaphore_mem>>)
        %add3A_890 = arith.constant 2 : i32
        %add3A_891 = arith.addi %mul3A_810, %add3A_890 : i32
        %mul3A_892 = arith.constant 106496 : i32
        %mul3A_893 = arith.muli %arg1, %mul3A_892 : i32
        %min3A_894 = arith.constant 103 : i32
        %min3A_895 = arith.minsi %add3A_891, %min3A_894 : i32
        %mul3A_896 = arith.constant 1024 : i32
        %mul3A_897 = arith.muli %min3A_895, %mul3A_896 : i32
        %add3A_898 = arith.addi %mul3A_893, %mul3A_897 : i32
        %dma_wait3A_899 = tpu.memref_slice %arg2[%add3A_898] : memref<1703936xi32, #tpu.memory_space<hbm>> -> memref<1024xi32, #tpu.memory_space<hbm>>
        %dma_wait3A_900 = tpu.memref_slice %arg2[%add3A_898] : memref<1703936xi32, #tpu.memory_space<hbm>> -> memref<1024xi32, #tpu.memory_space<hbm>>
        tpu.wait_dma2 semaphore(%arg23 : memref<!tpu.dma_semaphore, #tpu.memory_space<semaphore_mem>>) src(%dma_wait3A_900 : memref<1024xi32, #tpu.memory_space<hbm>>) dst(%arg6 : memref<1024xi32, #tpu.memory_space<vmem>>)
        %dma_wait3A_901 = tpu.memref_slice %arg3[%add3A_898] : memref<1703936xi32, #tpu.memory_space<hbm>> -> memref<1024xi32, #tpu.memory_space<hbm>>
        %dma_wait3A_902 = tpu.memref_slice %arg3[%add3A_898] : memref<1703936xi32, #tpu.memory_space<hbm>> -> memref<1024xi32, #tpu.memory_space<hbm>>
        tpu.wait_dma2 semaphore(%arg23 : memref<!tpu.dma_semaphore, #tpu.memory_space<semaphore_mem>>) src(%dma_wait3A_902 : memref<1024xi32, #tpu.memory_space<hbm>>) dst(%arg7 : memref<1024xi32, #tpu.memory_space<vmem>>)
        %dma_wait3A_903 = tpu.memref_slice %arg4[%add3A_898] : memref<1703936xf32, #tpu.memory_space<hbm>> -> memref<1024xf32, #tpu.memory_space<hbm>>
        %dma_wait3A_904 = tpu.memref_slice %arg4[%add3A_898] : memref<1703936xf32, #tpu.memory_space<hbm>> -> memref<1024xf32, #tpu.memory_space<hbm>>
        tpu.wait_dma2 semaphore(%arg23 : memref<!tpu.dma_semaphore, #tpu.memory_space<semaphore_mem>>) src(%dma_wait3A_904 : memref<1024xf32, #tpu.memory_space<hbm>>) dst(%arg8 : memref<1024xf32, #tpu.memory_space<vmem>>)
        %dma_wait3A_905 = arith.constant 0 : i32
        %dma_wait3A_906 = tpu.memref_slice %arg22[%dma_wait3A_905] : memref<1678336xf32, #tpu.memory_space<vmem_shared>> -> memref<1678336xf32, #tpu.memory_space<vmem_shared>>
        tpu.wait_indirect_dma semaphore(%arg28 : memref<!tpu.dma_semaphore, #tpu.memory_space<semaphore_mem>>) src(%arg19 : memref<1024xf32, #tpu.memory_space<vmem>>) dst(%dma_wait3A_906 : memref<1678336xf32, #tpu.memory_space<vmem_shared>>)
        %iota3A_907 = tpu.iota {dimensions = array<i32: 0>} : vector<16xi32>
        %parallel_loop3A_908 = arith.constant 0 : i32
        %parallel_loop3A_909 = arith.constant 1024 : i32
        %parallel_loop3A_910 = arith.constant 16 : i32
        scf.for %parallel_loop3A_970 = %parallel_loop3A_908 to %parallel_loop3A_909 step %parallel_loop3A_910  : i32 {
          %parallel_loop3A_971 = arith.index_cast %parallel_loop3A_970 : i32 to index
          %parallel_loop3A_972 = tpu.vector_load %arg6[%parallel_loop3A_971] {strides = array<i32>} : memref<1024xi32, #tpu.memory_space<vmem>>, vector<16xi32>,
          %parallel_loop3A_973 = vector.shape_cast %parallel_loop3A_972 : vector<16xi32> to vector<16xi32>
          %parallel_loop3A_974 = arith.index_cast %parallel_loop3A_970 : i32 to index
          %parallel_loop3A_975 = tpu.vector_load %arg7[%parallel_loop3A_974] {strides = array<i32>} : memref<1024xi32, #tpu.memory_space<vmem>>, vector<16xi32>,
          %parallel_loop3A_976 = vector.shape_cast %parallel_loop3A_975 : vector<16xi32> to vector<16xi32>
          %parallel_loop3A_977 = arith.index_cast %parallel_loop3A_970 : i32 to index
          %parallel_loop3A_978 = tpu.vector_load %arg8[%parallel_loop3A_977] {strides = array<i32>} : memref<1024xf32, #tpu.memory_space<vmem>>, vector<16xf32>,
          %parallel_loop3A_979 = vector.shape_cast %parallel_loop3A_978 : vector<16xf32> to vector<16xf32>
          %parallel_loop3A_980 = arith.constant 4096 : i32
          %parallel_loop3A_981 = vector.broadcast %parallel_loop3A_980 : i32 to vector<16xi32>
          %parallel_loop3A_982 = arith.muli %parallel_loop3A_973, %parallel_loop3A_981 : vector<16xi32>
          %parallel_loop3A_983 = arith.addi %parallel_loop3A_982, %parallel_loop3A_976 : vector<16xi32>
          %parallel_loop3A_984 = vector.broadcast %add3A : i32 to vector<16xi32>
          %parallel_loop3A_985 = arith.subi %parallel_loop3A_983, %parallel_loop3A_984 : vector<16xi32>
          %parallel_loop3A_986 = arith.constant 0 : i32
          %parallel_loop3A_987 = vector.broadcast %parallel_loop3A_986 : i32 to vector<16xi32>
          %parallel_loop3A_988 = arith.cmpi sge, %parallel_loop3A_985, %parallel_loop3A_987 : vector<16xi32>
          %parallel_loop3A_989 = arith.constant 1678336 : i32
          %parallel_loop3A_990 = vector.broadcast %parallel_loop3A_989 : i32 to vector<16xi32>
          %parallel_loop3A_991 = arith.cmpi slt, %parallel_loop3A_985, %parallel_loop3A_990 : vector<16xi32>
          %parallel_loop3A_992 = arith.andi %parallel_loop3A_988, %parallel_loop3A_991 : vector<16xi1>
          %parallel_loop3A_993 = arith.constant 16 : i32
          %parallel_loop3A_994 = arith.muli %parallel_loop3A_970, %parallel_loop3A_993 : i32
          %parallel_loop3A_995 = vector.broadcast %parallel_loop3A_994 : i32 to vector<16xi32>
          %parallel_loop3A_996 = arith.addi %parallel_loop3A_995, %iota3A_907 : vector<16xi32>
          %parallel_loop3A_997 = arith.select %parallel_loop3A_992, %parallel_loop3A_985, %parallel_loop3A_996 : vector<16xi1>, vector<16xi32>
          %parallel_loop3A_998 = arith.index_cast %parallel_loop3A_970 : i32 to index
          %parallel_loop3A_999 = tpu.vector_load %arg16[%parallel_loop3A_998] {strides = array<i32>} : memref<1024xi32, #tpu.memory_space<vmem>>, vector<16xi32>,
          %parallel_loop3A_1000 = vector.shape_cast %parallel_loop3A_999 : vector<16xi32> to vector<16xi32>
          %parallel_loop3A_1001 = vector.shape_cast %parallel_loop3A_997 : vector<16xi32> to vector<16xi32>
          tpu.vector_store %arg16[%parallel_loop3A_998], %parallel_loop3A_1001 {strides = array<i32>} : memref<1024xi32, #tpu.memory_space<vmem>>, vector<16xi32>,
          %parallel_loop3A_1002 = arith.constant 0.000000e+00 : f32
          %parallel_loop3A_1003 = vector.broadcast %parallel_loop3A_1002 : f32 to vector<16xf32>
          %parallel_loop3A_1004 = arith.select %parallel_loop3A_992, %parallel_loop3A_979, %parallel_loop3A_1003 : vector<16xi1>, vector<16xf32>
          %parallel_loop3A_1005 = arith.index_cast %parallel_loop3A_970 : i32 to index
          %parallel_loop3A_1006 = tpu.vector_load %arg17[%parallel_loop3A_1005] {strides = array<i32>} : memref<1024xf32, #tpu.memory_space<vmem>>, vector<16xf32>,
          %parallel_loop3A_1007 = vector.shape_cast %parallel_loop3A_1006 : vector<16xf32> to vector<16xf32>
          %parallel_loop3A_1008 = vector.shape_cast %parallel_loop3A_1004 : vector<16xf32> to vector<16xf32>
          tpu.vector_store %arg17[%parallel_loop3A_1005], %parallel_loop3A_1008 {strides = array<i32>} : memref<1024xf32, #tpu.memory_space<vmem>>, vector<16xf32>,
        } {sc.loop_unroll_factor = 4 : i64, sc.parallel_access}
        %dma_start3A_911 = arith.constant 0 : i32
        %dma_start3A_912 = tpu.memref_slice %arg22[%dma_start3A_911] : memref<1678336xf32, #tpu.memory_space<vmem_shared>> -> memref<1678336xf32, #tpu.memory_space<vmem_shared>>
        tpu.enqueue_indirect_dma source(%arg17 : memref<1024xf32, #tpu.memory_space<vmem>>) target(%dma_start3A_912 : memref<1678336xf32, #tpu.memory_space<vmem_shared>>) offsets(%arg16 : memref<1024xi32, #tpu.memory_space<vmem>>) semaphore(%arg27 : memref<!tpu.dma_semaphore, #tpu.memory_space<semaphore_mem>>) {add = true}
        %add3A_913 = arith.constant 2 : i32
        %add3A_914 = arith.addi %mul3A_810, %add3A_913 : i32
        %add3A_915 = arith.constant 2 : i32
        %add3A_916 = arith.addi %add3A_914, %add3A_915 : i32
        %mul3A_917 = arith.constant 106496 : i32
        %mul3A_918 = arith.muli %arg1, %mul3A_917 : i32
        %min3A_919 = arith.constant 103 : i32
        %min3A_920 = arith.minsi %add3A_916, %min3A_919 : i32
        %mul3A_921 = arith.constant 1024 : i32
        %mul3A_922 = arith.muli %min3A_920, %mul3A_921 : i32
        %add3A_923 = arith.addi %mul3A_918, %mul3A_922 : i32
        %dma_start3A_924 = tpu.memref_slice %arg2[%add3A_923] : memref<1703936xi32, #tpu.memory_space<hbm>> -> memref<1024xi32, #tpu.memory_space<hbm>>
        %dma_start3A_925 = tpu.memref_slice %arg2[%add3A_923] : memref<1703936xi32, #tpu.memory_space<hbm>> -> memref<1024xi32, #tpu.memory_space<hbm>>
        tpu.enqueue_dma source(%dma_start3A_925 : memref<1024xi32, #tpu.memory_space<hbm>>) target(%arg6 : memref<1024xi32, #tpu.memory_space<vmem>>) target_semaphore(%arg23 : memref<!tpu.dma_semaphore, #tpu.memory_space<semaphore_mem>>)
        %dma_start3A_926 = tpu.memref_slice %arg3[%add3A_923] : memref<1703936xi32, #tpu.memory_space<hbm>> -> memref<1024xi32, #tpu.memory_space<hbm>>
        %dma_start3A_927 = tpu.memref_slice %arg3[%add3A_923] : memref<1703936xi32, #tpu.memory_space<hbm>> -> memref<1024xi32, #tpu.memory_space<hbm>>
        tpu.enqueue_dma source(%dma_start3A_927 : memref<1024xi32, #tpu.memory_space<hbm>>) target(%arg7 : memref<1024xi32, #tpu.memory_space<vmem>>) target_semaphore(%arg23 : memref<!tpu.dma_semaphore, #tpu.memory_space<semaphore_mem>>)
        %dma_start3A_928 = tpu.memref_slice %arg4[%add3A_923] : memref<1703936xf32, #tpu.memory_space<hbm>> -> memref<1024xf32, #tpu.memory_space<hbm>>
        %dma_start3A_929 = tpu.memref_slice %arg4[%add3A_923] : memref<1703936xf32, #tpu.memory_space<hbm>> -> memref<1024xf32, #tpu.memory_space<hbm>>
        tpu.enqueue_dma source(%dma_start3A_929 : memref<1024xf32, #tpu.memory_space<hbm>>) target(%arg8 : memref<1024xf32, #tpu.memory_space<vmem>>) target_semaphore(%arg23 : memref<!tpu.dma_semaphore, #tpu.memory_space<semaphore_mem>>)
        %add3A_930 = arith.constant 3 : i32
        %add3A_931 = arith.addi %mul3A_810, %add3A_930 : i32
        %mul3A_932 = arith.constant 106496 : i32
        %mul3A_933 = arith.muli %arg1, %mul3A_932 : i32
        %min3A_934 = arith.constant 103 : i32
        %min3A_935 = arith.minsi %add3A_931, %min3A_934 : i32
        %mul3A_936 = arith.constant 1024 : i32
        %mul3A_937 = arith.muli %min3A_935, %mul3A_936 : i32
        %add3A_938 = arith.addi %mul3A_933, %mul3A_937 : i32
        %dma_wait3A_939 = tpu.memref_slice %arg2[%add3A_938] : memref<1703936xi32, #tpu.memory_space<hbm>> -> memref<1024xi32, #tpu.memory_space<hbm>>
        %dma_wait3A_940 = tpu.memref_slice %arg2[%add3A_938] : memref<1703936xi32, #tpu.memory_space<hbm>> -> memref<1024xi32, #tpu.memory_space<hbm>>
        tpu.wait_dma2 semaphore(%arg24 : memref<!tpu.dma_semaphore, #tpu.memory_space<semaphore_mem>>) src(%dma_wait3A_940 : memref<1024xi32, #tpu.memory_space<hbm>>) dst(%arg9 : memref<1024xi32, #tpu.memory_space<vmem>>)
        %dma_wait3A_941 = tpu.memref_slice %arg3[%add3A_938] : memref<1703936xi32, #tpu.memory_space<hbm>> -> memref<1024xi32, #tpu.memory_space<hbm>>
        %dma_wait3A_942 = tpu.memref_slice %arg3[%add3A_938] : memref<1703936xi32, #tpu.memory_space<hbm>> -> memref<1024xi32, #tpu.memory_space<hbm>>
        tpu.wait_dma2 semaphore(%arg24 : memref<!tpu.dma_semaphore, #tpu.memory_space<semaphore_mem>>) src(%dma_wait3A_942 : memref<1024xi32, #tpu.memory_space<hbm>>) dst(%arg10 : memref<1024xi32, #tpu.memory_space<vmem>>)
        %dma_wait3A_943 = tpu.memref_slice %arg4[%add3A_938] : memref<1703936xf32, #tpu.memory_space<hbm>> -> memref<1024xf32, #tpu.memory_space<hbm>>
        %dma_wait3A_944 = tpu.memref_slice %arg4[%add3A_938] : memref<1703936xf32, #tpu.memory_space<hbm>> -> memref<1024xf32, #tpu.memory_space<hbm>>
        tpu.wait_dma2 semaphore(%arg24 : memref<!tpu.dma_semaphore, #tpu.memory_space<semaphore_mem>>) src(%dma_wait3A_944 : memref<1024xf32, #tpu.memory_space<hbm>>) dst(%arg11 : memref<1024xf32, #tpu.memory_space<vmem>>)
        %dma_wait3A_945 = arith.constant 0 : i32
        %dma_wait3A_946 = tpu.memref_slice %arg22[%dma_wait3A_945] : memref<1678336xf32, #tpu.memory_space<vmem_shared>> -> memref<1678336xf32, #tpu.memory_space<vmem_shared>>
        tpu.wait_indirect_dma semaphore(%arg25 : memref<!tpu.dma_semaphore, #tpu.memory_space<semaphore_mem>>) src(%arg13 : memref<1024xf32, #tpu.memory_space<vmem>>) dst(%dma_wait3A_946 : memref<1678336xf32, #tpu.memory_space<vmem_shared>>)
        %iota3A_947 = tpu.iota {dimensions = array<i32: 0>} : vector<16xi32>
        %parallel_loop3A_948 = arith.constant 0 : i32
        %parallel_loop3A_949 = arith.constant 1024 : i32
        %parallel_loop3A_950 = arith.constant 16 : i32
        scf.for %parallel_loop3A_970 = %parallel_loop3A_948 to %parallel_loop3A_949 step %parallel_loop3A_950  : i32 {
          %parallel_loop3A_971 = arith.index_cast %parallel_loop3A_970 : i32 to index
          %parallel_loop3A_972 = tpu.vector_load %arg9[%parallel_loop3A_971] {strides = array<i32>} : memref<1024xi32, #tpu.memory_space<vmem>>, vector<16xi32>,
          %parallel_loop3A_973 = vector.shape_cast %parallel_loop3A_972 : vector<16xi32> to vector<16xi32>
          %parallel_loop3A_974 = arith.index_cast %parallel_loop3A_970 : i32 to index
          %parallel_loop3A_975 = tpu.vector_load %arg10[%parallel_loop3A_974] {strides = array<i32>} : memref<1024xi32, #tpu.memory_space<vmem>>, vector<16xi32>,
          %parallel_loop3A_976 = vector.shape_cast %parallel_loop3A_975 : vector<16xi32> to vector<16xi32>
          %parallel_loop3A_977 = arith.index_cast %parallel_loop3A_970 : i32 to index
          %parallel_loop3A_978 = tpu.vector_load %arg11[%parallel_loop3A_977] {strides = array<i32>} : memref<1024xf32, #tpu.memory_space<vmem>>, vector<16xf32>,
          %parallel_loop3A_979 = vector.shape_cast %parallel_loop3A_978 : vector<16xf32> to vector<16xf32>
          %parallel_loop3A_980 = arith.constant 4096 : i32
          %parallel_loop3A_981 = vector.broadcast %parallel_loop3A_980 : i32 to vector<16xi32>
          %parallel_loop3A_982 = arith.muli %parallel_loop3A_973, %parallel_loop3A_981 : vector<16xi32>
          %parallel_loop3A_983 = arith.addi %parallel_loop3A_982, %parallel_loop3A_976 : vector<16xi32>
          %parallel_loop3A_984 = vector.broadcast %add3A : i32 to vector<16xi32>
          %parallel_loop3A_985 = arith.subi %parallel_loop3A_983, %parallel_loop3A_984 : vector<16xi32>
          %parallel_loop3A_986 = arith.constant 0 : i32
          %parallel_loop3A_987 = vector.broadcast %parallel_loop3A_986 : i32 to vector<16xi32>
          %parallel_loop3A_988 = arith.cmpi sge, %parallel_loop3A_985, %parallel_loop3A_987 : vector<16xi32>
          %parallel_loop3A_989 = arith.constant 1678336 : i32
          %parallel_loop3A_990 = vector.broadcast %parallel_loop3A_989 : i32 to vector<16xi32>
          %parallel_loop3A_991 = arith.cmpi slt, %parallel_loop3A_985, %parallel_loop3A_990 : vector<16xi32>
          %parallel_loop3A_992 = arith.andi %parallel_loop3A_988, %parallel_loop3A_991 : vector<16xi1>
          %parallel_loop3A_993 = arith.constant 16 : i32
          %parallel_loop3A_994 = arith.muli %parallel_loop3A_970, %parallel_loop3A_993 : i32
          %parallel_loop3A_995 = vector.broadcast %parallel_loop3A_994 : i32 to vector<16xi32>
          %parallel_loop3A_996 = arith.addi %parallel_loop3A_995, %iota3A_947 : vector<16xi32>
          %parallel_loop3A_997 = arith.select %parallel_loop3A_992, %parallel_loop3A_985, %parallel_loop3A_996 : vector<16xi1>, vector<16xi32>
          %parallel_loop3A_998 = arith.index_cast %parallel_loop3A_970 : i32 to index
          %parallel_loop3A_999 = tpu.vector_load %arg18[%parallel_loop3A_998] {strides = array<i32>} : memref<1024xi32, #tpu.memory_space<vmem>>, vector<16xi32>,
          %parallel_loop3A_1000 = vector.shape_cast %parallel_loop3A_999 : vector<16xi32> to vector<16xi32>
          %parallel_loop3A_1001 = vector.shape_cast %parallel_loop3A_997 : vector<16xi32> to vector<16xi32>
          tpu.vector_store %arg18[%parallel_loop3A_998], %parallel_loop3A_1001 {strides = array<i32>} : memref<1024xi32, #tpu.memory_space<vmem>>, vector<16xi32>,
          %parallel_loop3A_1002 = arith.constant 0.000000e+00 : f32
          %parallel_loop3A_1003 = vector.broadcast %parallel_loop3A_1002 : f32 to vector<16xf32>
          %parallel_loop3A_1004 = arith.select %parallel_loop3A_992, %parallel_loop3A_979, %parallel_loop3A_1003 : vector<16xi1>, vector<16xf32>
          %parallel_loop3A_1005 = arith.index_cast %parallel_loop3A_970 : i32 to index
          %parallel_loop3A_1006 = tpu.vector_load %arg19[%parallel_loop3A_1005] {strides = array<i32>} : memref<1024xf32, #tpu.memory_space<vmem>>, vector<16xf32>,
          %parallel_loop3A_1007 = vector.shape_cast %parallel_loop3A_1006 : vector<16xf32> to vector<16xf32>
          %parallel_loop3A_1008 = vector.shape_cast %parallel_loop3A_1004 : vector<16xf32> to vector<16xf32>
          tpu.vector_store %arg19[%parallel_loop3A_1005], %parallel_loop3A_1008 {strides = array<i32>} : memref<1024xf32, #tpu.memory_space<vmem>>, vector<16xf32>,
        } {sc.loop_unroll_factor = 4 : i64, sc.parallel_access}
        %dma_start3A_951 = arith.constant 0 : i32
        %dma_start3A_952 = tpu.memref_slice %arg22[%dma_start3A_951] : memref<1678336xf32, #tpu.memory_space<vmem_shared>> -> memref<1678336xf32, #tpu.memory_space<vmem_shared>>
        tpu.enqueue_indirect_dma source(%arg19 : memref<1024xf32, #tpu.memory_space<vmem>>) target(%dma_start3A_952 : memref<1678336xf32, #tpu.memory_space<vmem_shared>>) offsets(%arg18 : memref<1024xi32, #tpu.memory_space<vmem>>) semaphore(%arg28 : memref<!tpu.dma_semaphore, #tpu.memory_space<semaphore_mem>>) {add = true}
        %add3A_953 = arith.constant 3 : i32
        %add3A_954 = arith.addi %mul3A_810, %add3A_953 : i32
        %add3A_955 = arith.constant 2 : i32
        %add3A_956 = arith.addi %add3A_954, %add3A_955 : i32
        %mul3A_957 = arith.constant 106496 : i32
        %mul3A_958 = arith.muli %arg1, %mul3A_957 : i32
        %min3A_959 = arith.constant 103 : i32
        %min3A_960 = arith.minsi %add3A_956, %min3A_959 : i32
        %mul3A_961 = arith.constant 1024 : i32
        %mul3A_962 = arith.muli %min3A_960, %mul3A_961 : i32
        %add3A_963 = arith.addi %mul3A_958, %mul3A_962 : i32
        %dma_start3A_964 = tpu.memref_slice %arg2[%add3A_963] : memref<1703936xi32, #tpu.memory_space<hbm>> -> memref<1024xi32, #tpu.memory_space<hbm>>
        %dma_start3A_965 = tpu.memref_slice %arg2[%add3A_963] : memref<1703936xi32, #tpu.memory_space<hbm>> -> memref<1024xi32, #tpu.memory_space<hbm>>
        tpu.enqueue_dma source(%dma_start3A_965 : memref<1024xi32, #tpu.memory_space<hbm>>) target(%arg9 : memref<1024xi32, #tpu.memory_space<vmem>>) target_semaphore(%arg24 : memref<!tpu.dma_semaphore, #tpu.memory_space<semaphore_mem>>)
        %dma_start3A_966 = tpu.memref_slice %arg3[%add3A_963] : memref<1703936xi32, #tpu.memory_space<hbm>> -> memref<1024xi32, #tpu.memory_space<hbm>>
        %dma_start3A_967 = tpu.memref_slice %arg3[%add3A_963] : memref<1703936xi32, #tpu.memory_space<hbm>> -> memref<1024xi32, #tpu.memory_space<hbm>>
        tpu.enqueue_dma source(%dma_start3A_967 : memref<1024xi32, #tpu.memory_space<hbm>>) target(%arg10 : memref<1024xi32, #tpu.memory_space<vmem>>) target_semaphore(%arg24 : memref<!tpu.dma_semaphore, #tpu.memory_space<semaphore_mem>>)
        %dma_start3A_968 = tpu.memref_slice %arg4[%add3A_963] : memref<1703936xf32, #tpu.memory_space<hbm>> -> memref<1024xf32, #tpu.memory_space<hbm>>
        %dma_start3A_969 = tpu.memref_slice %arg4[%add3A_963] : memref<1703936xf32, #tpu.memory_space<hbm>> -> memref<1024xf32, #tpu.memory_space<hbm>>
        tpu.enqueue_dma source(%dma_start3A_969 : memref<1024xf32, #tpu.memory_space<hbm>>) target(%arg11 : memref<1024xf32, #tpu.memory_space<vmem>>) target_semaphore(%arg24 : memref<!tpu.dma_semaphore, #tpu.memory_space<semaphore_mem>>)
      }
      %scan3A_373 = arith.constant 26 : i32
      %dma_wait3A_374 = arith.constant 0 : i32
      %dma_wait3A_375 = tpu.memref_slice %arg22[%dma_wait3A_374] : memref<1678336xf32, #tpu.memory_space<vmem_shared>> -> memref<1678336xf32, #tpu.memory_space<vmem_shared>>
      tpu.wait_indirect_dma semaphore(%arg26 : memref<!tpu.dma_semaphore, #tpu.memory_space<semaphore_mem>>) src(%arg15 : memref<1024xf32, #tpu.memory_space<vmem>>) dst(%dma_wait3A_375 : memref<1678336xf32, #tpu.memory_space<vmem_shared>>)
      %dma_wait3A_376 = arith.constant 0 : i32
      %dma_wait3A_377 = tpu.memref_slice %arg22[%dma_wait3A_376] : memref<1678336xf32, #tpu.memory_space<vmem_shared>> -> memref<1678336xf32, #tpu.memory_space<vmem_shared>>
      tpu.wait_indirect_dma semaphore(%arg27 : memref<!tpu.dma_semaphore, #tpu.memory_space<semaphore_mem>>) src(%arg17 : memref<1024xf32, #tpu.memory_space<vmem>>) dst(%dma_wait3A_377 : memref<1678336xf32, #tpu.memory_space<vmem_shared>>)
      %dma_wait3A_378 = arith.constant 0 : i32
      %dma_wait3A_379 = tpu.memref_slice %arg22[%dma_wait3A_378] : memref<1678336xf32, #tpu.memory_space<vmem_shared>> -> memref<1678336xf32, #tpu.memory_space<vmem_shared>>
      tpu.wait_indirect_dma semaphore(%arg28 : memref<!tpu.dma_semaphore, #tpu.memory_space<semaphore_mem>>) src(%arg19 : memref<1024xf32, #tpu.memory_space<vmem>>) dst(%dma_wait3A_379 : memref<1678336xf32, #tpu.memory_space<vmem_shared>>)
      %mul3A_380 = arith.constant 106496 : i32
      %mul3A_381 = arith.muli %arg1, %mul3A_380 : i32
      %min3A_382 = arith.constant 103 : i32
      %min3A_383 = arith.constant 103 : i32
      %min3A_384 = arith.minsi %min3A_382, %min3A_383 : i32
      %mul3A_385 = arith.constant 1024 : i32
      %mul3A_386 = arith.muli %min3A_384, %mul3A_385 : i32
      %add3A_387 = arith.addi %mul3A_381, %mul3A_386 : i32
      %dma_wait3A_388 = tpu.memref_slice %arg2[%add3A_387] : memref<1703936xi32, #tpu.memory_space<hbm>> -> memref<1024xi32, #tpu.memory_space<hbm>>
      %dma_wait3A_389 = tpu.memref_slice %arg2[%add3A_387] : memref<1703936xi32, #tpu.memory_space<hbm>> -> memref<1024xi32, #tpu.memory_space<hbm>>
      tpu.wait_dma2 semaphore(%arg23 : memref<!tpu.dma_semaphore, #tpu.memory_space<semaphore_mem>>) src(%dma_wait3A_389 : memref<1024xi32, #tpu.memory_space<hbm>>) dst(%arg6 : memref<1024xi32, #tpu.memory_space<vmem>>)
      %dma_wait3A_390 = tpu.memref_slice %arg3[%add3A_387] : memref<1703936xi32, #tpu.memory_space<hbm>> -> memref<1024xi32, #tpu.memory_space<hbm>>
      %dma_wait3A_391 = tpu.memref_slice %arg3[%add3A_387] : memref<1703936xi32, #tpu.memory_space<hbm>> -> memref<1024xi32, #tpu.memory_space<hbm>>
      tpu.wait_dma2 semaphore(%arg23 : memref<!tpu.dma_semaphore, #tpu.memory_space<semaphore_mem>>) src(%dma_wait3A_391 : memref<1024xi32, #tpu.memory_space<hbm>>) dst(%arg7 : memref<1024xi32, #tpu.memory_space<vmem>>)
      %dma_wait3A_392 = tpu.memref_slice %arg4[%add3A_387] : memref<1703936xf32, #tpu.memory_space<hbm>> -> memref<1024xf32, #tpu.memory_space<hbm>>
      %dma_wait3A_393 = tpu.memref_slice %arg4[%add3A_387] : memref<1703936xf32, #tpu.memory_space<hbm>> -> memref<1024xf32, #tpu.memory_space<hbm>>
      tpu.wait_dma2 semaphore(%arg23 : memref<!tpu.dma_semaphore, #tpu.memory_space<semaphore_mem>>) src(%dma_wait3A_393 : memref<1024xf32, #tpu.memory_space<hbm>>) dst(%arg8 : memref<1024xf32, #tpu.memory_space<vmem>>)
      %mul3A_394 = arith.constant 106496 : i32
      %mul3A_395 = arith.muli %arg1, %mul3A_394 : i32
      %min3A_396 = arith.constant 103 : i32
      %min3A_397 = arith.constant 103 : i32
      %min3A_398 = arith.minsi %min3A_396, %min3A_397 : i32
      %mul3A_399 = arith.constant 1024 : i32
      %mul3A_400 = arith.muli %min3A_398, %mul3A_399 : i32
      %add3A_401 = arith.addi %mul3A_395, %mul3A_400 : i32
      %dma_wait3A_402 = tpu.memref_slice %arg2[%add3A_401] : memref<1703936xi32, #tpu.memory_space<hbm>> -> memref<1024xi32, #tpu.memory_space<hbm>>
      %dma_wait3A_403 = tpu.memref_slice %arg2[%add3A_401] : memref<1703936xi32, #tpu.memory_space<hbm>> -> memref<1024xi32, #tpu.memory_space<hbm>>
      tpu.wait_dma2 semaphore(%arg24 : memref<!tpu.dma_semaphore, #tpu.memory_space<semaphore_mem>>) src(%dma_wait3A_403 : memref<1024xi32, #tpu.memory_space<hbm>>) dst(%arg9 : memref<1024xi32, #tpu.memory_space<vmem>>)
      %dma_wait3A_404 = tpu.memref_slice %arg3[%add3A_401] : memref<1703936xi32, #tpu.memory_space<hbm>> -> memref<1024xi32, #tpu.memory_space<hbm>>
      %dma_wait3A_405 = tpu.memref_slice %arg3[%add3A_401] : memref<1703936xi32, #tpu.memory_space<hbm>> -> memref<1024xi32, #tpu.memory_space<hbm>>
      tpu.wait_dma2 semaphore(%arg24 : memref<!tpu.dma_semaphore, #tpu.memory_space<semaphore_mem>>) src(%dma_wait3A_405 : memref<1024xi32, #tpu.memory_space<hbm>>) dst(%arg10 : memref<1024xi32, #tpu.memory_space<vmem>>)
      %dma_wait3A_406 = tpu.memref_slice %arg4[%add3A_401] : memref<1703936xf32, #tpu.memory_space<hbm>> -> memref<1024xf32, #tpu.memory_space<hbm>>
      %dma_wait3A_407 = tpu.memref_slice %arg4[%add3A_401] : memref<1703936xf32, #tpu.memory_space<hbm>> -> memref<1024xf32, #tpu.memory_space<hbm>>
      tpu.wait_dma2 semaphore(%arg24 : memref<!tpu.dma_semaphore, #tpu.memory_space<semaphore_mem>>) src(%dma_wait3A_407 : memref<1024xf32, #tpu.memory_space<hbm>>) dst(%arg11 : memref<1024xf32, #tpu.memory_space<vmem>>)
      %barrier3A_408 = arith.constant 0 : index
      tpu.barrier barrier_id(%barrier3A_408)
      %mul3A_409 = arith.constant 104896 : i32
      %mul3A_410 = arith.muli %arg1, %mul3A_409 : i32
      %add3A_411 = arith.constant 0 : i32
      %add3A_412 = arith.addi %mul3A_410, %add3A_411 : i32
      "tpu.region"() ({
        %run_scoped3A = tpu.sem_alloc : memref<!tpu.dma_semaphore, #tpu.memory_space<semaphore_mem>>
        %dma_start3A_808 = arith.constant 0 : i32
        %dma_start3A_809 = tpu.memref_slice %arg20[%dma_start3A_808] : memref<5712xf32, #tpu.memory_space<vmem>> -> memref<5712xf32, #tpu.memory_space<vmem>>
        %dma_start3A_810 = tpu.memref_slice %arg22[%add3A_412] : memref<1678336xf32, #tpu.memory_space<vmem_shared>> -> memref<5712xf32, #tpu.memory_space<vmem_shared>>
        %dma_start3A_811 = arith.constant 0 : i32
        %dma_start3A_812 = tpu.memref_slice %arg20[%dma_start3A_811] : memref<5712xf32, #tpu.memory_space<vmem>> -> memref<5712xf32, #tpu.memory_space<vmem>>
        %dma_start3A_813 = tpu.memref_slice %arg22[%add3A_412] : memref<1678336xf32, #tpu.memory_space<vmem_shared>> -> memref<5712xf32, #tpu.memory_space<vmem_shared>>
        tpu.enqueue_dma source(%dma_start3A_813 : memref<5712xf32, #tpu.memory_space<vmem_shared>>) target(%dma_start3A_812 : memref<5712xf32, #tpu.memory_space<vmem>>) target_semaphore(%run_scoped3A : memref<!tpu.dma_semaphore, #tpu.memory_space<semaphore_mem>>)
        %dma_wait3A_814 = arith.constant 0 : i32
        %dma_wait3A_815 = tpu.memref_slice %arg20[%dma_wait3A_814] : memref<5712xf32, #tpu.memory_space<vmem>> -> memref<5712xf32, #tpu.memory_space<vmem>>
        %dma_wait3A_816 = tpu.memref_slice %arg22[%add3A_412] : memref<1678336xf32, #tpu.memory_space<vmem_shared>> -> memref<5712xf32, #tpu.memory_space<vmem_shared>>
        %dma_wait3A_817 = arith.constant 0 : i32
        %dma_wait3A_818 = tpu.memref_slice %arg20[%dma_wait3A_817] : memref<5712xf32, #tpu.memory_space<vmem>> -> memref<5712xf32, #tpu.memory_space<vmem>>
        %dma_wait3A_819 = tpu.memref_slice %arg22[%add3A_412] : memref<1678336xf32, #tpu.memory_space<vmem_shared>> -> memref<5712xf32, #tpu.memory_space<vmem_shared>>
        tpu.wait_dma2 semaphore(%run_scoped3A : memref<!tpu.dma_semaphore, #tpu.memory_space<semaphore_mem>>) src(%dma_wait3A_819 : memref<5712xf32, #tpu.memory_space<vmem_shared>>) dst(%dma_wait3A_818 : memref<5712xf32, #tpu.memory_space<vmem>>)
        tpu.yield
      }) : () -> ()
      %mul3A_413 = arith.constant 104896 : i32
      %mul3A_414 = arith.muli %arg1, %mul3A_413 : i32
      %add3A_415 = arith.addi %add3A, %mul3A_414 : i32
      %add3A_416 = arith.constant 0 : i32
      %add3A_417 = arith.addi %add3A_415, %add3A_416 : i32
      %dma_start3A_418 = arith.constant 0 : i32
      %dma_start3A_419 = tpu.memref_slice %arg20[%dma_start3A_418] : memref<5712xf32, #tpu.memory_space<vmem>> -> memref<5712xf32, #tpu.memory_space<vmem>>
      %dma_start3A_420 = tpu.memref_slice %arg5[%add3A_417] : memref<16780288xf32, #tpu.memory_space<hbm>> -> memref<5712xf32, #tpu.memory_space<hbm>>
      %dma_start3A_421 = tpu.memref_slice %arg5[%add3A_417] : memref<16780288xf32, #tpu.memory_space<hbm>> -> memref<5712xf32, #tpu.memory_space<hbm>>
      %dma_start3A_422 = arith.constant 0 : i32
      %dma_start3A_423 = tpu.memref_slice %arg20[%dma_start3A_422] : memref<5712xf32, #tpu.memory_space<vmem>> -> memref<5712xf32, #tpu.memory_space<vmem>>
      tpu.enqueue_dma source(%dma_start3A_423 : memref<5712xf32, #tpu.memory_space<vmem>>) target(%dma_start3A_421 : memref<5712xf32, #tpu.memory_space<hbm>>) target_semaphore(%arg29 : memref<!tpu.dma_semaphore, #tpu.memory_space<semaphore_mem>>)
      %mul3A_424 = arith.constant 104896 : i32
      %mul3A_425 = arith.muli %arg1, %mul3A_424 : i32
      %add3A_426 = arith.constant 5712 : i32
      %add3A_427 = arith.addi %mul3A_425, %add3A_426 : i32
      "tpu.region"() ({
        %run_scoped3A = tpu.sem_alloc : memref<!tpu.dma_semaphore, #tpu.memory_space<semaphore_mem>>
        %dma_start3A_808 = arith.constant 0 : i32
        %dma_start3A_809 = tpu.memref_slice %arg21[%dma_start3A_808] : memref<5712xf32, #tpu.memory_space<vmem>> -> memref<5712xf32, #tpu.memory_space<vmem>>
        %dma_start3A_810 = tpu.memref_slice %arg22[%add3A_427] : memref<1678336xf32, #tpu.memory_space<vmem_shared>> -> memref<5712xf32, #tpu.memory_space<vmem_shared>>
        %dma_start3A_811 = arith.constant 0 : i32
        %dma_start3A_812 = tpu.memref_slice %arg21[%dma_start3A_811] : memref<5712xf32, #tpu.memory_space<vmem>> -> memref<5712xf32, #tpu.memory_space<vmem>>
        %dma_start3A_813 = tpu.memref_slice %arg22[%add3A_427] : memref<1678336xf32, #tpu.memory_space<vmem_shared>> -> memref<5712xf32, #tpu.memory_space<vmem_shared>>
        tpu.enqueue_dma source(%dma_start3A_813 : memref<5712xf32, #tpu.memory_space<vmem_shared>>) target(%dma_start3A_812 : memref<5712xf32, #tpu.memory_space<vmem>>) target_semaphore(%run_scoped3A : memref<!tpu.dma_semaphore, #tpu.memory_space<semaphore_mem>>)
        %dma_wait3A_814 = arith.constant 0 : i32
        %dma_wait3A_815 = tpu.memref_slice %arg21[%dma_wait3A_814] : memref<5712xf32, #tpu.memory_space<vmem>> -> memref<5712xf32, #tpu.memory_space<vmem>>
        %dma_wait3A_816 = tpu.memref_slice %arg22[%add3A_427] : memref<1678336xf32, #tpu.memory_space<vmem_shared>> -> memref<5712xf32, #tpu.memory_space<vmem_shared>>
        %dma_wait3A_817 = arith.constant 0 : i32
        %dma_wait3A_818 = tpu.memref_slice %arg21[%dma_wait3A_817] : memref<5712xf32, #tpu.memory_space<vmem>> -> memref<5712xf32, #tpu.memory_space<vmem>>
        %dma_wait3A_819 = tpu.memref_slice %arg22[%add3A_427] : memref<1678336xf32, #tpu.memory_space<vmem_shared>> -> memref<5712xf32, #tpu.memory_space<vmem_shared>>
        tpu.wait_dma2 semaphore(%run_scoped3A : memref<!tpu.dma_semaphore, #tpu.memory_space<semaphore_mem>>) src(%dma_wait3A_819 : memref<5712xf32, #tpu.memory_space<vmem_shared>>) dst(%dma_wait3A_818 : memref<5712xf32, #tpu.memory_space<vmem>>)
        tpu.yield
      }) : () -> ()
      %mul3A_428 = arith.constant 104896 : i32
      %mul3A_429 = arith.muli %arg1, %mul3A_428 : i32
      %add3A_430 = arith.addi %add3A, %mul3A_429 : i32
      %add3A_431 = arith.constant 5712 : i32
      %add3A_432 = arith.addi %add3A_430, %add3A_431 : i32
      %dma_start3A_433 = arith.constant 0 : i32
      %dma_start3A_434 = tpu.memref_slice %arg21[%dma_start3A_433] : memref<5712xf32, #tpu.memory_space<vmem>> -> memref<5712xf32, #tpu.memory_space<vmem>>
      %dma_start3A_435 = tpu.memref_slice %arg5[%add3A_432] : memref<16780288xf32, #tpu.memory_space<hbm>> -> memref<5712xf32, #tpu.memory_space<hbm>>
      %dma_start3A_436 = tpu.memref_slice %arg5[%add3A_432] : memref<16780288xf32, #tpu.memory_space<hbm>> -> memref<5712xf32, #tpu.memory_space<hbm>>
      %dma_start3A_437 = arith.constant 0 : i32
      %dma_start3A_438 = tpu.memref_slice %arg21[%dma_start3A_437] : memref<5712xf32, #tpu.memory_space<vmem>> -> memref<5712xf32, #tpu.memory_space<vmem>>
      tpu.enqueue_dma source(%dma_start3A_438 : memref<5712xf32, #tpu.memory_space<vmem>>) target(%dma_start3A_436 : memref<5712xf32, #tpu.memory_space<hbm>>) target_semaphore(%arg29 : memref<!tpu.dma_semaphore, #tpu.memory_space<semaphore_mem>>)
      %dma_wait3A_439 = arith.constant 0 : i32
      %dma_wait3A_440 = tpu.memref_slice %arg20[%dma_wait3A_439] : memref<5712xf32, #tpu.memory_space<vmem>> -> memref<5712xf32, #tpu.memory_space<vmem>>
      %dma_wait3A_441 = tpu.memref_slice %arg5[%add3A_417] : memref<16780288xf32, #tpu.memory_space<hbm>> -> memref<5712xf32, #tpu.memory_space<hbm>>
      %dma_wait3A_442 = tpu.memref_slice %arg5[%add3A_417] : memref<16780288xf32, #tpu.memory_space<hbm>> -> memref<5712xf32, #tpu.memory_space<hbm>>
      %dma_wait3A_443 = arith.constant 0 : i32
      %dma_wait3A_444 = tpu.memref_slice %arg20[%dma_wait3A_443] : memref<5712xf32, #tpu.memory_space<vmem>> -> memref<5712xf32, #tpu.memory_space<vmem>>
      tpu.wait_dma2 semaphore(%arg29 : memref<!tpu.dma_semaphore, #tpu.memory_space<semaphore_mem>>) src(%dma_wait3A_444 : memref<5712xf32, #tpu.memory_space<vmem>>) dst(%dma_wait3A_442 : memref<5712xf32, #tpu.memory_space<hbm>>)
      %mul3A_445 = arith.constant 104896 : i32
      %mul3A_446 = arith.muli %arg1, %mul3A_445 : i32
      %add3A_447 = arith.constant 11424 : i32
      %add3A_448 = arith.addi %mul3A_446, %add3A_447 : i32
      "tpu.region"() ({
        %run_scoped3A = tpu.sem_alloc : memref<!tpu.dma_semaphore, #tpu.memory_space<semaphore_mem>>
        %dma_start3A_808 = arith.constant 0 : i32
        %dma_start3A_809 = tpu.memref_slice %arg20[%dma_start3A_808] : memref<5712xf32, #tpu.memory_space<vmem>> -> memref<5712xf32, #tpu.memory_space<vmem>>
        %dma_start3A_810 = tpu.memref_slice %arg22[%add3A_448] : memref<1678336xf32, #tpu.memory_space<vmem_shared>> -> memref<5712xf32, #tpu.memory_space<vmem_shared>>
        %dma_start3A_811 = arith.constant 0 : i32
        %dma_start3A_812 = tpu.memref_slice %arg20[%dma_start3A_811] : memref<5712xf32, #tpu.memory_space<vmem>> -> memref<5712xf32, #tpu.memory_space<vmem>>
        %dma_start3A_813 = tpu.memref_slice %arg22[%add3A_448] : memref<1678336xf32, #tpu.memory_space<vmem_shared>> -> memref<5712xf32, #tpu.memory_space<vmem_shared>>
        tpu.enqueue_dma source(%dma_start3A_813 : memref<5712xf32, #tpu.memory_space<vmem_shared>>) target(%dma_start3A_812 : memref<5712xf32, #tpu.memory_space<vmem>>) target_semaphore(%run_scoped3A : memref<!tpu.dma_semaphore, #tpu.memory_space<semaphore_mem>>)
        %dma_wait3A_814 = arith.constant 0 : i32
        %dma_wait3A_815 = tpu.memref_slice %arg20[%dma_wait3A_814] : memref<5712xf32, #tpu.memory_space<vmem>> -> memref<5712xf32, #tpu.memory_space<vmem>>
        %dma_wait3A_816 = tpu.memref_slice %arg22[%add3A_448] : memref<1678336xf32, #tpu.memory_space<vmem_shared>> -> memref<5712xf32, #tpu.memory_space<vmem_shared>>
        %dma_wait3A_817 = arith.constant 0 : i32
        %dma_wait3A_818 = tpu.memref_slice %arg20[%dma_wait3A_817] : memref<5712xf32, #tpu.memory_space<vmem>> -> memref<5712xf32, #tpu.memory_space<vmem>>
        %dma_wait3A_819 = tpu.memref_slice %arg22[%add3A_448] : memref<1678336xf32, #tpu.memory_space<vmem_shared>> -> memref<5712xf32, #tpu.memory_space<vmem_shared>>
        tpu.wait_dma2 semaphore(%run_scoped3A : memref<!tpu.dma_semaphore, #tpu.memory_space<semaphore_mem>>) src(%dma_wait3A_819 : memref<5712xf32, #tpu.memory_space<vmem_shared>>) dst(%dma_wait3A_818 : memref<5712xf32, #tpu.memory_space<vmem>>)
        tpu.yield
      }) : () -> ()
      %mul3A_449 = arith.constant 104896 : i32
      %mul3A_450 = arith.muli %arg1, %mul3A_449 : i32
      %add3A_451 = arith.addi %add3A, %mul3A_450 : i32
      %add3A_452 = arith.constant 11424 : i32
      %add3A_453 = arith.addi %add3A_451, %add3A_452 : i32
      %dma_start3A_454 = arith.constant 0 : i32
      %dma_start3A_455 = tpu.memref_slice %arg20[%dma_start3A_454] : memref<5712xf32, #tpu.memory_space<vmem>> -> memref<5712xf32, #tpu.memory_space<vmem>>
      %dma_start3A_456 = tpu.memref_slice %arg5[%add3A_453] : memref<16780288xf32, #tpu.memory_space<hbm>> -> memref<5712xf32, #tpu.memory_space<hbm>>
      %dma_start3A_457 = tpu.memref_slice %arg5[%add3A_453] : memref<16780288xf32, #tpu.memory_space<hbm>> -> memref<5712xf32, #tpu.memory_space<hbm>>
      %dma_start3A_458 = arith.constant 0 : i32
      %dma_start3A_459 = tpu.memref_slice %arg20[%dma_start3A_458] : memref<5712xf32, #tpu.memory_space<vmem>> -> memref<5712xf32, #tpu.memory_space<vmem>>
      tpu.enqueue_dma source(%dma_start3A_459 : memref<5712xf32, #tpu.memory_space<vmem>>) target(%dma_start3A_457 : memref<5712xf32, #tpu.memory_space<hbm>>) target_semaphore(%arg29 : memref<!tpu.dma_semaphore, #tpu.memory_space<semaphore_mem>>)
      %dma_wait3A_460 = arith.constant 0 : i32
      %dma_wait3A_461 = tpu.memref_slice %arg21[%dma_wait3A_460] : memref<5712xf32, #tpu.memory_space<vmem>> -> memref<5712xf32, #tpu.memory_space<vmem>>
      %dma_wait3A_462 = tpu.memref_slice %arg5[%add3A_432] : memref<16780288xf32, #tpu.memory_space<hbm>> -> memref<5712xf32, #tpu.memory_space<hbm>>
      %dma_wait3A_463 = tpu.memref_slice %arg5[%add3A_432] : memref<16780288xf32, #tpu.memory_space<hbm>> -> memref<5712xf32, #tpu.memory_space<hbm>>
      %dma_wait3A_464 = arith.constant 0 : i32
      %dma_wait3A_465 = tpu.memref_slice %arg21[%dma_wait3A_464] : memref<5712xf32, #tpu.memory_space<vmem>> -> memref<5712xf32, #tpu.memory_space<vmem>>
      tpu.wait_dma2 semaphore(%arg29 : memref<!tpu.dma_semaphore, #tpu.memory_space<semaphore_mem>>) src(%dma_wait3A_465 : memref<5712xf32, #tpu.memory_space<vmem>>) dst(%dma_wait3A_463 : memref<5712xf32, #tpu.memory_space<hbm>>)
      %mul3A_466 = arith.constant 104896 : i32
      %mul3A_467 = arith.muli %arg1, %mul3A_466 : i32
      %add3A_468 = arith.constant 17136 : i32
      %add3A_469 = arith.addi %mul3A_467, %add3A_468 : i32
      "tpu.region"() ({
        %run_scoped3A = tpu.sem_alloc : memref<!tpu.dma_semaphore, #tpu.memory_space<semaphore_mem>>
        %dma_start3A_808 = arith.constant 0 : i32
        %dma_start3A_809 = tpu.memref_slice %arg21[%dma_start3A_808] : memref<5712xf32, #tpu.memory_space<vmem>> -> memref<5712xf32, #tpu.memory_space<vmem>>
        %dma_start3A_810 = tpu.memref_slice %arg22[%add3A_469] : memref<1678336xf32, #tpu.memory_space<vmem_shared>> -> memref<5712xf32, #tpu.memory_space<vmem_shared>>
        %dma_start3A_811 = arith.constant 0 : i32
        %dma_start3A_812 = tpu.memref_slice %arg21[%dma_start3A_811] : memref<5712xf32, #tpu.memory_space<vmem>> -> memref<5712xf32, #tpu.memory_space<vmem>>
        %dma_start3A_813 = tpu.memref_slice %arg22[%add3A_469] : memref<1678336xf32, #tpu.memory_space<vmem_shared>> -> memref<5712xf32, #tpu.memory_space<vmem_shared>>
        tpu.enqueue_dma source(%dma_start3A_813 : memref<5712xf32, #tpu.memory_space<vmem_shared>>) target(%dma_start3A_812 : memref<5712xf32, #tpu.memory_space<vmem>>) target_semaphore(%run_scoped3A : memref<!tpu.dma_semaphore, #tpu.memory_space<semaphore_mem>>)
        %dma_wait3A_814 = arith.constant 0 : i32
        %dma_wait3A_815 = tpu.memref_slice %arg21[%dma_wait3A_814] : memref<5712xf32, #tpu.memory_space<vmem>> -> memref<5712xf32, #tpu.memory_space<vmem>>
        %dma_wait3A_816 = tpu.memref_slice %arg22[%add3A_469] : memref<1678336xf32, #tpu.memory_space<vmem_shared>> -> memref<5712xf32, #tpu.memory_space<vmem_shared>>
        %dma_wait3A_817 = arith.constant 0 : i32
        %dma_wait3A_818 = tpu.memref_slice %arg21[%dma_wait3A_817] : memref<5712xf32, #tpu.memory_space<vmem>> -> memref<5712xf32, #tpu.memory_space<vmem>>
        %dma_wait3A_819 = tpu.memref_slice %arg22[%add3A_469] : memref<1678336xf32, #tpu.memory_space<vmem_shared>> -> memref<5712xf32, #tpu.memory_space<vmem_shared>>
        tpu.wait_dma2 semaphore(%run_scoped3A : memref<!tpu.dma_semaphore, #tpu.memory_space<semaphore_mem>>) src(%dma_wait3A_819 : memref<5712xf32, #tpu.memory_space<vmem_shared>>) dst(%dma_wait3A_818 : memref<5712xf32, #tpu.memory_space<vmem>>)
        tpu.yield
      }) : () -> ()
      %mul3A_470 = arith.constant 104896 : i32
      %mul3A_471 = arith.muli %arg1, %mul3A_470 : i32
      %add3A_472 = arith.addi %add3A, %mul3A_471 : i32
      %add3A_473 = arith.constant 17136 : i32
      %add3A_474 = arith.addi %add3A_472, %add3A_473 : i32
      %dma_start3A_475 = arith.constant 0 : i32
      %dma_start3A_476 = tpu.memref_slice %arg21[%dma_start3A_475] : memref<5712xf32, #tpu.memory_space<vmem>> -> memref<5712xf32, #tpu.memory_space<vmem>>
      %dma_start3A_477 = tpu.memref_slice %arg5[%add3A_474] : memref<16780288xf32, #tpu.memory_space<hbm>> -> memref<5712xf32, #tpu.memory_space<hbm>>
      %dma_start3A_478 = tpu.memref_slice %arg5[%add3A_474] : memref<16780288xf32, #tpu.memory_space<hbm>> -> memref<5712xf32, #tpu.memory_space<hbm>>
      %dma_start3A_479 = arith.constant 0 : i32
      %dma_start3A_480 = tpu.memref_slice %arg21[%dma_start3A_479] : memref<5712xf32, #tpu.memory_space<vmem>> -> memref<5712xf32, #tpu.memory_space<vmem>>
      tpu.enqueue_dma source(%dma_start3A_480 : memref<5712xf32, #tpu.memory_space<vmem>>) target(%dma_start3A_478 : memref<5712xf32, #tpu.memory_space<hbm>>) target_semaphore(%arg29 : memref<!tpu.dma_semaphore, #tpu.memory_space<semaphore_mem>>)
      %dma_wait3A_481 = arith.constant 0 : i32
      %dma_wait3A_482 = tpu.memref_slice %arg20[%dma_wait3A_481] : memref<5712xf32, #tpu.memory_space<vmem>> -> memref<5712xf32, #tpu.memory_space<vmem>>
      %dma_wait3A_483 = tpu.memref_slice %arg5[%add3A_453] : memref<16780288xf32, #tpu.memory_space<hbm>> -> memref<5712xf32, #tpu.memory_space<hbm>>
      %dma_wait3A_484 = tpu.memref_slice %arg5[%add3A_453] : memref<16780288xf32, #tpu.memory_space<hbm>> -> memref<5712xf32, #tpu.memory_space<hbm>>
      %dma_wait3A_485 = arith.constant 0 : i32
      %dma_wait3A_486 = tpu.memref_slice %arg20[%dma_wait3A_485] : memref<5712xf32, #tpu.memory_space<vmem>> -> memref<5712xf32, #tpu.memory_space<vmem>>
      tpu.wait_dma2 semaphore(%arg29 : memref<!tpu.dma_semaphore, #tpu.memory_space<semaphore_mem>>) src(%dma_wait3A_486 : memref<5712xf32, #tpu.memory_space<vmem>>) dst(%dma_wait3A_484 : memref<5712xf32, #tpu.memory_space<hbm>>)
      %mul3A_487 = arith.constant 104896 : i32
      %mul3A_488 = arith.muli %arg1, %mul3A_487 : i32
      %add3A_489 = arith.constant 22848 : i32
      %add3A_490 = arith.addi %mul3A_488, %add3A_489 : i32
      "tpu.region"() ({
        %run_scoped3A = tpu.sem_alloc : memref<!tpu.dma_semaphore, #tpu.memory_space<semaphore_mem>>
        %dma_start3A_808 = arith.constant 0 : i32
        %dma_start3A_809 = tpu.memref_slice %arg20[%dma_start3A_808] : memref<5712xf32, #tpu.memory_space<vmem>> -> memref<5712xf32, #tpu.memory_space<vmem>>
        %dma_start3A_810 = tpu.memref_slice %arg22[%add3A_490] : memref<1678336xf32, #tpu.memory_space<vmem_shared>> -> memref<5712xf32, #tpu.memory_space<vmem_shared>>
        %dma_start3A_811 = arith.constant 0 : i32
        %dma_start3A_812 = tpu.memref_slice %arg20[%dma_start3A_811] : memref<5712xf32, #tpu.memory_space<vmem>> -> memref<5712xf32, #tpu.memory_space<vmem>>
        %dma_start3A_813 = tpu.memref_slice %arg22[%add3A_490] : memref<1678336xf32, #tpu.memory_space<vmem_shared>> -> memref<5712xf32, #tpu.memory_space<vmem_shared>>
        tpu.enqueue_dma source(%dma_start3A_813 : memref<5712xf32, #tpu.memory_space<vmem_shared>>) target(%dma_start3A_812 : memref<5712xf32, #tpu.memory_space<vmem>>) target_semaphore(%run_scoped3A : memref<!tpu.dma_semaphore, #tpu.memory_space<semaphore_mem>>)
        %dma_wait3A_814 = arith.constant 0 : i32
        %dma_wait3A_815 = tpu.memref_slice %arg20[%dma_wait3A_814] : memref<5712xf32, #tpu.memory_space<vmem>> -> memref<5712xf32, #tpu.memory_space<vmem>>
        %dma_wait3A_816 = tpu.memref_slice %arg22[%add3A_490] : memref<1678336xf32, #tpu.memory_space<vmem_shared>> -> memref<5712xf32, #tpu.memory_space<vmem_shared>>
        %dma_wait3A_817 = arith.constant 0 : i32
        %dma_wait3A_818 = tpu.memref_slice %arg20[%dma_wait3A_817] : memref<5712xf32, #tpu.memory_space<vmem>> -> memref<5712xf32, #tpu.memory_space<vmem>>
        %dma_wait3A_819 = tpu.memref_slice %arg22[%add3A_490] : memref<1678336xf32, #tpu.memory_space<vmem_shared>> -> memref<5712xf32, #tpu.memory_space<vmem_shared>>
        tpu.wait_dma2 semaphore(%run_scoped3A : memref<!tpu.dma_semaphore, #tpu.memory_space<semaphore_mem>>) src(%dma_wait3A_819 : memref<5712xf32, #tpu.memory_space<vmem_shared>>) dst(%dma_wait3A_818 : memref<5712xf32, #tpu.memory_space<vmem>>)
        tpu.yield
      }) : () -> ()
      %mul3A_491 = arith.constant 104896 : i32
      %mul3A_492 = arith.muli %arg1, %mul3A_491 : i32
      %add3A_493 = arith.addi %add3A, %mul3A_492 : i32
      %add3A_494 = arith.constant 22848 : i32
      %add3A_495 = arith.addi %add3A_493, %add3A_494 : i32
      %dma_start3A_496 = arith.constant 0 : i32
      %dma_start3A_497 = tpu.memref_slice %arg20[%dma_start3A_496] : memref<5712xf32, #tpu.memory_space<vmem>> -> memref<5712xf32, #tpu.memory_space<vmem>>
      %dma_start3A_498 = tpu.memref_slice %arg5[%add3A_495] : memref<16780288xf32, #tpu.memory_space<hbm>> -> memref<5712xf32, #tpu.memory_space<hbm>>
      %dma_start3A_499 = tpu.memref_slice %arg5[%add3A_495] : memref<16780288xf32, #tpu.memory_space<hbm>> -> memref<5712xf32, #tpu.memory_space<hbm>>
      %dma_start3A_500 = arith.constant 0 : i32
      %dma_start3A_501 = tpu.memref_slice %arg20[%dma_start3A_500] : memref<5712xf32, #tpu.memory_space<vmem>> -> memref<5712xf32, #tpu.memory_space<vmem>>
      tpu.enqueue_dma source(%dma_start3A_501 : memref<5712xf32, #tpu.memory_space<vmem>>) target(%dma_start3A_499 : memref<5712xf32, #tpu.memory_space<hbm>>) target_semaphore(%arg29 : memref<!tpu.dma_semaphore, #tpu.memory_space<semaphore_mem>>)
      %dma_wait3A_502 = arith.constant 0 : i32
      %dma_wait3A_503 = tpu.memref_slice %arg21[%dma_wait3A_502] : memref<5712xf32, #tpu.memory_space<vmem>> -> memref<5712xf32, #tpu.memory_space<vmem>>
      %dma_wait3A_504 = tpu.memref_slice %arg5[%add3A_474] : memref<16780288xf32, #tpu.memory_space<hbm>> -> memref<5712xf32, #tpu.memory_space<hbm>>
      %dma_wait3A_505 = tpu.memref_slice %arg5[%add3A_474] : memref<16780288xf32, #tpu.memory_space<hbm>> -> memref<5712xf32, #tpu.memory_space<hbm>>
      %dma_wait3A_506 = arith.constant 0 : i32
      %dma_wait3A_507 = tpu.memref_slice %arg21[%dma_wait3A_506] : memref<5712xf32, #tpu.memory_space<vmem>> -> memref<5712xf32, #tpu.memory_space<vmem>>
      tpu.wait_dma2 semaphore(%arg29 : memref<!tpu.dma_semaphore, #tpu.memory_space<semaphore_mem>>) src(%dma_wait3A_507 : memref<5712xf32, #tpu.memory_space<vmem>>) dst(%dma_wait3A_505 : memref<5712xf32, #tpu.memory_space<hbm>>)
      %mul3A_508 = arith.constant 104896 : i32
      %mul3A_509 = arith.muli %arg1, %mul3A_508 : i32
      %add3A_510 = arith.constant 28560 : i32
      %add3A_511 = arith.addi %mul3A_509, %add3A_510 : i32
      "tpu.region"() ({
        %run_scoped3A = tpu.sem_alloc : memref<!tpu.dma_semaphore, #tpu.memory_space<semaphore_mem>>
        %dma_start3A_808 = arith.constant 0 : i32
        %dma_start3A_809 = tpu.memref_slice %arg21[%dma_start3A_808] : memref<5712xf32, #tpu.memory_space<vmem>> -> memref<5712xf32, #tpu.memory_space<vmem>>
        %dma_start3A_810 = tpu.memref_slice %arg22[%add3A_511] : memref<1678336xf32, #tpu.memory_space<vmem_shared>> -> memref<5712xf32, #tpu.memory_space<vmem_shared>>
        %dma_start3A_811 = arith.constant 0 : i32
        %dma_start3A_812 = tpu.memref_slice %arg21[%dma_start3A_811] : memref<5712xf32, #tpu.memory_space<vmem>> -> memref<5712xf32, #tpu.memory_space<vmem>>
        %dma_start3A_813 = tpu.memref_slice %arg22[%add3A_511] : memref<1678336xf32, #tpu.memory_space<vmem_shared>> -> memref<5712xf32, #tpu.memory_space<vmem_shared>>
        tpu.enqueue_dma source(%dma_start3A_813 : memref<5712xf32, #tpu.memory_space<vmem_shared>>) target(%dma_start3A_812 : memref<5712xf32, #tpu.memory_space<vmem>>) target_semaphore(%run_scoped3A : memref<!tpu.dma_semaphore, #tpu.memory_space<semaphore_mem>>)
        %dma_wait3A_814 = arith.constant 0 : i32
        %dma_wait3A_815 = tpu.memref_slice %arg21[%dma_wait3A_814] : memref<5712xf32, #tpu.memory_space<vmem>> -> memref<5712xf32, #tpu.memory_space<vmem>>
        %dma_wait3A_816 = tpu.memref_slice %arg22[%add3A_511] : memref<1678336xf32, #tpu.memory_space<vmem_shared>> -> memref<5712xf32, #tpu.memory_space<vmem_shared>>
        %dma_wait3A_817 = arith.constant 0 : i32
        %dma_wait3A_818 = tpu.memref_slice %arg21[%dma_wait3A_817] : memref<5712xf32, #tpu.memory_space<vmem>> -> memref<5712xf32, #tpu.memory_space<vmem>>
        %dma_wait3A_819 = tpu.memref_slice %arg22[%add3A_511] : memref<1678336xf32, #tpu.memory_space<vmem_shared>> -> memref<5712xf32, #tpu.memory_space<vmem_shared>>
        tpu.wait_dma2 semaphore(%run_scoped3A : memref<!tpu.dma_semaphore, #tpu.memory_space<semaphore_mem>>) src(%dma_wait3A_819 : memref<5712xf32, #tpu.memory_space<vmem_shared>>) dst(%dma_wait3A_818 : memref<5712xf32, #tpu.memory_space<vmem>>)
        tpu.yield
      }) : () -> ()
      %mul3A_512 = arith.constant 104896 : i32
      %mul3A_513 = arith.muli %arg1, %mul3A_512 : i32
      %add3A_514 = arith.addi %add3A, %mul3A_513 : i32
      %add3A_515 = arith.constant 28560 : i32
      %add3A_516 = arith.addi %add3A_514, %add3A_515 : i32
      %dma_start3A_517 = arith.constant 0 : i32
      %dma_start3A_518 = tpu.memref_slice %arg21[%dma_start3A_517] : memref<5712xf32, #tpu.memory_space<vmem>> -> memref<5712xf32, #tpu.memory_space<vmem>>
      %dma_start3A_519 = tpu.memref_slice %arg5[%add3A_516] : memref<16780288xf32, #tpu.memory_space<hbm>> -> memref<5712xf32, #tpu.memory_space<hbm>>
      %dma_start3A_520 = tpu.memref_slice %arg5[%add3A_516] : memref<16780288xf32, #tpu.memory_space<hbm>> -> memref<5712xf32, #tpu.memory_space<hbm>>
      %dma_start3A_521 = arith.constant 0 : i32
      %dma_start3A_522 = tpu.memref_slice %arg21[%dma_start3A_521] : memref<5712xf32, #tpu.memory_space<vmem>> -> memref<5712xf32, #tpu.memory_space<vmem>>
      tpu.enqueue_dma source(%dma_start3A_522 : memref<5712xf32, #tpu.memory_space<vmem>>) target(%dma_start3A_520 : memref<5712xf32, #tpu.memory_space<hbm>>) target_semaphore(%arg29 : memref<!tpu.dma_semaphore, #tpu.memory_space<semaphore_mem>>)
      %dma_wait3A_523 = arith.constant 0 : i32
      %dma_wait3A_524 = tpu.memref_slice %arg20[%dma_wait3A_523] : memref<5712xf32, #tpu.memory_space<vmem>> -> memref<5712xf32, #tpu.memory_space<vmem>>
      %dma_wait3A_525 = tpu.memref_slice %arg5[%add3A_495] : memref<16780288xf32, #tpu.memory_space<hbm>> -> memref<5712xf32, #tpu.memory_space<hbm>>
      %dma_wait3A_526 = tpu.memref_slice %arg5[%add3A_495] : memref<16780288xf32, #tpu.memory_space<hbm>> -> memref<5712xf32, #tpu.memory_space<hbm>>
      %dma_wait3A_527 = arith.constant 0 : i32
      %dma_wait3A_528 = tpu.memref_slice %arg20[%dma_wait3A_527] : memref<5712xf32, #tpu.memory_space<vmem>> -> memref<5712xf32, #tpu.memory_space<vmem>>
      tpu.wait_dma2 semaphore(%arg29 : memref<!tpu.dma_semaphore, #tpu.memory_space<semaphore_mem>>) src(%dma_wait3A_528 : memref<5712xf32, #tpu.memory_space<vmem>>) dst(%dma_wait3A_526 : memref<5712xf32, #tpu.memory_space<hbm>>)
      %mul3A_529 = arith.constant 104896 : i32
      %mul3A_530 = arith.muli %arg1, %mul3A_529 : i32
      %add3A_531 = arith.constant 34272 : i32
      %add3A_532 = arith.addi %mul3A_530, %add3A_531 : i32
      "tpu.region"() ({
        %run_scoped3A = tpu.sem_alloc : memref<!tpu.dma_semaphore, #tpu.memory_space<semaphore_mem>>
        %dma_start3A_808 = arith.constant 0 : i32
        %dma_start3A_809 = tpu.memref_slice %arg20[%dma_start3A_808] : memref<5712xf32, #tpu.memory_space<vmem>> -> memref<5712xf32, #tpu.memory_space<vmem>>
        %dma_start3A_810 = tpu.memref_slice %arg22[%add3A_532] : memref<1678336xf32, #tpu.memory_space<vmem_shared>> -> memref<5712xf32, #tpu.memory_space<vmem_shared>>
        %dma_start3A_811 = arith.constant 0 : i32
        %dma_start3A_812 = tpu.memref_slice %arg20[%dma_start3A_811] : memref<5712xf32, #tpu.memory_space<vmem>> -> memref<5712xf32, #tpu.memory_space<vmem>>
        %dma_start3A_813 = tpu.memref_slice %arg22[%add3A_532] : memref<1678336xf32, #tpu.memory_space<vmem_shared>> -> memref<5712xf32, #tpu.memory_space<vmem_shared>>
        tpu.enqueue_dma source(%dma_start3A_813 : memref<5712xf32, #tpu.memory_space<vmem_shared>>) target(%dma_start3A_812 : memref<5712xf32, #tpu.memory_space<vmem>>) target_semaphore(%run_scoped3A : memref<!tpu.dma_semaphore, #tpu.memory_space<semaphore_mem>>)
        %dma_wait3A_814 = arith.constant 0 : i32
        %dma_wait3A_815 = tpu.memref_slice %arg20[%dma_wait3A_814] : memref<5712xf32, #tpu.memory_space<vmem>> -> memref<5712xf32, #tpu.memory_space<vmem>>
        %dma_wait3A_816 = tpu.memref_slice %arg22[%add3A_532] : memref<1678336xf32, #tpu.memory_space<vmem_shared>> -> memref<5712xf32, #tpu.memory_space<vmem_shared>>
        %dma_wait3A_817 = arith.constant 0 : i32
        %dma_wait3A_818 = tpu.memref_slice %arg20[%dma_wait3A_817] : memref<5712xf32, #tpu.memory_space<vmem>> -> memref<5712xf32, #tpu.memory_space<vmem>>
        %dma_wait3A_819 = tpu.memref_slice %arg22[%add3A_532] : memref<1678336xf32, #tpu.memory_space<vmem_shared>> -> memref<5712xf32, #tpu.memory_space<vmem_shared>>
        tpu.wait_dma2 semaphore(%run_scoped3A : memref<!tpu.dma_semaphore, #tpu.memory_space<semaphore_mem>>) src(%dma_wait3A_819 : memref<5712xf32, #tpu.memory_space<vmem_shared>>) dst(%dma_wait3A_818 : memref<5712xf32, #tpu.memory_space<vmem>>)
        tpu.yield
      }) : () -> ()
      %mul3A_533 = arith.constant 104896 : i32
      %mul3A_534 = arith.muli %arg1, %mul3A_533 : i32
      %add3A_535 = arith.addi %add3A, %mul3A_534 : i32
      %add3A_536 = arith.constant 34272 : i32
      %add3A_537 = arith.addi %add3A_535, %add3A_536 : i32
      %dma_start3A_538 = arith.constant 0 : i32
      %dma_start3A_539 = tpu.memref_slice %arg20[%dma_start3A_538] : memref<5712xf32, #tpu.memory_space<vmem>> -> memref<5712xf32, #tpu.memory_space<vmem>>
      %dma_start3A_540 = tpu.memref_slice %arg5[%add3A_537] : memref<16780288xf32, #tpu.memory_space<hbm>> -> memref<5712xf32, #tpu.memory_space<hbm>>
      %dma_start3A_541 = tpu.memref_slice %arg5[%add3A_537] : memref<16780288xf32, #tpu.memory_space<hbm>> -> memref<5712xf32, #tpu.memory_space<hbm>>
      %dma_start3A_542 = arith.constant 0 : i32
      %dma_start3A_543 = tpu.memref_slice %arg20[%dma_start3A_542] : memref<5712xf32, #tpu.memory_space<vmem>> -> memref<5712xf32, #tpu.memory_space<vmem>>
      tpu.enqueue_dma source(%dma_start3A_543 : memref<5712xf32, #tpu.memory_space<vmem>>) target(%dma_start3A_541 : memref<5712xf32, #tpu.memory_space<hbm>>) target_semaphore(%arg29 : memref<!tpu.dma_semaphore, #tpu.memory_space<semaphore_mem>>)
      %dma_wait3A_544 = arith.constant 0 : i32
      %dma_wait3A_545 = tpu.memref_slice %arg21[%dma_wait3A_544] : memref<5712xf32, #tpu.memory_space<vmem>> -> memref<5712xf32, #tpu.memory_space<vmem>>
      %dma_wait3A_546 = tpu.memref_slice %arg5[%add3A_516] : memref<16780288xf32, #tpu.memory_space<hbm>> -> memref<5712xf32, #tpu.memory_space<hbm>>
      %dma_wait3A_547 = tpu.memref_slice %arg5[%add3A_516] : memref<16780288xf32, #tpu.memory_space<hbm>> -> memref<5712xf32, #tpu.memory_space<hbm>>
      %dma_wait3A_548 = arith.constant 0 : i32
      %dma_wait3A_549 = tpu.memref_slice %arg21[%dma_wait3A_548] : memref<5712xf32, #tpu.memory_space<vmem>> -> memref<5712xf32, #tpu.memory_space<vmem>>
      tpu.wait_dma2 semaphore(%arg29 : memref<!tpu.dma_semaphore, #tpu.memory_space<semaphore_mem>>) src(%dma_wait3A_549 : memref<5712xf32, #tpu.memory_space<vmem>>) dst(%dma_wait3A_547 : memref<5712xf32, #tpu.memory_space<hbm>>)
      %mul3A_550 = arith.constant 104896 : i32
      %mul3A_551 = arith.muli %arg1, %mul3A_550 : i32
      %add3A_552 = arith.constant 39984 : i32
      %add3A_553 = arith.addi %mul3A_551, %add3A_552 : i32
      "tpu.region"() ({
        %run_scoped3A = tpu.sem_alloc : memref<!tpu.dma_semaphore, #tpu.memory_space<semaphore_mem>>
        %dma_start3A_808 = arith.constant 0 : i32
        %dma_start3A_809 = tpu.memref_slice %arg21[%dma_start3A_808] : memref<5712xf32, #tpu.memory_space<vmem>> -> memref<5712xf32, #tpu.memory_space<vmem>>
        %dma_start3A_810 = tpu.memref_slice %arg22[%add3A_553] : memref<1678336xf32, #tpu.memory_space<vmem_shared>> -> memref<5712xf32, #tpu.memory_space<vmem_shared>>
        %dma_start3A_811 = arith.constant 0 : i32
        %dma_start3A_812 = tpu.memref_slice %arg21[%dma_start3A_811] : memref<5712xf32, #tpu.memory_space<vmem>> -> memref<5712xf32, #tpu.memory_space<vmem>>
        %dma_start3A_813 = tpu.memref_slice %arg22[%add3A_553] : memref<1678336xf32, #tpu.memory_space<vmem_shared>> -> memref<5712xf32, #tpu.memory_space<vmem_shared>>
        tpu.enqueue_dma source(%dma_start3A_813 : memref<5712xf32, #tpu.memory_space<vmem_shared>>) target(%dma_start3A_812 : memref<5712xf32, #tpu.memory_space<vmem>>) target_semaphore(%run_scoped3A : memref<!tpu.dma_semaphore, #tpu.memory_space<semaphore_mem>>)
        %dma_wait3A_814 = arith.constant 0 : i32
        %dma_wait3A_815 = tpu.memref_slice %arg21[%dma_wait3A_814] : memref<5712xf32, #tpu.memory_space<vmem>> -> memref<5712xf32, #tpu.memory_space<vmem>>
        %dma_wait3A_816 = tpu.memref_slice %arg22[%add3A_553] : memref<1678336xf32, #tpu.memory_space<vmem_shared>> -> memref<5712xf32, #tpu.memory_space<vmem_shared>>
        %dma_wait3A_817 = arith.constant 0 : i32
        %dma_wait3A_818 = tpu.memref_slice %arg21[%dma_wait3A_817] : memref<5712xf32, #tpu.memory_space<vmem>> -> memref<5712xf32, #tpu.memory_space<vmem>>
        %dma_wait3A_819 = tpu.memref_slice %arg22[%add3A_553] : memref<1678336xf32, #tpu.memory_space<vmem_shared>> -> memref<5712xf32, #tpu.memory_space<vmem_shared>>
        tpu.wait_dma2 semaphore(%run_scoped3A : memref<!tpu.dma_semaphore, #tpu.memory_space<semaphore_mem>>) src(%dma_wait3A_819 : memref<5712xf32, #tpu.memory_space<vmem_shared>>) dst(%dma_wait3A_818 : memref<5712xf32, #tpu.memory_space<vmem>>)
        tpu.yield
      }) : () -> ()
      %mul3A_554 = arith.constant 104896 : i32
      %mul3A_555 = arith.muli %arg1, %mul3A_554 : i32
      %add3A_556 = arith.addi %add3A, %mul3A_555 : i32
      %add3A_557 = arith.constant 39984 : i32
      %add3A_558 = arith.addi %add3A_556, %add3A_557 : i32
      %dma_start3A_559 = arith.constant 0 : i32
      %dma_start3A_560 = tpu.memref_slice %arg21[%dma_start3A_559] : memref<5712xf32, #tpu.memory_space<vmem>> -> memref<5712xf32, #tpu.memory_space<vmem>>
      %dma_start3A_561 = tpu.memref_slice %arg5[%add3A_558] : memref<16780288xf32, #tpu.memory_space<hbm>> -> memref<5712xf32, #tpu.memory_space<hbm>>
      %dma_start3A_562 = tpu.memref_slice %arg5[%add3A_558] : memref<16780288xf32, #tpu.memory_space<hbm>> -> memref<5712xf32, #tpu.memory_space<hbm>>
      %dma_start3A_563 = arith.constant 0 : i32
      %dma_start3A_564 = tpu.memref_slice %arg21[%dma_start3A_563] : memref<5712xf32, #tpu.memory_space<vmem>> -> memref<5712xf32, #tpu.memory_space<vmem>>
      tpu.enqueue_dma source(%dma_start3A_564 : memref<5712xf32, #tpu.memory_space<vmem>>) target(%dma_start3A_562 : memref<5712xf32, #tpu.memory_space<hbm>>) target_semaphore(%arg29 : memref<!tpu.dma_semaphore, #tpu.memory_space<semaphore_mem>>)
      %dma_wait3A_565 = arith.constant 0 : i32
      %dma_wait3A_566 = tpu.memref_slice %arg20[%dma_wait3A_565] : memref<5712xf32, #tpu.memory_space<vmem>> -> memref<5712xf32, #tpu.memory_space<vmem>>
      %dma_wait3A_567 = tpu.memref_slice %arg5[%add3A_537] : memref<16780288xf32, #tpu.memory_space<hbm>> -> memref<5712xf32, #tpu.memory_space<hbm>>
      %dma_wait3A_568 = tpu.memref_slice %arg5[%add3A_537] : memref<16780288xf32, #tpu.memory_space<hbm>> -> memref<5712xf32, #tpu.memory_space<hbm>>
      %dma_wait3A_569 = arith.constant 0 : i32
      %dma_wait3A_570 = tpu.memref_slice %arg20[%dma_wait3A_569] : memref<5712xf32, #tpu.memory_space<vmem>> -> memref<5712xf32, #tpu.memory_space<vmem>>
      tpu.wait_dma2 semaphore(%arg29 : memref<!tpu.dma_semaphore, #tpu.memory_space<semaphore_mem>>) src(%dma_wait3A_570 : memref<5712xf32, #tpu.memory_space<vmem>>) dst(%dma_wait3A_568 : memref<5712xf32, #tpu.memory_space<hbm>>)
      %mul3A_571 = arith.constant 104896 : i32
      %mul3A_572 = arith.muli %arg1, %mul3A_571 : i32
      %add3A_573 = arith.constant 45696 : i32
      %add3A_574 = arith.addi %mul3A_572, %add3A_573 : i32
      "tpu.region"() ({
        %run_scoped3A = tpu.sem_alloc : memref<!tpu.dma_semaphore, #tpu.memory_space<semaphore_mem>>
        %dma_start3A_808 = arith.constant 0 : i32
        %dma_start3A_809 = tpu.memref_slice %arg20[%dma_start3A_808] : memref<5712xf32, #tpu.memory_space<vmem>> -> memref<5712xf32, #tpu.memory_space<vmem>>
        %dma_start3A_810 = tpu.memref_slice %arg22[%add3A_574] : memref<1678336xf32, #tpu.memory_space<vmem_shared>> -> memref<5712xf32, #tpu.memory_space<vmem_shared>>
        %dma_start3A_811 = arith.constant 0 : i32
        %dma_start3A_812 = tpu.memref_slice %arg20[%dma_start3A_811] : memref<5712xf32, #tpu.memory_space<vmem>> -> memref<5712xf32, #tpu.memory_space<vmem>>
        %dma_start3A_813 = tpu.memref_slice %arg22[%add3A_574] : memref<1678336xf32, #tpu.memory_space<vmem_shared>> -> memref<5712xf32, #tpu.memory_space<vmem_shared>>
        tpu.enqueue_dma source(%dma_start3A_813 : memref<5712xf32, #tpu.memory_space<vmem_shared>>) target(%dma_start3A_812 : memref<5712xf32, #tpu.memory_space<vmem>>) target_semaphore(%run_scoped3A : memref<!tpu.dma_semaphore, #tpu.memory_space<semaphore_mem>>)
        %dma_wait3A_814 = arith.constant 0 : i32
        %dma_wait3A_815 = tpu.memref_slice %arg20[%dma_wait3A_814] : memref<5712xf32, #tpu.memory_space<vmem>> -> memref<5712xf32, #tpu.memory_space<vmem>>
        %dma_wait3A_816 = tpu.memref_slice %arg22[%add3A_574] : memref<1678336xf32, #tpu.memory_space<vmem_shared>> -> memref<5712xf32, #tpu.memory_space<vmem_shared>>
        %dma_wait3A_817 = arith.constant 0 : i32
        %dma_wait3A_818 = tpu.memref_slice %arg20[%dma_wait3A_817] : memref<5712xf32, #tpu.memory_space<vmem>> -> memref<5712xf32, #tpu.memory_space<vmem>>
        %dma_wait3A_819 = tpu.memref_slice %arg22[%add3A_574] : memref<1678336xf32, #tpu.memory_space<vmem_shared>> -> memref<5712xf32, #tpu.memory_space<vmem_shared>>
        tpu.wait_dma2 semaphore(%run_scoped3A : memref<!tpu.dma_semaphore, #tpu.memory_space<semaphore_mem>>) src(%dma_wait3A_819 : memref<5712xf32, #tpu.memory_space<vmem_shared>>) dst(%dma_wait3A_818 : memref<5712xf32, #tpu.memory_space<vmem>>)
        tpu.yield
      }) : () -> ()
      %mul3A_575 = arith.constant 104896 : i32
      %mul3A_576 = arith.muli %arg1, %mul3A_575 : i32
      %add3A_577 = arith.addi %add3A, %mul3A_576 : i32
      %add3A_578 = arith.constant 45696 : i32
      %add3A_579 = arith.addi %add3A_577, %add3A_578 : i32
      %dma_start3A_580 = arith.constant 0 : i32
      %dma_start3A_581 = tpu.memref_slice %arg20[%dma_start3A_580] : memref<5712xf32, #tpu.memory_space<vmem>> -> memref<5712xf32, #tpu.memory_space<vmem>>
      %dma_start3A_582 = tpu.memref_slice %arg5[%add3A_579] : memref<16780288xf32, #tpu.memory_space<hbm>> -> memref<5712xf32, #tpu.memory_space<hbm>>
      %dma_start3A_583 = tpu.memref_slice %arg5[%add3A_579] : memref<16780288xf32, #tpu.memory_space<hbm>> -> memref<5712xf32, #tpu.memory_space<hbm>>
      %dma_start3A_584 = arith.constant 0 : i32
      %dma_start3A_585 = tpu.memref_slice %arg20[%dma_start3A_584] : memref<5712xf32, #tpu.memory_space<vmem>> -> memref<5712xf32, #tpu.memory_space<vmem>>
      tpu.enqueue_dma source(%dma_start3A_585 : memref<5712xf32, #tpu.memory_space<vmem>>) target(%dma_start3A_583 : memref<5712xf32, #tpu.memory_space<hbm>>) target_semaphore(%arg29 : memref<!tpu.dma_semaphore, #tpu.memory_space<semaphore_mem>>)
      %dma_wait3A_586 = arith.constant 0 : i32
      %dma_wait3A_587 = tpu.memref_slice %arg21[%dma_wait3A_586] : memref<5712xf32, #tpu.memory_space<vmem>> -> memref<5712xf32, #tpu.memory_space<vmem>>
      %dma_wait3A_588 = tpu.memref_slice %arg5[%add3A_558] : memref<16780288xf32, #tpu.memory_space<hbm>> -> memref<5712xf32, #tpu.memory_space<hbm>>
      %dma_wait3A_589 = tpu.memref_slice %arg5[%add3A_558] : memref<16780288xf32, #tpu.memory_space<hbm>> -> memref<5712xf32, #tpu.memory_space<hbm>>
      %dma_wait3A_590 = arith.constant 0 : i32
      %dma_wait3A_591 = tpu.memref_slice %arg21[%dma_wait3A_590] : memref<5712xf32, #tpu.memory_space<vmem>> -> memref<5712xf32, #tpu.memory_space<vmem>>
      tpu.wait_dma2 semaphore(%arg29 : memref<!tpu.dma_semaphore, #tpu.memory_space<semaphore_mem>>) src(%dma_wait3A_591 : memref<5712xf32, #tpu.memory_space<vmem>>) dst(%dma_wait3A_589 : memref<5712xf32, #tpu.memory_space<hbm>>)
      %mul3A_592 = arith.constant 104896 : i32
      %mul3A_593 = arith.muli %arg1, %mul3A_592 : i32
      %add3A_594 = arith.constant 51408 : i32
      %add3A_595 = arith.addi %mul3A_593, %add3A_594 : i32
      "tpu.region"() ({
        %run_scoped3A = tpu.sem_alloc : memref<!tpu.dma_semaphore, #tpu.memory_space<semaphore_mem>>
        %dma_start3A_808 = arith.constant 0 : i32
        %dma_start3A_809 = tpu.memref_slice %arg21[%dma_start3A_808] : memref<5712xf32, #tpu.memory_space<vmem>> -> memref<5712xf32, #tpu.memory_space<vmem>>
        %dma_start3A_810 = tpu.memref_slice %arg22[%add3A_595] : memref<1678336xf32, #tpu.memory_space<vmem_shared>> -> memref<5712xf32, #tpu.memory_space<vmem_shared>>
        %dma_start3A_811 = arith.constant 0 : i32
        %dma_start3A_812 = tpu.memref_slice %arg21[%dma_start3A_811] : memref<5712xf32, #tpu.memory_space<vmem>> -> memref<5712xf32, #tpu.memory_space<vmem>>
        %dma_start3A_813 = tpu.memref_slice %arg22[%add3A_595] : memref<1678336xf32, #tpu.memory_space<vmem_shared>> -> memref<5712xf32, #tpu.memory_space<vmem_shared>>
        tpu.enqueue_dma source(%dma_start3A_813 : memref<5712xf32, #tpu.memory_space<vmem_shared>>) target(%dma_start3A_812 : memref<5712xf32, #tpu.memory_space<vmem>>) target_semaphore(%run_scoped3A : memref<!tpu.dma_semaphore, #tpu.memory_space<semaphore_mem>>)
        %dma_wait3A_814 = arith.constant 0 : i32
        %dma_wait3A_815 = tpu.memref_slice %arg21[%dma_wait3A_814] : memref<5712xf32, #tpu.memory_space<vmem>> -> memref<5712xf32, #tpu.memory_space<vmem>>
        %dma_wait3A_816 = tpu.memref_slice %arg22[%add3A_595] : memref<1678336xf32, #tpu.memory_space<vmem_shared>> -> memref<5712xf32, #tpu.memory_space<vmem_shared>>
        %dma_wait3A_817 = arith.constant 0 : i32
        %dma_wait3A_818 = tpu.memref_slice %arg21[%dma_wait3A_817] : memref<5712xf32, #tpu.memory_space<vmem>> -> memref<5712xf32, #tpu.memory_space<vmem>>
        %dma_wait3A_819 = tpu.memref_slice %arg22[%add3A_595] : memref<1678336xf32, #tpu.memory_space<vmem_shared>> -> memref<5712xf32, #tpu.memory_space<vmem_shared>>
        tpu.wait_dma2 semaphore(%run_scoped3A : memref<!tpu.dma_semaphore, #tpu.memory_space<semaphore_mem>>) src(%dma_wait3A_819 : memref<5712xf32, #tpu.memory_space<vmem_shared>>) dst(%dma_wait3A_818 : memref<5712xf32, #tpu.memory_space<vmem>>)
        tpu.yield
      }) : () -> ()
      %mul3A_596 = arith.constant 104896 : i32
      %mul3A_597 = arith.muli %arg1, %mul3A_596 : i32
      %add3A_598 = arith.addi %add3A, %mul3A_597 : i32
      %add3A_599 = arith.constant 51408 : i32
      %add3A_600 = arith.addi %add3A_598, %add3A_599 : i32
      %dma_start3A_601 = arith.constant 0 : i32
      %dma_start3A_602 = tpu.memref_slice %arg21[%dma_start3A_601] : memref<5712xf32, #tpu.memory_space<vmem>> -> memref<5712xf32, #tpu.memory_space<vmem>>
      %dma_start3A_603 = tpu.memref_slice %arg5[%add3A_600] : memref<16780288xf32, #tpu.memory_space<hbm>> -> memref<5712xf32, #tpu.memory_space<hbm>>
      %dma_start3A_604 = tpu.memref_slice %arg5[%add3A_600] : memref<16780288xf32, #tpu.memory_space<hbm>> -> memref<5712xf32, #tpu.memory_space<hbm>>
      %dma_start3A_605 = arith.constant 0 : i32
      %dma_start3A_606 = tpu.memref_slice %arg21[%dma_start3A_605] : memref<5712xf32, #tpu.memory_space<vmem>> -> memref<5712xf32, #tpu.memory_space<vmem>>
      tpu.enqueue_dma source(%dma_start3A_606 : memref<5712xf32, #tpu.memory_space<vmem>>) target(%dma_start3A_604 : memref<5712xf32, #tpu.memory_space<hbm>>) target_semaphore(%arg29 : memref<!tpu.dma_semaphore, #tpu.memory_space<semaphore_mem>>)
      %dma_wait3A_607 = arith.constant 0 : i32
      %dma_wait3A_608 = tpu.memref_slice %arg20[%dma_wait3A_607] : memref<5712xf32, #tpu.memory_space<vmem>> -> memref<5712xf32, #tpu.memory_space<vmem>>
      %dma_wait3A_609 = tpu.memref_slice %arg5[%add3A_579] : memref<16780288xf32, #tpu.memory_space<hbm>> -> memref<5712xf32, #tpu.memory_space<hbm>>
      %dma_wait3A_610 = tpu.memref_slice %arg5[%add3A_579] : memref<16780288xf32, #tpu.memory_space<hbm>> -> memref<5712xf32, #tpu.memory_space<hbm>>
      %dma_wait3A_611 = arith.constant 0 : i32
      %dma_wait3A_612 = tpu.memref_slice %arg20[%dma_wait3A_611] : memref<5712xf32, #tpu.memory_space<vmem>> -> memref<5712xf32, #tpu.memory_space<vmem>>
      tpu.wait_dma2 semaphore(%arg29 : memref<!tpu.dma_semaphore, #tpu.memory_space<semaphore_mem>>) src(%dma_wait3A_612 : memref<5712xf32, #tpu.memory_space<vmem>>) dst(%dma_wait3A_610 : memref<5712xf32, #tpu.memory_space<hbm>>)
      %mul3A_613 = arith.constant 104896 : i32
      %mul3A_614 = arith.muli %arg1, %mul3A_613 : i32
      %add3A_615 = arith.constant 57120 : i32
      %add3A_616 = arith.addi %mul3A_614, %add3A_615 : i32
      "tpu.region"() ({
        %run_scoped3A = tpu.sem_alloc : memref<!tpu.dma_semaphore, #tpu.memory_space<semaphore_mem>>
        %dma_start3A_808 = arith.constant 0 : i32
        %dma_start3A_809 = tpu.memref_slice %arg20[%dma_start3A_808] : memref<5712xf32, #tpu.memory_space<vmem>> -> memref<5712xf32, #tpu.memory_space<vmem>>
        %dma_start3A_810 = tpu.memref_slice %arg22[%add3A_616] : memref<1678336xf32, #tpu.memory_space<vmem_shared>> -> memref<5712xf32, #tpu.memory_space<vmem_shared>>
        %dma_start3A_811 = arith.constant 0 : i32
        %dma_start3A_812 = tpu.memref_slice %arg20[%dma_start3A_811] : memref<5712xf32, #tpu.memory_space<vmem>> -> memref<5712xf32, #tpu.memory_space<vmem>>
        %dma_start3A_813 = tpu.memref_slice %arg22[%add3A_616] : memref<1678336xf32, #tpu.memory_space<vmem_shared>> -> memref<5712xf32, #tpu.memory_space<vmem_shared>>
        tpu.enqueue_dma source(%dma_start3A_813 : memref<5712xf32, #tpu.memory_space<vmem_shared>>) target(%dma_start3A_812 : memref<5712xf32, #tpu.memory_space<vmem>>) target_semaphore(%run_scoped3A : memref<!tpu.dma_semaphore, #tpu.memory_space<semaphore_mem>>)
        %dma_wait3A_814 = arith.constant 0 : i32
        %dma_wait3A_815 = tpu.memref_slice %arg20[%dma_wait3A_814] : memref<5712xf32, #tpu.memory_space<vmem>> -> memref<5712xf32, #tpu.memory_space<vmem>>
        %dma_wait3A_816 = tpu.memref_slice %arg22[%add3A_616] : memref<1678336xf32, #tpu.memory_space<vmem_shared>> -> memref<5712xf32, #tpu.memory_space<vmem_shared>>
        %dma_wait3A_817 = arith.constant 0 : i32
        %dma_wait3A_818 = tpu.memref_slice %arg20[%dma_wait3A_817] : memref<5712xf32, #tpu.memory_space<vmem>> -> memref<5712xf32, #tpu.memory_space<vmem>>
        %dma_wait3A_819 = tpu.memref_slice %arg22[%add3A_616] : memref<1678336xf32, #tpu.memory_space<vmem_shared>> -> memref<5712xf32, #tpu.memory_space<vmem_shared>>
        tpu.wait_dma2 semaphore(%run_scoped3A : memref<!tpu.dma_semaphore, #tpu.memory_space<semaphore_mem>>) src(%dma_wait3A_819 : memref<5712xf32, #tpu.memory_space<vmem_shared>>) dst(%dma_wait3A_818 : memref<5712xf32, #tpu.memory_space<vmem>>)
        tpu.yield
      }) : () -> ()
      %mul3A_617 = arith.constant 104896 : i32
      %mul3A_618 = arith.muli %arg1, %mul3A_617 : i32
      %add3A_619 = arith.addi %add3A, %mul3A_618 : i32
      %add3A_620 = arith.constant 57120 : i32
      %add3A_621 = arith.addi %add3A_619, %add3A_620 : i32
      %dma_start3A_622 = arith.constant 0 : i32
      %dma_start3A_623 = tpu.memref_slice %arg20[%dma_start3A_622] : memref<5712xf32, #tpu.memory_space<vmem>> -> memref<5712xf32, #tpu.memory_space<vmem>>
      %dma_start3A_624 = tpu.memref_slice %arg5[%add3A_621] : memref<16780288xf32, #tpu.memory_space<hbm>> -> memref<5712xf32, #tpu.memory_space<hbm>>
      %dma_start3A_625 = tpu.memref_slice %arg5[%add3A_621] : memref<16780288xf32, #tpu.memory_space<hbm>> -> memref<5712xf32, #tpu.memory_space<hbm>>
      %dma_start3A_626 = arith.constant 0 : i32
      %dma_start3A_627 = tpu.memref_slice %arg20[%dma_start3A_626] : memref<5712xf32, #tpu.memory_space<vmem>> -> memref<5712xf32, #tpu.memory_space<vmem>>
      tpu.enqueue_dma source(%dma_start3A_627 : memref<5712xf32, #tpu.memory_space<vmem>>) target(%dma_start3A_625 : memref<5712xf32, #tpu.memory_space<hbm>>) target_semaphore(%arg29 : memref<!tpu.dma_semaphore, #tpu.memory_space<semaphore_mem>>)
      %dma_wait3A_628 = arith.constant 0 : i32
      %dma_wait3A_629 = tpu.memref_slice %arg21[%dma_wait3A_628] : memref<5712xf32, #tpu.memory_space<vmem>> -> memref<5712xf32, #tpu.memory_space<vmem>>
      %dma_wait3A_630 = tpu.memref_slice %arg5[%add3A_600] : memref<16780288xf32, #tpu.memory_space<hbm>> -> memref<5712xf32, #tpu.memory_space<hbm>>
      %dma_wait3A_631 = tpu.memref_slice %arg5[%add3A_600] : memref<16780288xf32, #tpu.memory_space<hbm>> -> memref<5712xf32, #tpu.memory_space<hbm>>
      %dma_wait3A_632 = arith.constant 0 : i32
      %dma_wait3A_633 = tpu.memref_slice %arg21[%dma_wait3A_632] : memref<5712xf32, #tpu.memory_space<vmem>> -> memref<5712xf32, #tpu.memory_space<vmem>>
      tpu.wait_dma2 semaphore(%arg29 : memref<!tpu.dma_semaphore, #tpu.memory_space<semaphore_mem>>) src(%dma_wait3A_633 : memref<5712xf32, #tpu.memory_space<vmem>>) dst(%dma_wait3A_631 : memref<5712xf32, #tpu.memory_space<hbm>>)
      %mul3A_634 = arith.constant 104896 : i32
      %mul3A_635 = arith.muli %arg1, %mul3A_634 : i32
      %add3A_636 = arith.constant 62832 : i32
      %add3A_637 = arith.addi %mul3A_635, %add3A_636 : i32
      "tpu.region"() ({
        %run_scoped3A = tpu.sem_alloc : memref<!tpu.dma_semaphore, #tpu.memory_space<semaphore_mem>>
        %dma_start3A_808 = arith.constant 0 : i32
        %dma_start3A_809 = tpu.memref_slice %arg21[%dma_start3A_808] : memref<5712xf32, #tpu.memory_space<vmem>> -> memref<5712xf32, #tpu.memory_space<vmem>>
        %dma_start3A_810 = tpu.memref_slice %arg22[%add3A_637] : memref<1678336xf32, #tpu.memory_space<vmem_shared>> -> memref<5712xf32, #tpu.memory_space<vmem_shared>>
        %dma_start3A_811 = arith.constant 0 : i32
        %dma_start3A_812 = tpu.memref_slice %arg21[%dma_start3A_811] : memref<5712xf32, #tpu.memory_space<vmem>> -> memref<5712xf32, #tpu.memory_space<vmem>>
        %dma_start3A_813 = tpu.memref_slice %arg22[%add3A_637] : memref<1678336xf32, #tpu.memory_space<vmem_shared>> -> memref<5712xf32, #tpu.memory_space<vmem_shared>>
        tpu.enqueue_dma source(%dma_start3A_813 : memref<5712xf32, #tpu.memory_space<vmem_shared>>) target(%dma_start3A_812 : memref<5712xf32, #tpu.memory_space<vmem>>) target_semaphore(%run_scoped3A : memref<!tpu.dma_semaphore, #tpu.memory_space<semaphore_mem>>)
        %dma_wait3A_814 = arith.constant 0 : i32
        %dma_wait3A_815 = tpu.memref_slice %arg21[%dma_wait3A_814] : memref<5712xf32, #tpu.memory_space<vmem>> -> memref<5712xf32, #tpu.memory_space<vmem>>
        %dma_wait3A_816 = tpu.memref_slice %arg22[%add3A_637] : memref<1678336xf32, #tpu.memory_space<vmem_shared>> -> memref<5712xf32, #tpu.memory_space<vmem_shared>>
        %dma_wait3A_817 = arith.constant 0 : i32
        %dma_wait3A_818 = tpu.memref_slice %arg21[%dma_wait3A_817] : memref<5712xf32, #tpu.memory_space<vmem>> -> memref<5712xf32, #tpu.memory_space<vmem>>
        %dma_wait3A_819 = tpu.memref_slice %arg22[%add3A_637] : memref<1678336xf32, #tpu.memory_space<vmem_shared>> -> memref<5712xf32, #tpu.memory_space<vmem_shared>>
        tpu.wait_dma2 semaphore(%run_scoped3A : memref<!tpu.dma_semaphore, #tpu.memory_space<semaphore_mem>>) src(%dma_wait3A_819 : memref<5712xf32, #tpu.memory_space<vmem_shared>>) dst(%dma_wait3A_818 : memref<5712xf32, #tpu.memory_space<vmem>>)
        tpu.yield
      }) : () -> ()
      %mul3A_638 = arith.constant 104896 : i32
      %mul3A_639 = arith.muli %arg1, %mul3A_638 : i32
      %add3A_640 = arith.addi %add3A, %mul3A_639 : i32
      %add3A_641 = arith.constant 62832 : i32
      %add3A_642 = arith.addi %add3A_640, %add3A_641 : i32
      %dma_start3A_643 = arith.constant 0 : i32
      %dma_start3A_644 = tpu.memref_slice %arg21[%dma_start3A_643] : memref<5712xf32, #tpu.memory_space<vmem>> -> memref<5712xf32, #tpu.memory_space<vmem>>
      %dma_start3A_645 = tpu.memref_slice %arg5[%add3A_642] : memref<16780288xf32, #tpu.memory_space<hbm>> -> memref<5712xf32, #tpu.memory_space<hbm>>
      %dma_start3A_646 = tpu.memref_slice %arg5[%add3A_642] : memref<16780288xf32, #tpu.memory_space<hbm>> -> memref<5712xf32, #tpu.memory_space<hbm>>
      %dma_start3A_647 = arith.constant 0 : i32
      %dma_start3A_648 = tpu.memref_slice %arg21[%dma_start3A_647] : memref<5712xf32, #tpu.memory_space<vmem>> -> memref<5712xf32, #tpu.memory_space<vmem>>
      tpu.enqueue_dma source(%dma_start3A_648 : memref<5712xf32, #tpu.memory_space<vmem>>) target(%dma_start3A_646 : memref<5712xf32, #tpu.memory_space<hbm>>) target_semaphore(%arg29 : memref<!tpu.dma_semaphore, #tpu.memory_space<semaphore_mem>>)
      %dma_wait3A_649 = arith.constant 0 : i32
      %dma_wait3A_650 = tpu.memref_slice %arg20[%dma_wait3A_649] : memref<5712xf32, #tpu.memory_space<vmem>> -> memref<5712xf32, #tpu.memory_space<vmem>>
      %dma_wait3A_651 = tpu.memref_slice %arg5[%add3A_621] : memref<16780288xf32, #tpu.memory_space<hbm>> -> memref<5712xf32, #tpu.memory_space<hbm>>
      %dma_wait3A_652 = tpu.memref_slice %arg5[%add3A_621] : memref<16780288xf32, #tpu.memory_space<hbm>> -> memref<5712xf32, #tpu.memory_space<hbm>>
      %dma_wait3A_653 = arith.constant 0 : i32
      %dma_wait3A_654 = tpu.memref_slice %arg20[%dma_wait3A_653] : memref<5712xf32, #tpu.memory_space<vmem>> -> memref<5712xf32, #tpu.memory_space<vmem>>
      tpu.wait_dma2 semaphore(%arg29 : memref<!tpu.dma_semaphore, #tpu.memory_space<semaphore_mem>>) src(%dma_wait3A_654 : memref<5712xf32, #tpu.memory_space<vmem>>) dst(%dma_wait3A_652 : memref<5712xf32, #tpu.memory_space<hbm>>)
      %mul3A_655 = arith.constant 104896 : i32
      %mul3A_656 = arith.muli %arg1, %mul3A_655 : i32
      %add3A_657 = arith.constant 68544 : i32
      %add3A_658 = arith.addi %mul3A_656, %add3A_657 : i32
      "tpu.region"() ({
        %run_scoped3A = tpu.sem_alloc : memref<!tpu.dma_semaphore, #tpu.memory_space<semaphore_mem>>
        %dma_start3A_808 = arith.constant 0 : i32
        %dma_start3A_809 = tpu.memref_slice %arg20[%dma_start3A_808] : memref<5712xf32, #tpu.memory_space<vmem>> -> memref<5712xf32, #tpu.memory_space<vmem>>
        %dma_start3A_810 = tpu.memref_slice %arg22[%add3A_658] : memref<1678336xf32, #tpu.memory_space<vmem_shared>> -> memref<5712xf32, #tpu.memory_space<vmem_shared>>
        %dma_start3A_811 = arith.constant 0 : i32
        %dma_start3A_812 = tpu.memref_slice %arg20[%dma_start3A_811] : memref<5712xf32, #tpu.memory_space<vmem>> -> memref<5712xf32, #tpu.memory_space<vmem>>
        %dma_start3A_813 = tpu.memref_slice %arg22[%add3A_658] : memref<1678336xf32, #tpu.memory_space<vmem_shared>> -> memref<5712xf32, #tpu.memory_space<vmem_shared>>
        tpu.enqueue_dma source(%dma_start3A_813 : memref<5712xf32, #tpu.memory_space<vmem_shared>>) target(%dma_start3A_812 : memref<5712xf32, #tpu.memory_space<vmem>>) target_semaphore(%run_scoped3A : memref<!tpu.dma_semaphore, #tpu.memory_space<semaphore_mem>>)
        %dma_wait3A_814 = arith.constant 0 : i32
        %dma_wait3A_815 = tpu.memref_slice %arg20[%dma_wait3A_814] : memref<5712xf32, #tpu.memory_space<vmem>> -> memref<5712xf32, #tpu.memory_space<vmem>>
        %dma_wait3A_816 = tpu.memref_slice %arg22[%add3A_658] : memref<1678336xf32, #tpu.memory_space<vmem_shared>> -> memref<5712xf32, #tpu.memory_space<vmem_shared>>
        %dma_wait3A_817 = arith.constant 0 : i32
        %dma_wait3A_818 = tpu.memref_slice %arg20[%dma_wait3A_817] : memref<5712xf32, #tpu.memory_space<vmem>> -> memref<5712xf32, #tpu.memory_space<vmem>>
        %dma_wait3A_819 = tpu.memref_slice %arg22[%add3A_658] : memref<1678336xf32, #tpu.memory_space<vmem_shared>> -> memref<5712xf32, #tpu.memory_space<vmem_shared>>
        tpu.wait_dma2 semaphore(%run_scoped3A : memref<!tpu.dma_semaphore, #tpu.memory_space<semaphore_mem>>) src(%dma_wait3A_819 : memref<5712xf32, #tpu.memory_space<vmem_shared>>) dst(%dma_wait3A_818 : memref<5712xf32, #tpu.memory_space<vmem>>)
        tpu.yield
      }) : () -> ()
      %mul3A_659 = arith.constant 104896 : i32
      %mul3A_660 = arith.muli %arg1, %mul3A_659 : i32
      %add3A_661 = arith.addi %add3A, %mul3A_660 : i32
      %add3A_662 = arith.constant 68544 : i32
      %add3A_663 = arith.addi %add3A_661, %add3A_662 : i32
      %dma_start3A_664 = arith.constant 0 : i32
      %dma_start3A_665 = tpu.memref_slice %arg20[%dma_start3A_664] : memref<5712xf32, #tpu.memory_space<vmem>> -> memref<5712xf32, #tpu.memory_space<vmem>>
      %dma_start3A_666 = tpu.memref_slice %arg5[%add3A_663] : memref<16780288xf32, #tpu.memory_space<hbm>> -> memref<5712xf32, #tpu.memory_space<hbm>>
      %dma_start3A_667 = tpu.memref_slice %arg5[%add3A_663] : memref<16780288xf32, #tpu.memory_space<hbm>> -> memref<5712xf32, #tpu.memory_space<hbm>>
      %dma_start3A_668 = arith.constant 0 : i32
      %dma_start3A_669 = tpu.memref_slice %arg20[%dma_start3A_668] : memref<5712xf32, #tpu.memory_space<vmem>> -> memref<5712xf32, #tpu.memory_space<vmem>>
      tpu.enqueue_dma source(%dma_start3A_669 : memref<5712xf32, #tpu.memory_space<vmem>>) target(%dma_start3A_667 : memref<5712xf32, #tpu.memory_space<hbm>>) target_semaphore(%arg29 : memref<!tpu.dma_semaphore, #tpu.memory_space<semaphore_mem>>)
      %dma_wait3A_670 = arith.constant 0 : i32
      %dma_wait3A_671 = tpu.memref_slice %arg21[%dma_wait3A_670] : memref<5712xf32, #tpu.memory_space<vmem>> -> memref<5712xf32, #tpu.memory_space<vmem>>
      %dma_wait3A_672 = tpu.memref_slice %arg5[%add3A_642] : memref<16780288xf32, #tpu.memory_space<hbm>> -> memref<5712xf32, #tpu.memory_space<hbm>>
      %dma_wait3A_673 = tpu.memref_slice %arg5[%add3A_642] : memref<16780288xf32, #tpu.memory_space<hbm>> -> memref<5712xf32, #tpu.memory_space<hbm>>
      %dma_wait3A_674 = arith.constant 0 : i32
      %dma_wait3A_675 = tpu.memref_slice %arg21[%dma_wait3A_674] : memref<5712xf32, #tpu.memory_space<vmem>> -> memref<5712xf32, #tpu.memory_space<vmem>>
      tpu.wait_dma2 semaphore(%arg29 : memref<!tpu.dma_semaphore, #tpu.memory_space<semaphore_mem>>) src(%dma_wait3A_675 : memref<5712xf32, #tpu.memory_space<vmem>>) dst(%dma_wait3A_673 : memref<5712xf32, #tpu.memory_space<hbm>>)
      %mul3A_676 = arith.constant 104896 : i32
      %mul3A_677 = arith.muli %arg1, %mul3A_676 : i32
      %add3A_678 = arith.constant 74256 : i32
      %add3A_679 = arith.addi %mul3A_677, %add3A_678 : i32
      "tpu.region"() ({
        %run_scoped3A = tpu.sem_alloc : memref<!tpu.dma_semaphore, #tpu.memory_space<semaphore_mem>>
        %dma_start3A_808 = arith.constant 0 : i32
        %dma_start3A_809 = tpu.memref_slice %arg21[%dma_start3A_808] : memref<5712xf32, #tpu.memory_space<vmem>> -> memref<5712xf32, #tpu.memory_space<vmem>>
        %dma_start3A_810 = tpu.memref_slice %arg22[%add3A_679] : memref<1678336xf32, #tpu.memory_space<vmem_shared>> -> memref<5712xf32, #tpu.memory_space<vmem_shared>>
        %dma_start3A_811 = arith.constant 0 : i32
        %dma_start3A_812 = tpu.memref_slice %arg21[%dma_start3A_811] : memref<5712xf32, #tpu.memory_space<vmem>> -> memref<5712xf32, #tpu.memory_space<vmem>>
        %dma_start3A_813 = tpu.memref_slice %arg22[%add3A_679] : memref<1678336xf32, #tpu.memory_space<vmem_shared>> -> memref<5712xf32, #tpu.memory_space<vmem_shared>>
        tpu.enqueue_dma source(%dma_start3A_813 : memref<5712xf32, #tpu.memory_space<vmem_shared>>) target(%dma_start3A_812 : memref<5712xf32, #tpu.memory_space<vmem>>) target_semaphore(%run_scoped3A : memref<!tpu.dma_semaphore, #tpu.memory_space<semaphore_mem>>)
        %dma_wait3A_814 = arith.constant 0 : i32
        %dma_wait3A_815 = tpu.memref_slice %arg21[%dma_wait3A_814] : memref<5712xf32, #tpu.memory_space<vmem>> -> memref<5712xf32, #tpu.memory_space<vmem>>
        %dma_wait3A_816 = tpu.memref_slice %arg22[%add3A_679] : memref<1678336xf32, #tpu.memory_space<vmem_shared>> -> memref<5712xf32, #tpu.memory_space<vmem_shared>>
        %dma_wait3A_817 = arith.constant 0 : i32
        %dma_wait3A_818 = tpu.memref_slice %arg21[%dma_wait3A_817] : memref<5712xf32, #tpu.memory_space<vmem>> -> memref<5712xf32, #tpu.memory_space<vmem>>
        %dma_wait3A_819 = tpu.memref_slice %arg22[%add3A_679] : memref<1678336xf32, #tpu.memory_space<vmem_shared>> -> memref<5712xf32, #tpu.memory_space<vmem_shared>>
        tpu.wait_dma2 semaphore(%run_scoped3A : memref<!tpu.dma_semaphore, #tpu.memory_space<semaphore_mem>>) src(%dma_wait3A_819 : memref<5712xf32, #tpu.memory_space<vmem_shared>>) dst(%dma_wait3A_818 : memref<5712xf32, #tpu.memory_space<vmem>>)
        tpu.yield
      }) : () -> ()
      %mul3A_680 = arith.constant 104896 : i32
      %mul3A_681 = arith.muli %arg1, %mul3A_680 : i32
      %add3A_682 = arith.addi %add3A, %mul3A_681 : i32
      %add3A_683 = arith.constant 74256 : i32
      %add3A_684 = arith.addi %add3A_682, %add3A_683 : i32
      %dma_start3A_685 = arith.constant 0 : i32
      %dma_start3A_686 = tpu.memref_slice %arg21[%dma_start3A_685] : memref<5712xf32, #tpu.memory_space<vmem>> -> memref<5712xf32, #tpu.memory_space<vmem>>
      %dma_start3A_687 = tpu.memref_slice %arg5[%add3A_684] : memref<16780288xf32, #tpu.memory_space<hbm>> -> memref<5712xf32, #tpu.memory_space<hbm>>
      %dma_start3A_688 = tpu.memref_slice %arg5[%add3A_684] : memref<16780288xf32, #tpu.memory_space<hbm>> -> memref<5712xf32, #tpu.memory_space<hbm>>
      %dma_start3A_689 = arith.constant 0 : i32
      %dma_start3A_690 = tpu.memref_slice %arg21[%dma_start3A_689] : memref<5712xf32, #tpu.memory_space<vmem>> -> memref<5712xf32, #tpu.memory_space<vmem>>
      tpu.enqueue_dma source(%dma_start3A_690 : memref<5712xf32, #tpu.memory_space<vmem>>) target(%dma_start3A_688 : memref<5712xf32, #tpu.memory_space<hbm>>) target_semaphore(%arg29 : memref<!tpu.dma_semaphore, #tpu.memory_space<semaphore_mem>>)
      %dma_wait3A_691 = arith.constant 0 : i32
      %dma_wait3A_692 = tpu.memref_slice %arg20[%dma_wait3A_691] : memref<5712xf32, #tpu.memory_space<vmem>> -> memref<5712xf32, #tpu.memory_space<vmem>>
      %dma_wait3A_693 = tpu.memref_slice %arg5[%add3A_663] : memref<16780288xf32, #tpu.memory_space<hbm>> -> memref<5712xf32, #tpu.memory_space<hbm>>
      %dma_wait3A_694 = tpu.memref_slice %arg5[%add3A_663] : memref<16780288xf32, #tpu.memory_space<hbm>> -> memref<5712xf32, #tpu.memory_space<hbm>>
      %dma_wait3A_695 = arith.constant 0 : i32
      %dma_wait3A_696 = tpu.memref_slice %arg20[%dma_wait3A_695] : memref<5712xf32, #tpu.memory_space<vmem>> -> memref<5712xf32, #tpu.memory_space<vmem>>
      tpu.wait_dma2 semaphore(%arg29 : memref<!tpu.dma_semaphore, #tpu.memory_space<semaphore_mem>>) src(%dma_wait3A_696 : memref<5712xf32, #tpu.memory_space<vmem>>) dst(%dma_wait3A_694 : memref<5712xf32, #tpu.memory_space<hbm>>)
      %mul3A_697 = arith.constant 104896 : i32
      %mul3A_698 = arith.muli %arg1, %mul3A_697 : i32
      %add3A_699 = arith.constant 79968 : i32
      %add3A_700 = arith.addi %mul3A_698, %add3A_699 : i32
      "tpu.region"() ({
        %run_scoped3A = tpu.sem_alloc : memref<!tpu.dma_semaphore, #tpu.memory_space<semaphore_mem>>
        %dma_start3A_808 = arith.constant 0 : i32
        %dma_start3A_809 = tpu.memref_slice %arg20[%dma_start3A_808] : memref<5712xf32, #tpu.memory_space<vmem>> -> memref<5712xf32, #tpu.memory_space<vmem>>
        %dma_start3A_810 = tpu.memref_slice %arg22[%add3A_700] : memref<1678336xf32, #tpu.memory_space<vmem_shared>> -> memref<5712xf32, #tpu.memory_space<vmem_shared>>
        %dma_start3A_811 = arith.constant 0 : i32
        %dma_start3A_812 = tpu.memref_slice %arg20[%dma_start3A_811] : memref<5712xf32, #tpu.memory_space<vmem>> -> memref<5712xf32, #tpu.memory_space<vmem>>
        %dma_start3A_813 = tpu.memref_slice %arg22[%add3A_700] : memref<1678336xf32, #tpu.memory_space<vmem_shared>> -> memref<5712xf32, #tpu.memory_space<vmem_shared>>
        tpu.enqueue_dma source(%dma_start3A_813 : memref<5712xf32, #tpu.memory_space<vmem_shared>>) target(%dma_start3A_812 : memref<5712xf32, #tpu.memory_space<vmem>>) target_semaphore(%run_scoped3A : memref<!tpu.dma_semaphore, #tpu.memory_space<semaphore_mem>>)
        %dma_wait3A_814 = arith.constant 0 : i32
        %dma_wait3A_815 = tpu.memref_slice %arg20[%dma_wait3A_814] : memref<5712xf32, #tpu.memory_space<vmem>> -> memref<5712xf32, #tpu.memory_space<vmem>>
        %dma_wait3A_816 = tpu.memref_slice %arg22[%add3A_700] : memref<1678336xf32, #tpu.memory_space<vmem_shared>> -> memref<5712xf32, #tpu.memory_space<vmem_shared>>
        %dma_wait3A_817 = arith.constant 0 : i32
        %dma_wait3A_818 = tpu.memref_slice %arg20[%dma_wait3A_817] : memref<5712xf32, #tpu.memory_space<vmem>> -> memref<5712xf32, #tpu.memory_space<vmem>>
        %dma_wait3A_819 = tpu.memref_slice %arg22[%add3A_700] : memref<1678336xf32, #tpu.memory_space<vmem_shared>> -> memref<5712xf32, #tpu.memory_space<vmem_shared>>
        tpu.wait_dma2 semaphore(%run_scoped3A : memref<!tpu.dma_semaphore, #tpu.memory_space<semaphore_mem>>) src(%dma_wait3A_819 : memref<5712xf32, #tpu.memory_space<vmem_shared>>) dst(%dma_wait3A_818 : memref<5712xf32, #tpu.memory_space<vmem>>)
        tpu.yield
      }) : () -> ()
      %mul3A_701 = arith.constant 104896 : i32
      %mul3A_702 = arith.muli %arg1, %mul3A_701 : i32
      %add3A_703 = arith.addi %add3A, %mul3A_702 : i32
      %add3A_704 = arith.constant 79968 : i32
      %add3A_705 = arith.addi %add3A_703, %add3A_704 : i32
      %dma_start3A_706 = arith.constant 0 : i32
      %dma_start3A_707 = tpu.memref_slice %arg20[%dma_start3A_706] : memref<5712xf32, #tpu.memory_space<vmem>> -> memref<5712xf32, #tpu.memory_space<vmem>>
      %dma_start3A_708 = tpu.memref_slice %arg5[%add3A_705] : memref<16780288xf32, #tpu.memory_space<hbm>> -> memref<5712xf32, #tpu.memory_space<hbm>>
      %dma_start3A_709 = tpu.memref_slice %arg5[%add3A_705] : memref<16780288xf32, #tpu.memory_space<hbm>> -> memref<5712xf32, #tpu.memory_space<hbm>>
      %dma_start3A_710 = arith.constant 0 : i32
      %dma_start3A_711 = tpu.memref_slice %arg20[%dma_start3A_710] : memref<5712xf32, #tpu.memory_space<vmem>> -> memref<5712xf32, #tpu.memory_space<vmem>>
      tpu.enqueue_dma source(%dma_start3A_711 : memref<5712xf32, #tpu.memory_space<vmem>>) target(%dma_start3A_709 : memref<5712xf32, #tpu.memory_space<hbm>>) target_semaphore(%arg29 : memref<!tpu.dma_semaphore, #tpu.memory_space<semaphore_mem>>)
      %dma_wait3A_712 = arith.constant 0 : i32
      %dma_wait3A_713 = tpu.memref_slice %arg21[%dma_wait3A_712] : memref<5712xf32, #tpu.memory_space<vmem>> -> memref<5712xf32, #tpu.memory_space<vmem>>
      %dma_wait3A_714 = tpu.memref_slice %arg5[%add3A_684] : memref<16780288xf32, #tpu.memory_space<hbm>> -> memref<5712xf32, #tpu.memory_space<hbm>>
      %dma_wait3A_715 = tpu.memref_slice %arg5[%add3A_684] : memref<16780288xf32, #tpu.memory_space<hbm>> -> memref<5712xf32, #tpu.memory_space<hbm>>
      %dma_wait3A_716 = arith.constant 0 : i32
      %dma_wait3A_717 = tpu.memref_slice %arg21[%dma_wait3A_716] : memref<5712xf32, #tpu.memory_space<vmem>> -> memref<5712xf32, #tpu.memory_space<vmem>>
      tpu.wait_dma2 semaphore(%arg29 : memref<!tpu.dma_semaphore, #tpu.memory_space<semaphore_mem>>) src(%dma_wait3A_717 : memref<5712xf32, #tpu.memory_space<vmem>>) dst(%dma_wait3A_715 : memref<5712xf32, #tpu.memory_space<hbm>>)
      %mul3A_718 = arith.constant 104896 : i32
      %mul3A_719 = arith.muli %arg1, %mul3A_718 : i32
      %add3A_720 = arith.constant 85680 : i32
      %add3A_721 = arith.addi %mul3A_719, %add3A_720 : i32
      "tpu.region"() ({
        %run_scoped3A = tpu.sem_alloc : memref<!tpu.dma_semaphore, #tpu.memory_space<semaphore_mem>>
        %dma_start3A_808 = arith.constant 0 : i32
        %dma_start3A_809 = tpu.memref_slice %arg21[%dma_start3A_808] : memref<5712xf32, #tpu.memory_space<vmem>> -> memref<5712xf32, #tpu.memory_space<vmem>>
        %dma_start3A_810 = tpu.memref_slice %arg22[%add3A_721] : memref<1678336xf32, #tpu.memory_space<vmem_shared>> -> memref<5712xf32, #tpu.memory_space<vmem_shared>>
        %dma_start3A_811 = arith.constant 0 : i32
        %dma_start3A_812 = tpu.memref_slice %arg21[%dma_start3A_811] : memref<5712xf32, #tpu.memory_space<vmem>> -> memref<5712xf32, #tpu.memory_space<vmem>>
        %dma_start3A_813 = tpu.memref_slice %arg22[%add3A_721] : memref<1678336xf32, #tpu.memory_space<vmem_shared>> -> memref<5712xf32, #tpu.memory_space<vmem_shared>>
        tpu.enqueue_dma source(%dma_start3A_813 : memref<5712xf32, #tpu.memory_space<vmem_shared>>) target(%dma_start3A_812 : memref<5712xf32, #tpu.memory_space<vmem>>) target_semaphore(%run_scoped3A : memref<!tpu.dma_semaphore, #tpu.memory_space<semaphore_mem>>)
        %dma_wait3A_814 = arith.constant 0 : i32
        %dma_wait3A_815 = tpu.memref_slice %arg21[%dma_wait3A_814] : memref<5712xf32, #tpu.memory_space<vmem>> -> memref<5712xf32, #tpu.memory_space<vmem>>
        %dma_wait3A_816 = tpu.memref_slice %arg22[%add3A_721] : memref<1678336xf32, #tpu.memory_space<vmem_shared>> -> memref<5712xf32, #tpu.memory_space<vmem_shared>>
        %dma_wait3A_817 = arith.constant 0 : i32
        %dma_wait3A_818 = tpu.memref_slice %arg21[%dma_wait3A_817] : memref<5712xf32, #tpu.memory_space<vmem>> -> memref<5712xf32, #tpu.memory_space<vmem>>
        %dma_wait3A_819 = tpu.memref_slice %arg22[%add3A_721] : memref<1678336xf32, #tpu.memory_space<vmem_shared>> -> memref<5712xf32, #tpu.memory_space<vmem_shared>>
        tpu.wait_dma2 semaphore(%run_scoped3A : memref<!tpu.dma_semaphore, #tpu.memory_space<semaphore_mem>>) src(%dma_wait3A_819 : memref<5712xf32, #tpu.memory_space<vmem_shared>>) dst(%dma_wait3A_818 : memref<5712xf32, #tpu.memory_space<vmem>>)
        tpu.yield
      }) : () -> ()
      %mul3A_722 = arith.constant 104896 : i32
      %mul3A_723 = arith.muli %arg1, %mul3A_722 : i32
      %add3A_724 = arith.addi %add3A, %mul3A_723 : i32
      %add3A_725 = arith.constant 85680 : i32
      %add3A_726 = arith.addi %add3A_724, %add3A_725 : i32
      %dma_start3A_727 = arith.constant 0 : i32
      %dma_start3A_728 = tpu.memref_slice %arg21[%dma_start3A_727] : memref<5712xf32, #tpu.memory_space<vmem>> -> memref<5712xf32, #tpu.memory_space<vmem>>
      %dma_start3A_729 = tpu.memref_slice %arg5[%add3A_726] : memref<16780288xf32, #tpu.memory_space<hbm>> -> memref<5712xf32, #tpu.memory_space<hbm>>
      %dma_start3A_730 = tpu.memref_slice %arg5[%add3A_726] : memref<16780288xf32, #tpu.memory_space<hbm>> -> memref<5712xf32, #tpu.memory_space<hbm>>
      %dma_start3A_731 = arith.constant 0 : i32
      %dma_start3A_732 = tpu.memref_slice %arg21[%dma_start3A_731] : memref<5712xf32, #tpu.memory_space<vmem>> -> memref<5712xf32, #tpu.memory_space<vmem>>
      tpu.enqueue_dma source(%dma_start3A_732 : memref<5712xf32, #tpu.memory_space<vmem>>) target(%dma_start3A_730 : memref<5712xf32, #tpu.memory_space<hbm>>) target_semaphore(%arg29 : memref<!tpu.dma_semaphore, #tpu.memory_space<semaphore_mem>>)
      %dma_wait3A_733 = arith.constant 0 : i32
      %dma_wait3A_734 = tpu.memref_slice %arg20[%dma_wait3A_733] : memref<5712xf32, #tpu.memory_space<vmem>> -> memref<5712xf32, #tpu.memory_space<vmem>>
      %dma_wait3A_735 = tpu.memref_slice %arg5[%add3A_705] : memref<16780288xf32, #tpu.memory_space<hbm>> -> memref<5712xf32, #tpu.memory_space<hbm>>
      %dma_wait3A_736 = tpu.memref_slice %arg5[%add3A_705] : memref<16780288xf32, #tpu.memory_space<hbm>> -> memref<5712xf32, #tpu.memory_space<hbm>>
      %dma_wait3A_737 = arith.constant 0 : i32
      %dma_wait3A_738 = tpu.memref_slice %arg20[%dma_wait3A_737] : memref<5712xf32, #tpu.memory_space<vmem>> -> memref<5712xf32, #tpu.memory_space<vmem>>
      tpu.wait_dma2 semaphore(%arg29 : memref<!tpu.dma_semaphore, #tpu.memory_space<semaphore_mem>>) src(%dma_wait3A_738 : memref<5712xf32, #tpu.memory_space<vmem>>) dst(%dma_wait3A_736 : memref<5712xf32, #tpu.memory_space<hbm>>)
      %mul3A_739 = arith.constant 104896 : i32
      %mul3A_740 = arith.muli %arg1, %mul3A_739 : i32
      %add3A_741 = arith.constant 91392 : i32
      %add3A_742 = arith.addi %mul3A_740, %add3A_741 : i32
      "tpu.region"() ({
        %run_scoped3A = tpu.sem_alloc : memref<!tpu.dma_semaphore, #tpu.memory_space<semaphore_mem>>
        %dma_start3A_808 = arith.constant 0 : i32
        %dma_start3A_809 = tpu.memref_slice %arg20[%dma_start3A_808] : memref<5712xf32, #tpu.memory_space<vmem>> -> memref<5712xf32, #tpu.memory_space<vmem>>
        %dma_start3A_810 = tpu.memref_slice %arg22[%add3A_742] : memref<1678336xf32, #tpu.memory_space<vmem_shared>> -> memref<5712xf32, #tpu.memory_space<vmem_shared>>
        %dma_start3A_811 = arith.constant 0 : i32
        %dma_start3A_812 = tpu.memref_slice %arg20[%dma_start3A_811] : memref<5712xf32, #tpu.memory_space<vmem>> -> memref<5712xf32, #tpu.memory_space<vmem>>
        %dma_start3A_813 = tpu.memref_slice %arg22[%add3A_742] : memref<1678336xf32, #tpu.memory_space<vmem_shared>> -> memref<5712xf32, #tpu.memory_space<vmem_shared>>
        tpu.enqueue_dma source(%dma_start3A_813 : memref<5712xf32, #tpu.memory_space<vmem_shared>>) target(%dma_start3A_812 : memref<5712xf32, #tpu.memory_space<vmem>>) target_semaphore(%run_scoped3A : memref<!tpu.dma_semaphore, #tpu.memory_space<semaphore_mem>>)
        %dma_wait3A_814 = arith.constant 0 : i32
        %dma_wait3A_815 = tpu.memref_slice %arg20[%dma_wait3A_814] : memref<5712xf32, #tpu.memory_space<vmem>> -> memref<5712xf32, #tpu.memory_space<vmem>>
        %dma_wait3A_816 = tpu.memref_slice %arg22[%add3A_742] : memref<1678336xf32, #tpu.memory_space<vmem_shared>> -> memref<5712xf32, #tpu.memory_space<vmem_shared>>
        %dma_wait3A_817 = arith.constant 0 : i32
        %dma_wait3A_818 = tpu.memref_slice %arg20[%dma_wait3A_817] : memref<5712xf32, #tpu.memory_space<vmem>> -> memref<5712xf32, #tpu.memory_space<vmem>>
        %dma_wait3A_819 = tpu.memref_slice %arg22[%add3A_742] : memref<1678336xf32, #tpu.memory_space<vmem_shared>> -> memref<5712xf32, #tpu.memory_space<vmem_shared>>
        tpu.wait_dma2 semaphore(%run_scoped3A : memref<!tpu.dma_semaphore, #tpu.memory_space<semaphore_mem>>) src(%dma_wait3A_819 : memref<5712xf32, #tpu.memory_space<vmem_shared>>) dst(%dma_wait3A_818 : memref<5712xf32, #tpu.memory_space<vmem>>)
        tpu.yield
      }) : () -> ()
      %mul3A_743 = arith.constant 104896 : i32
      %mul3A_744 = arith.muli %arg1, %mul3A_743 : i32
      %add3A_745 = arith.addi %add3A, %mul3A_744 : i32
      %add3A_746 = arith.constant 91392 : i32
      %add3A_747 = arith.addi %add3A_745, %add3A_746 : i32
      %dma_start3A_748 = arith.constant 0 : i32
      %dma_start3A_749 = tpu.memref_slice %arg20[%dma_start3A_748] : memref<5712xf32, #tpu.memory_space<vmem>> -> memref<5712xf32, #tpu.memory_space<vmem>>
      %dma_start3A_750 = tpu.memref_slice %arg5[%add3A_747] : memref<16780288xf32, #tpu.memory_space<hbm>> -> memref<5712xf32, #tpu.memory_space<hbm>>
      %dma_start3A_751 = tpu.memref_slice %arg5[%add3A_747] : memref<16780288xf32, #tpu.memory_space<hbm>> -> memref<5712xf32, #tpu.memory_space<hbm>>
      %dma_start3A_752 = arith.constant 0 : i32
      %dma_start3A_753 = tpu.memref_slice %arg20[%dma_start3A_752] : memref<5712xf32, #tpu.memory_space<vmem>> -> memref<5712xf32, #tpu.memory_space<vmem>>
      tpu.enqueue_dma source(%dma_start3A_753 : memref<5712xf32, #tpu.memory_space<vmem>>) target(%dma_start3A_751 : memref<5712xf32, #tpu.memory_space<hbm>>) target_semaphore(%arg29 : memref<!tpu.dma_semaphore, #tpu.memory_space<semaphore_mem>>)
      %dma_wait3A_754 = arith.constant 0 : i32
      %dma_wait3A_755 = tpu.memref_slice %arg21[%dma_wait3A_754] : memref<5712xf32, #tpu.memory_space<vmem>> -> memref<5712xf32, #tpu.memory_space<vmem>>
      %dma_wait3A_756 = tpu.memref_slice %arg5[%add3A_726] : memref<16780288xf32, #tpu.memory_space<hbm>> -> memref<5712xf32, #tpu.memory_space<hbm>>
      %dma_wait3A_757 = tpu.memref_slice %arg5[%add3A_726] : memref<16780288xf32, #tpu.memory_space<hbm>> -> memref<5712xf32, #tpu.memory_space<hbm>>
      %dma_wait3A_758 = arith.constant 0 : i32
      %dma_wait3A_759 = tpu.memref_slice %arg21[%dma_wait3A_758] : memref<5712xf32, #tpu.memory_space<vmem>> -> memref<5712xf32, #tpu.memory_space<vmem>>
      tpu.wait_dma2 semaphore(%arg29 : memref<!tpu.dma_semaphore, #tpu.memory_space<semaphore_mem>>) src(%dma_wait3A_759 : memref<5712xf32, #tpu.memory_space<vmem>>) dst(%dma_wait3A_757 : memref<5712xf32, #tpu.memory_space<hbm>>)
      %mul3A_760 = arith.constant 104896 : i32
      %mul3A_761 = arith.muli %arg1, %mul3A_760 : i32
      %add3A_762 = arith.constant 97104 : i32
      %add3A_763 = arith.addi %mul3A_761, %add3A_762 : i32
      "tpu.region"() ({
        %run_scoped3A = tpu.sem_alloc : memref<!tpu.dma_semaphore, #tpu.memory_space<semaphore_mem>>
        %dma_start3A_808 = arith.constant 0 : i32
        %dma_start3A_809 = tpu.memref_slice %arg21[%dma_start3A_808] : memref<5712xf32, #tpu.memory_space<vmem>> -> memref<5712xf32, #tpu.memory_space<vmem>>
        %dma_start3A_810 = tpu.memref_slice %arg22[%add3A_763] : memref<1678336xf32, #tpu.memory_space<vmem_shared>> -> memref<5712xf32, #tpu.memory_space<vmem_shared>>
        %dma_start3A_811 = arith.constant 0 : i32
        %dma_start3A_812 = tpu.memref_slice %arg21[%dma_start3A_811] : memref<5712xf32, #tpu.memory_space<vmem>> -> memref<5712xf32, #tpu.memory_space<vmem>>
        %dma_start3A_813 = tpu.memref_slice %arg22[%add3A_763] : memref<1678336xf32, #tpu.memory_space<vmem_shared>> -> memref<5712xf32, #tpu.memory_space<vmem_shared>>
        tpu.enqueue_dma source(%dma_start3A_813 : memref<5712xf32, #tpu.memory_space<vmem_shared>>) target(%dma_start3A_812 : memref<5712xf32, #tpu.memory_space<vmem>>) target_semaphore(%run_scoped3A : memref<!tpu.dma_semaphore, #tpu.memory_space<semaphore_mem>>)
        %dma_wait3A_814 = arith.constant 0 : i32
        %dma_wait3A_815 = tpu.memref_slice %arg21[%dma_wait3A_814] : memref<5712xf32, #tpu.memory_space<vmem>> -> memref<5712xf32, #tpu.memory_space<vmem>>
        %dma_wait3A_816 = tpu.memref_slice %arg22[%add3A_763] : memref<1678336xf32, #tpu.memory_space<vmem_shared>> -> memref<5712xf32, #tpu.memory_space<vmem_shared>>
        %dma_wait3A_817 = arith.constant 0 : i32
        %dma_wait3A_818 = tpu.memref_slice %arg21[%dma_wait3A_817] : memref<5712xf32, #tpu.memory_space<vmem>> -> memref<5712xf32, #tpu.memory_space<vmem>>
        %dma_wait3A_819 = tpu.memref_slice %arg22[%add3A_763] : memref<1678336xf32, #tpu.memory_space<vmem_shared>> -> memref<5712xf32, #tpu.memory_space<vmem_shared>>
        tpu.wait_dma2 semaphore(%run_scoped3A : memref<!tpu.dma_semaphore, #tpu.memory_space<semaphore_mem>>) src(%dma_wait3A_819 : memref<5712xf32, #tpu.memory_space<vmem_shared>>) dst(%dma_wait3A_818 : memref<5712xf32, #tpu.memory_space<vmem>>)
        tpu.yield
      }) : () -> ()
      %mul3A_764 = arith.constant 104896 : i32
      %mul3A_765 = arith.muli %arg1, %mul3A_764 : i32
      %add3A_766 = arith.addi %add3A, %mul3A_765 : i32
      %add3A_767 = arith.constant 97104 : i32
      %add3A_768 = arith.addi %add3A_766, %add3A_767 : i32
      %dma_start3A_769 = arith.constant 0 : i32
      %dma_start3A_770 = tpu.memref_slice %arg21[%dma_start3A_769] : memref<5712xf32, #tpu.memory_space<vmem>> -> memref<5712xf32, #tpu.memory_space<vmem>>
      %dma_start3A_771 = tpu.memref_slice %arg5[%add3A_768] : memref<16780288xf32, #tpu.memory_space<hbm>> -> memref<5712xf32, #tpu.memory_space<hbm>>
      %dma_start3A_772 = tpu.memref_slice %arg5[%add3A_768] : memref<16780288xf32, #tpu.memory_space<hbm>> -> memref<5712xf32, #tpu.memory_space<hbm>>
      %dma_start3A_773 = arith.constant 0 : i32
      %dma_start3A_774 = tpu.memref_slice %arg21[%dma_start3A_773] : memref<5712xf32, #tpu.memory_space<vmem>> -> memref<5712xf32, #tpu.memory_space<vmem>>
      tpu.enqueue_dma source(%dma_start3A_774 : memref<5712xf32, #tpu.memory_space<vmem>>) target(%dma_start3A_772 : memref<5712xf32, #tpu.memory_space<hbm>>) target_semaphore(%arg29 : memref<!tpu.dma_semaphore, #tpu.memory_space<semaphore_mem>>)
      %dma_wait3A_775 = arith.constant 0 : i32
      %dma_wait3A_776 = tpu.memref_slice %arg20[%dma_wait3A_775] : memref<5712xf32, #tpu.memory_space<vmem>> -> memref<5712xf32, #tpu.memory_space<vmem>>
      %dma_wait3A_777 = tpu.memref_slice %arg5[%add3A_747] : memref<16780288xf32, #tpu.memory_space<hbm>> -> memref<5712xf32, #tpu.memory_space<hbm>>
      %dma_wait3A_778 = tpu.memref_slice %arg5[%add3A_747] : memref<16780288xf32, #tpu.memory_space<hbm>> -> memref<5712xf32, #tpu.memory_space<hbm>>
      %dma_wait3A_779 = arith.constant 0 : i32
      %dma_wait3A_780 = tpu.memref_slice %arg20[%dma_wait3A_779] : memref<5712xf32, #tpu.memory_space<vmem>> -> memref<5712xf32, #tpu.memory_space<vmem>>
      tpu.wait_dma2 semaphore(%arg29 : memref<!tpu.dma_semaphore, #tpu.memory_space<semaphore_mem>>) src(%dma_wait3A_780 : memref<5712xf32, #tpu.memory_space<vmem>>) dst(%dma_wait3A_778 : memref<5712xf32, #tpu.memory_space<hbm>>)
      %mul3A_781 = arith.constant 104896 : i32
      %mul3A_782 = arith.muli %arg1, %mul3A_781 : i32
      %add3A_783 = arith.constant 102816 : i32
      %add3A_784 = arith.addi %mul3A_782, %add3A_783 : i32
      "tpu.region"() ({
        %run_scoped3A = tpu.sem_alloc : memref<!tpu.dma_semaphore, #tpu.memory_space<semaphore_mem>>
        %dma_start3A_808 = arith.constant 0 : i32
        %dma_start3A_809 = tpu.memref_slice %arg20[%dma_start3A_808] : memref<5712xf32, #tpu.memory_space<vmem>> -> memref<2080xf32, #tpu.memory_space<vmem>>
        %dma_start3A_810 = tpu.memref_slice %arg22[%add3A_784] : memref<1678336xf32, #tpu.memory_space<vmem_shared>> -> memref<2080xf32, #tpu.memory_space<vmem_shared>>
        %dma_start3A_811 = arith.constant 0 : i32
        %dma_start3A_812 = tpu.memref_slice %arg20[%dma_start3A_811] : memref<5712xf32, #tpu.memory_space<vmem>> -> memref<2080xf32, #tpu.memory_space<vmem>>
        %dma_start3A_813 = tpu.memref_slice %arg22[%add3A_784] : memref<1678336xf32, #tpu.memory_space<vmem_shared>> -> memref<2080xf32, #tpu.memory_space<vmem_shared>>
        tpu.enqueue_dma source(%dma_start3A_813 : memref<2080xf32, #tpu.memory_space<vmem_shared>>) target(%dma_start3A_812 : memref<2080xf32, #tpu.memory_space<vmem>>) target_semaphore(%run_scoped3A : memref<!tpu.dma_semaphore, #tpu.memory_space<semaphore_mem>>)
        %dma_wait3A_814 = arith.constant 0 : i32
        %dma_wait3A_815 = tpu.memref_slice %arg20[%dma_wait3A_814] : memref<5712xf32, #tpu.memory_space<vmem>> -> memref<2080xf32, #tpu.memory_space<vmem>>
        %dma_wait3A_816 = tpu.memref_slice %arg22[%add3A_784] : memref<1678336xf32, #tpu.memory_space<vmem_shared>> -> memref<2080xf32, #tpu.memory_space<vmem_shared>>
        %dma_wait3A_817 = arith.constant 0 : i32
        %dma_wait3A_818 = tpu.memref_slice %arg20[%dma_wait3A_817] : memref<5712xf32, #tpu.memory_space<vmem>> -> memref<2080xf32, #tpu.memory_space<vmem>>
        %dma_wait3A_819 = tpu.memref_slice %arg22[%add3A_784] : memref<1678336xf32, #tpu.memory_space<vmem_shared>> -> memref<2080xf32, #tpu.memory_space<vmem_shared>>
        tpu.wait_dma2 semaphore(%run_scoped3A : memref<!tpu.dma_semaphore, #tpu.memory_space<semaphore_mem>>) src(%dma_wait3A_819 : memref<2080xf32, #tpu.memory_space<vmem_shared>>) dst(%dma_wait3A_818 : memref<2080xf32, #tpu.memory_space<vmem>>)
        tpu.yield
      }) : () -> ()
      %mul3A_785 = arith.constant 104896 : i32
      %mul3A_786 = arith.muli %arg1, %mul3A_785 : i32
      %add3A_787 = arith.addi %add3A, %mul3A_786 : i32
      %add3A_788 = arith.constant 102816 : i32
      %add3A_789 = arith.addi %add3A_787, %add3A_788 : i32
      %dma_start3A_790 = arith.constant 0 : i32
      %dma_start3A_791 = tpu.memref_slice %arg20[%dma_start3A_790] : memref<5712xf32, #tpu.memory_space<vmem>> -> memref<2080xf32, #tpu.memory_space<vmem>>
      %dma_start3A_792 = tpu.memref_slice %arg5[%add3A_789] : memref<16780288xf32, #tpu.memory_space<hbm>> -> memref<2080xf32, #tpu.memory_space<hbm>>
      %dma_start3A_793 = tpu.memref_slice %arg5[%add3A_789] : memref<16780288xf32, #tpu.memory_space<hbm>> -> memref<2080xf32, #tpu.memory_space<hbm>>
      %dma_start3A_794 = arith.constant 0 : i32
      %dma_start3A_795 = tpu.memref_slice %arg20[%dma_start3A_794] : memref<5712xf32, #tpu.memory_space<vmem>> -> memref<2080xf32, #tpu.memory_space<vmem>>
      tpu.enqueue_dma source(%dma_start3A_795 : memref<2080xf32, #tpu.memory_space<vmem>>) target(%dma_start3A_793 : memref<2080xf32, #tpu.memory_space<hbm>>) target_semaphore(%arg29 : memref<!tpu.dma_semaphore, #tpu.memory_space<semaphore_mem>>)
      %dma_wait3A_796 = arith.constant 0 : i32
      %dma_wait3A_797 = tpu.memref_slice %arg20[%dma_wait3A_796] : memref<5712xf32, #tpu.memory_space<vmem>> -> memref<2080xf32, #tpu.memory_space<vmem>>
      %dma_wait3A_798 = tpu.memref_slice %arg5[%add3A_789] : memref<16780288xf32, #tpu.memory_space<hbm>> -> memref<2080xf32, #tpu.memory_space<hbm>>
      %dma_wait3A_799 = tpu.memref_slice %arg5[%add3A_789] : memref<16780288xf32, #tpu.memory_space<hbm>> -> memref<2080xf32, #tpu.memory_space<hbm>>
      %dma_wait3A_800 = arith.constant 0 : i32
      %dma_wait3A_801 = tpu.memref_slice %arg20[%dma_wait3A_800] : memref<5712xf32, #tpu.memory_space<vmem>> -> memref<2080xf32, #tpu.memory_space<vmem>>
      tpu.wait_dma2 semaphore(%arg29 : memref<!tpu.dma_semaphore, #tpu.memory_space<semaphore_mem>>) src(%dma_wait3A_801 : memref<2080xf32, #tpu.memory_space<vmem>>) dst(%dma_wait3A_799 : memref<2080xf32, #tpu.memory_space<hbm>>)
      %dma_wait3A_802 = arith.constant 0 : i32
      %dma_wait3A_803 = tpu.memref_slice %arg21[%dma_wait3A_802] : memref<5712xf32, #tpu.memory_space<vmem>> -> memref<5712xf32, #tpu.memory_space<vmem>>
      %dma_wait3A_804 = tpu.memref_slice %arg5[%add3A_768] : memref<16780288xf32, #tpu.memory_space<hbm>> -> memref<5712xf32, #tpu.memory_space<hbm>>
      %dma_wait3A_805 = tpu.memref_slice %arg5[%add3A_768] : memref<16780288xf32, #tpu.memory_space<hbm>> -> memref<5712xf32, #tpu.memory_space<hbm>>
      %dma_wait3A_806 = arith.constant 0 : i32
      %dma_wait3A_807 = tpu.memref_slice %arg21[%dma_wait3A_806] : memref<5712xf32, #tpu.memory_space<vmem>> -> memref<5712xf32, #tpu.memory_space<vmem>>
      tpu.wait_dma2 semaphore(%arg29 : memref<!tpu.dma_semaphore, #tpu.memory_space<semaphore_mem>>) src(%dma_wait3A_807 : memref<5712xf32, #tpu.memory_space<vmem>>) dst(%dma_wait3A_805 : memref<5712xf32, #tpu.memory_space<hbm>>)
    }
    %scan3A_4 = arith.constant 5 : i32
    return
  }
}

module attributes {stable_mosaic.version = 14 : i64} {
  func.func @_matmul_body(%arg0: i32, %arg1: memref<512x4096xf32, #tpu.memory_space<vmem>>, %arg2: memref<4096x512xf32, #tpu.memory_space<vmem>>, %arg3: memref<1x512xf32, #tpu.memory_space<vmem>>, %arg4: memref<512x512xf32, #tpu.memory_space<vmem>>) attributes {dimension_semantics = [#tpu.dimension_semantics<arbitrary>], iteration_bounds = array<i64: 8>, scalar_prefetch = 0 : i64, scratch_operands = 0 : i64, tpu.core_type = #tpu.core_type<tc>, window_params = [{pipeline_mode = #tpu.pipeline_mode<synchronous>, transform_indices = @transform_0, window_bounds = array<i64: 512, 4096>}, {transform_indices = @transform_1, window_bounds = array<i64: 4096, 512>}, {transform_indices = @transform_2, window_bounds = array<i64: 1, 512>}, {transform_indices = @transform_3, window_bounds = array<i64: 512, 512>}]} {
    %get3A = arith.constant 0 : index
    %get3A_0 = arith.constant 0 : index
    %get3A_1 = vector.load %arg1[%get3A, %get3A_0] : memref<512x4096xf32, #tpu.memory_space<vmem>>, vector<512x4096xf32>
    %get3A_2 = arith.constant 0 : index
    %get3A_3 = arith.constant 0 : index
    %get3A_4 = vector.load %arg2[%get3A_2, %get3A_3] : memref<4096x512xf32, #tpu.memory_space<vmem>>, vector<4096x512xf32>
    %dot_general3A = arith.constant dense<0.000000e+00> : vector<512x512xf32>
    %dot_general3A_5 = tpu.matmul %get3A_1, %get3A_4, %dot_general3A {dimension_numbers = #tpu.dot_dimension_numbers<[1], [0], [0], [1], [0, 0, 1, 1], [], []>, transpose_lhs_hint = false} : vector<512x4096xf32>, vector<4096x512xf32>, vector<512x512xf32> -> vector<512x512xf32>
    %get3A_6 = arith.constant 0 : index
    %get3A_7 = arith.constant 0 : index
    %get3A_8 = vector.load %arg3[%get3A_6, %get3A_7] : memref<1x512xf32, #tpu.memory_space<vmem>>, vector<1x512xf32>
    %add3A = vector.broadcast %get3A_8 : vector<1x512xf32> to vector<512x512xf32>
    %add3A_9 = arith.addf %dot_general3A_5, %add3A : vector<512x512xf32>
    %swap3A = arith.constant 0 : index
    %swap3A_10 = arith.constant 0 : index
    %swap3A_11 = vector.load %arg4[%swap3A, %swap3A_10] : memref<512x512xf32, #tpu.memory_space<vmem>>, vector<512x512xf32>
    tpu.vector_store %arg4[%swap3A, %swap3A_10], %add3A_9 {strides = array<i32>} : memref<512x512xf32, #tpu.memory_space<vmem>>, vector<512x512xf32>,
    return
  }
  func.func @transform_0(%arg0: i32) -> (i32, i32) {
    %c0_i32 = arith.constant 0 : i32
    %c0_i32_0 = arith.constant 0 : i32
    %c0_i32_1 = arith.constant 0 : i32
    return %c0_i32, %c0_i32_0 : i32, i32
  }
  func.func @transform_1(%arg0: i32) -> (i32, i32) {
    %c0_i32 = arith.constant 0 : i32
    %c0_i32_0 = arith.constant 0 : i32
    return %c0_i32, %arg0 : i32, i32
  }
  func.func @transform_2(%arg0: i32) -> (i32, i32) {
    %c0_i32 = arith.constant 0 : i32
    %c0_i32_0 = arith.constant 0 : i32
    return %c0_i32, %arg0 : i32, i32
  }
  func.func @transform_3(%arg0: i32) -> (i32, i32) {
    %c0_i32 = arith.constant 0 : i32
    %c0_i32_0 = arith.constant 0 : i32
    return %c0_i32, %arg0 : i32, i32
  }
}

</mosaic_0001>

<sc_bundles>
// kernel: kernel.4.cloned.1.call-start
scs
__scs_entry_jumppad:
0x0: {  	(pc) =	sbr.rel $0x88, $3  }
0x1: {  	(tag) =	ssettag $0x0;
	lr =	simm.s32 $0x1  }
0x2: {  	[smem:$0x3F9C] =	sst lr;
	_ =	strace $0xD0000000  }
0x3: {  	_ = 	snop  }
0x4: {  	_ = 	snop  }
0x5: {  	_ = 	snop  }
0x6: {  	_ = 	snop  }
0x7: {  	_ = 	snop  }
__scs_overlays_trampoline_lowered:
0x8: {  	[smem:$0x3FAB] =	sst s0  }
0x9: {  	[smem:$0x3FAC] =	sst s1  }
0xa: {  	[smem:$0x3FAD] =	sst s2  }
0xb: {  	[smem:$0x3FAE] =	sst s3  }
0xc: {  	[smem:$0x3FAF] =	sst s4  }
0xd: {  	[smem:$0x3FB0] =	sst s5  }
0xe: {  	[smem:$0x3FB1] =	sst s6  }
0xf: {  	[smem:$0x3FB2] =	sst s7  }
0x10: {  	[smem:$0x3FB3] =	sst s8  }
0x11: {  	[smem:$0x3FB4] =	sst s9;
	s0 =	simm.s32 @!p0 $0x0  }
0x12: {  	s1 =	sld [smem:$0x3F9A];
	s0 =	simm.s32 @p0 $0x1  }
0x13: {  	[smem:$0x3FB5] =	sst s0;
	s0 =	simm.s32 @!p1 $0x0  }
0x14: {  	s2 =	sld [smem:$0x3F99];
	s0 =	simm.s32 @p1 $0x1  }
0x15: {  	[smem:$0x3FB6] =	sst s0;
	s0 =	simm.s32 @!p2 $0x0  }
0x16: {  	s3 =	sld [smem:$0x3FDB];
	s0 =	simm.s32 @p2 $0x1  }
0x17: {  	s4 =	simm.s32 $0x1BF5;
	[smem:$0x3FB8] =	sst s0  }
0x18: {  	s0 =	sld [smem:$0x3F9B];
	_ =	swait.ge [sflag:s4], $0x0  }
0x19: {  	s7 =	sld [smem:$0x3F9C]  }
0x1a: {  	s8 =	sadd.s32 $0xFFFFE003, lr  }
0x1b: {  	s9 =	sadd.s32 $0xFFFFFEF7, lr;
	s5 =	simm.s32 $0xFFFFFFFF;
	p2 =	slt.u32 s8, $0xFFFFF086  }
0x1c: {  	p1 =	slt.u32 s9, $0xF7A;
	s5 =	simm.s32 @!p2 $0x0  }
0x1d: {  	s5 =	simm.s32 @p1 $0x1;
	p0 =	seq.s32 s7, s2  }
0x1e: {  	s7 =	smul.u32 @!p0 $0xF7A, s2;
	p2 =	seq.s32 @!p0 s5, $0x0  }
0x1f: {  	s9 =	smul.u32 $0xF7A, s1;
	s8 =	simm.s32 @!p0 $0x1BF5;
	p2 =	por !p2, p0  }
0x20: {  	[sflag:s8] =	ssyncset.s32 @!p0 $0xFFFFF086;
	s6 =	sadd.s32 @!p0 s3, s7;
	s7 =	simm.s32 @!p0 $0x108  }
0x21: {  	s3 =	sadd.s32 s3, s9;
	s6 =	sadd.s32 @!p0 $0x88, s6;
	s7 =	simm.s32 @p2 $0x1082  }
0x22: {  	[simem:s7], [sflag:s8] =	dma.local @!p0 [hbm:s6], $0xF7A  }
0x23: {  	s9 =	sor.u32 $0xD0000000, s2;
	s6 =	simm.s32 $0x108;
	_ =	swait.ge @!p0 [sflag:s8], $0x0  }
0x24: {  	s3 =	sadd.s32 $0x88, s3;
	s6 =	simm.s32 @!p1 $0x1082;
	[sflag:s4] =	ssyncset.s32 $0xFFFFF086  }
0x25: {  	[simem:s6], [sflag:s4] =	dma.local [hbm:s3], $0xF7A  }
0x26: {  	[smem:$0x3F9C] =	sst s1;
	(tag) =	ssettag s2;
	_ =	strace s9  }
0x27: {  	s1 =	sld [smem:$0x3FAC]  }
0x28: {  	s2 =	sld [smem:$0x3FAD]  }
0x29: {  	s4 =	sld [smem:$0x3FAF]  }
0x2a: {  	p0 =	seq.s32 s5, $0x0;
	s5 =	sld [smem:$0x3FB0]  }
0x2b: {  	s6 =	sld [smem:$0x3FB1]  }
0x2c: {  	s7 =	sld [smem:$0x3FB2]  }
0x2d: {  	s3 =	simm.s32 $0x108;
	s8 =	sld [smem:$0x3FB3]  }
0x2e: {  	s3 =	simm.s32 @!p0 $0x1082;
	s9 =	sld [smem:$0x3FB4]  }
0x2f: {  	lr =	sadd.s32 s0, s3;
	s0 =	sld [smem:$0x3FAB]  }
0x30: {  	s3 =	sld [smem:$0x3FAE]  }
0x31: {  	[smem:$0x3FB7] =	sst s10  }
0x32: {  	s10 =	sld [smem:$0x3FB5];
	_ =	sdelay $0x3  }
0x33: {  	p0 =	seq.s32 s10, $0x1;
	s10 =	sld [smem:$0x3FB7];
	_ =	sdelay $0x3  }
0x34: {  	[smem:$0x3FB7] =	sst s10  }
0x35: {  	s10 =	sld [smem:$0x3FB6];
	_ =	sdelay $0x3  }
0x36: {  	p1 =	seq.s32 s10, $0x1;
	s10 =	sld [smem:$0x3FB7];
	_ =	sdelay $0x3  }
0x37: {  	[smem:$0x3FB7] =	sst s10  }
0x38: {  	s10 =	sld [smem:$0x3FB8]  }
0x39: {  	_ = 	snop;
	(pc) =	sbr.ind lr, $3  }
0x3a: {  	_ = 	snop  }
0x3b: {  	_ = 	snop  }
0x3c: {  	p2 =	seq.s32 s10, $0x1;
	s10 =	sld [smem:$0x3FB7]  }
0x3d: {  	_ =	shalt  }
0x3e: {  	_ =	shalt  }
0x3f: {  	_ =	shalt  }
0x40: {  	_ =	shalt  }
0x41: {  	_ =	shalt  }
0x42: {  	_ =	shalt  }
0x43: {  	_ =	shalt  }
0x44: {  	_ =	shalt  }
0x45: {  	_ =	shalt  }
0x46: {  	_ =	shalt  }
0x47: {  	_ =	shalt  }
0x48: {  	_ =	shalt  }
0x49: {  	_ =	shalt  }
0x4a: {  	_ =	shalt  }
0x4b: {  	_ =	shalt  }
0x4c: {  	_ =	shalt  }
0x4d: {  	_ =	shalt  }
0x4e: {  	_ =	shalt  }
0x4f: {  	_ =	shalt  }
0x50: {  	_ =	shalt  }
0x51: {  	_ =	shalt  }
0x52: {  	_ =	shalt  }
0x53: {  	_ =	shalt  }
0x54: {  	_ =	shalt  }
0x55: {  	_ =	shalt  }
0x56: {  	_ =	shalt  }
0x57: {  	_ =	shalt  }
0x58: {  	_ =	shalt  }
0x59: {  	_ =	shalt  }
0x5a: {  	_ =	shalt  }
0x5b: {  	_ =	shalt  }
0x5c: {  	_ =	shalt  }
0x5d: {  	_ =	shalt  }
0x5e: {  	_ =	shalt  }
0x5f: {  	_ =	shalt  }
0x60: {  	_ =	shalt  }
0x61: {  	_ =	shalt  }
0x62: {  	_ =	shalt  }
0x63: {  	_ =	shalt  }
0x64: {  	_ =	shalt  }
0x65: {  	_ =	shalt  }
0x66: {  	_ =	shalt  }
0x67: {  	_ =	shalt  }
0x68: {  	_ =	shalt  }
0x69: {  	_ =	shalt  }
0x6a: {  	_ =	shalt  }
0x6b: {  	_ =	shalt  }
0x6c: {  	_ =	shalt  }
0x6d: {  	_ =	shalt  }
0x6e: {  	_ =	shalt  }
0x6f: {  	_ =	shalt  }
0x70: {  	_ =	shalt  }
0x71: {  	_ =	shalt  }
0x72: {  	_ =	shalt  }
0x73: {  	_ =	shalt  }
0x74: {  	_ =	shalt  }
0x75: {  	_ =	shalt  }
0x76: {  	_ =	shalt  }
0x77: {  	_ =	shalt  }
0x78: {  	_ =	shalt  }
0x79: {  	_ =	shalt  }
0x7a: {  	_ =	shalt  }
0x7b: {  	_ =	shalt  }
0x7c: {  	_ =	shalt  }
0x7d: {  	_ =	shalt  }
0x7e: {  	_ =	shalt  }
0x7f: {  	_ =	shalt  }
0x80: {  	_ =	shalt  }
0x81: {  	_ =	shalt  }
0x82: {  	_ =	shalt  }
0x83: {  	_ =	shalt  }
0x84: {  	_ =	shalt  }
0x85: {  	_ =	shalt  }
0x86: {  	_ =	shalt  }
0x87: {  	_ =	shalt  }
.Lfunc_end0:
.L_simem_size_0:
called_computation_lowered:
.L_overlay_start_0:
0x88: {  	s2 =	sld [smem:$0x3FD9]  }
0x89: {  	s3 =	sld [smem:$0x3FFE];
	_ =	sdelay $0x1  }
0x8a: {  	s1 =	srdreg.scid  }
0x8b: {  	s0 =	sand.u32 $0x1, s1  }
0x8c: {  	s17 =	sshll.u32 s0, $0xA;
	s2 =	sadd.s32 s3, s2  }
0x8d: {  	s2 =	sadd.s32 s2, s17  }
0x8e: {  	[smem:$0x3FC3] =	sst s2  }
0x8f: {  	_ = 	snop  }
0x90: {  	s2 =	sld [smem:$0x3FD0];
	(tm) =	ssettm $0x1  }
0x91: {  	s18 =	sld [smem:$0x3FFB];
	_ =	sdelay $0x3  }
0x92: {  	_ =	strace s18  }
0x93: {  	s3 =	sld [smem:$0x3FFC];
	_ =	sdelay $0x3  }
0x94: {  	_ =	strace s3  }
0x95: {  	s3 =	sld [smem:$0x3FFD];
	_ =	sdelay $0x3  }
0x96: {  	_ =	strace s3  }
0x97: {  	_ =	strace $0x8FFFFFFF  }
0x98: {  	s19 =	sld [smem:$0x3FDB];
	_ =	sdelay $0x1  }
0x99: {  	s4 =	simm.s32 $_scs_section_size  }
0x9a: {  	s5 =	simm.s32 $_size__tile_overlayer_lowered;
	s6 =	simm.s32 $_tile_overlayer_lowered  }
0x9b: {  	s22 =	simm.s32 $0x1BFF;
	s21 =	sshll.u32 s6, $0x1;
	s3 =	sadd.s32 s4, s19  }
0x9c: {  	s7 =	simm.s32 $0x0;
	s20 =	sshll.u32 s5, $0x1;
	s5 =	sadd.s32 s21, s3  }
0x9d: {  	[timem:s7], [sflag:s22] =	dma.local [hbm:s5], s20  }
0x9e: {  	_ =	swait.ge [sflag:s22], s20  }
0x9f: {  	s4 =	ssub.s32 $0x0, s20;
	[sflag:s22] =	ssyncset.done $0x0  }
0xa0: {  	[sflag:s22] =	ssyncadd.s32 s4;
	_ =	sdelay $0x1  }
0xa1: {  	s23 =	simm.s32 $0x1B8B  }
0xa2: {  	_ =	swait.ge [sflag:s23], $0x1  }
0xa3: {  	[sflag:s23] =	ssyncset.done $0x0  }
0xa4: {  	s25 =	simm.s32 $0x1B8E;
	s24 =	sld [smem:$0x3FFE];
	[sflag:s23] =	ssyncadd.s32 $0xFFFFFFFF  }
0xa5: {  	s26 =	simm.s32 $execute0_lowered;
	[smem:$0x3FD2] =	sst s25  }
0xa6: {  	s5 =	sshll.u32 s26, $0x1;
	_ =	strace $0x80000046;
	[dreg:$0x1] =	wrdreg $0xFFFFFFFF  }
0xa7: {  	s28 =	simm.s32 $_size_execute0_lowered;
	s3 =	sadd.s32 s3, s5;
	[dreg:$0x0] =	wrdreg $0x0  }
0xa8: {  	s5 =	sshll.u32 s28, $0x1;
	[dreg:$0x2] =	wrdreg s3  }
0xa9: {  	[dreg:$0x3] =	wrdreg s5  }
0xaa: {  	[dreg:$0x4] =	wrdreg $0xC0  }
0xab: {  	_ =	task [dreg:s7], $0x5FFFF  }
0xac: {  	[dreg:$0x1] =	wrdreg $0xFFFFFFFF  }
0xad: {  	[dreg:$0x0] =	wrdreg $0x60  }
0xae: {  	[dreg:$0x2] =	wrdreg s2  }
0xaf: {  	[dreg:$0x3] =	wrdreg s24  }
0xb0: {  	[dreg:$0x4] =	wrdreg $0x65000  }
0xb1: {  	[dreg:$0x5] =	wrdreg $0x9  }
0xb2: {  	_ =	task.clear_ibuf [dreg:s7], $0x6FFFF;
	_ =	strace $0x90000046  }
0xb3: {  	s29 =	simm.s32 $0x9;
	_ =	strace $0x80000048  }
0xb4: {  	_ =	swait.ge [sflag:s29], $0x1  }
0xb5: {  	[sflag:s29] =	ssyncadd.s32 $0xFFFFFFFF  }
0xb6: {  	_ =	strace $0x90000048  }
0xb7: {  	_ =	sfence  }
0xb8: {  	s30 =	sld [smem:$0x0];
	_ =	sdelay $0x2  }
0xb9: {  	s31 =	sshll.u32 s1, $0xD;
	s1 =	sshrl.u32 s1, $0x2  }
0xba: {  	s3 =	sand.u32 $0x4000, s31;
	s1 =	sadd.s32 s1, s30  }
0xbb: {  	s0 =	sor.u32 s3, s0;
	s1 =	sshll.u32 s1, $0x11  }
0xbc: {  	s0 =	sor.u32 s1, s0  }
0xbd: {  	s0 =	sadd.s32 $0x8F2B, s0  }
0xbe: {  	[sflag:s0] =	ssyncadd.remote.s32 $0x1  }
0xbf: {  	_ =	sfence.sel $0xFFFF  }
0xc0: {  	[dreg:$0x0] =	wrdreg $0xFFFFFFFF;
	(pc) =	sbr.abs _section_cstart, $3  }
0xc1: {  	[dreg:$0x1] =	wrdreg $0xFFFFFFFF  }
0xc2: {  	_ =	task.clear_ibuf [dreg:s7], $0x2FFFF;
	_ =	strace $0x9FFFFFFF  }
0xc3: {  	(tm) =	ssettm $0x7FFFFFFF  }
tec
execute0_lowered:
.L_overlay_start_1:
0x0: {  	(tag) =	ssettag $0x1  }
0x1: {  	s1 =	rddreg [dreg:$0x0]  }
0x2: {  	s0 =	rddreg [dreg:$0x1]  }
0x3: {  	s2 =	rddreg [dreg:$0x2];
	s4 =	simm.s32 $0x0;
	s3 =	srdreg.scid  }
0x4: {  	s8 =	stileid.u32;
	[smem:$0x7FF] =	sst s4;
	s3 =	sand.u32 $0x1, s3  }
0x5: {  	s5 =	sadd.s32 $0x1E00, s0;
	s9 =	smul.u32 $0x199C0, s8;
	s7 =	sadd.s32 $0x35E00, s0  }
0x6: {  	s0 =	sadd.s32 $0x69E00, s0;
	s8 =	smul.u32 $0x1A000, s8;
	_ =	strace $0x80000047  }
0x7: {  	s6 =	ssub.s32 $0x2, s3;
	[dreg:$0x5] =	wrdreg s0;
	s3 =	sshll.u32 s3, $0x17  }
0x8: {  	[dreg:$0x6] =	wrdreg s3  }
0x9: {  	[dreg:$0x4] =	wrdreg s9;
	s12 =	sadd.s32 s9, s2;
	s19 =	sshrl.u32 s8, $0x3  }
0xa: {  	s20 =	sadd.s32 s1, s19;
	[dreg:$0x7] =	wrdreg s12  }
0xb: {  	s22 =	sadd.s32 s5, s19;
	[dreg:$0xf] =	wrdreg s20  }
0xc: {  	s3 =	sadd.s32 s7, s19;
	[dreg:$0x10] =	wrdreg s22  }
0xd: {  	s9 =	sadd.s32 $0xB280, s12;
	[dreg:$0x11] =	wrdreg s3  }
0xe: {  	s10 =	sadd.s32 $0xC8D0, s12;
	[dreg:$0x16] =	wrdreg s9  }
0xf: {  	s11 =	sadd.s32 $0xDF20, s12;
	[dreg:$0x17] =	wrdreg s10  }
0x10: {  	s13 =	sadd.s32 $0xF570, s12;
	[dreg:$0x18] =	wrdreg s11  }
0x11: {  	s18 =	sshrl.u32 s6, $0x1;
	s17 =	sadd.s32 $0x10BC0, s12;
	[dreg:$0x19] =	wrdreg s13  }
0x12: {  	s0 =	ssub.s32 s6, s18;
	s18 =	sadd.s32 $0x12210, s12;
	[dreg:$0x1a] =	wrdreg s17  }
0x13: {  	s23 =	sor.u32 $0x80, s19;
	s19 =	sadd.s32 $0x13860, s12;
	[dreg:$0x1b] =	wrdreg s18  }
0x14: {  	s31 =	sadd.s32 $0x1650, s12;
	[dreg:$0x1c] =	wrdreg s19  }
0x15: {  	s14 =	sadd.s32 $0x2CA0, s12;
	[dreg:$0x8] =	wrdreg s31  }
0x16: {  	s15 =	sadd.s32 $0x42F0, s12;
	[dreg:$0x9] =	wrdreg s14  }
0x17: {  	s16 =	sadd.s32 $0x5940, s12;
	[dreg:$0xa] =	wrdreg s15  }
0x18: {  	s21 =	sadd.s32 $0x6F90, s12;
	[dreg:$0xb] =	wrdreg s16  }
0x19: {  	s24 =	sadd.s32 $0x85E0, s12;
	[dreg:$0xc] =	wrdreg s21  }
0x1a: {  	s28 =	simm.s32 $0x1;
	s30 =	sadd.s32 $0x9C30, s12;
	[dreg:$0xd] =	wrdreg s24  }
0x1b: {  	s29 =	simm.s32 $0x4;
	s25 =	sadd.s32 s1, s23;
	[dreg:$0xe] =	wrdreg s30  }
0x1c: {  	s26 =	sadd.s32 s5, s23;
	s6 =	sadd.s32 s7, s23;
	[dreg:$0x12] =	wrdreg s25  }
0x1d: {  	s0 =	smax.u32 s0, $0x1;
	s20 =	sadd.s32 $0x14EB0, s12;
	[dreg:$0x13] =	wrdreg s26  }
0x1e: {  	s22 =	sadd.s32 $0x16500, s12;
	s23 =	sadd.s32 $0x17B50, s12;
	[dreg:$0x14] =	wrdreg s6  }
0x1f: {  	s19 =	smov.u32 s8;
	s17 =	simm.s32 $0x800;
	[dreg:$0x15] =	wrdreg s0  }
0x20: {  	s18 =	simm.s32 $0xC00;
	s10 =	simm.s32 $0x1000;
	[dreg:$0x1d] =	wrdreg s20  }
0x21: {  	s3 =	simm.s32 $0x5;
	s9 =	simm.s32 $0x0;
	[dreg:$0x1e] =	wrdreg s22  }
0x22: {  	[dreg:$0x1f] =	wrdreg s23;
	s25 =	sadd.s32 $0x191A0, s12;
	s26 =	sor.u32 $0x1000, s8  }
0x23: {  	s20 =	sor.u32 $0x1400, s8;
	s22 =	simm.s32 $0x7;
	s23 =	simm.s32 $0x400  }
0x24: {  	s0 =	simm.s32 $0x2;
	s6 =	simm.s32 $0x3;
	[smem:$0x7FC] =	sst s25  }
0x25: {  	v0 =	vimm.f32 $0.0e+00;
	v1 =	vlaneseq.u32;
	[smem:$0x7FD] =	sst s26;
	s26 =	simm.s32 $0x1400;
	s25 =	simm.s32 $0x6  }
.LBB2_1:
0x26: {  	[smem:$0x7FB] =	sst s9;
	s13 =	simm.s32 $0x0  }
.LBB2_2:
0x27: {  	s9 =	simm.s32 $0x40;
	s11 =	simm.s32 $0x0  }
.LBB2_3:
0x28: {  	p0 =	sne.s32 s9, $0x5900;
	[tilespmem:s11+$0x3800] =	vst v0;
	s11 =	smov.u32 s9;
	s9 =	sadd.s32 $0x40, s9  }
.Ltmp0:
0x29: {  	(pc) =	sbr.rel @p0 .LBB2_3-.Ltmp0, $2  }
0x2a: {  	_ =	sdelay $0x2  }
0x2b: {  	s11 =	sshra.s32 s11, $0x2  }
0x2c: {  	[tilespmem:s11+$0x3800] =	vst v0;
	s9 =	simm.s32 $0x3800  }
0x2d: {  	[spmem:s12] =	stream.linear.scatter [tilespmem:s9], [sflag:$0x7], $0x1650, $0x38;
	[tilespmem:$0x1FEC0] =	vst v63  }
0x2e: {  	_ = 	snop  }
0x2f: {  	[spmem:s31] =	stream.linear.scatter [tilespmem:s9], [sflag:$0x7], $0x1650, $0x38;
	[tilespmem:$0x1FEC0] =	vst v63  }
0x30: {  	_ = 	snop  }
0x31: {  	[spmem:s14] =	stream.linear.scatter [tilespmem:s9], [sflag:$0x7], $0x1650, $0x38;
	[tilespmem:$0x1FEC0] =	vst v63  }
0x32: {  	_ = 	snop  }
0x33: {  	[spmem:s15] =	stream.linear.scatter [tilespmem:s9], [sflag:$0x7], $0x1650, $0x38;
	[tilespmem:$0x1FEC0] =	vst v63  }
0x34: {  	_ = 	snop  }
0x35: {  	[spmem:s16] =	stream.linear.scatter [tilespmem:s9], [sflag:$0x7], $0x1650, $0x38;
	[tilespmem:$0x1FEC0] =	vst v63  }
0x36: {  	_ = 	snop  }
0x37: {  	[spmem:s21] =	stream.linear.scatter [tilespmem:s9], [sflag:$0x7], $0x1650, $0x38;
	[tilespmem:$0x1FEC0] =	vst v63  }
0x38: {  	_ = 	snop  }
0x39: {  	[spmem:s24] =	stream.linear.scatter [tilespmem:s9], [sflag:$0x7], $0x1650, $0x38;
	[tilespmem:$0x1FEC0] =	vst v63  }
0x3a: {  	s8 =	rddreg [dreg:$0x16]  }
0x3b: {  	[spmem:s30] =	stream.linear.scatter [tilespmem:s9], [sflag:$0x7], $0x1650, $0x38;
	[tilespmem:$0x1FEC0] =	vst v63  }
0x3c: {  	s11 =	rddreg [dreg:$0x19]  }
0x3d: {  	[spmem:s8] =	stream.linear.scatter [tilespmem:s9], [sflag:$0x7], $0x1650, $0x38;
	[tilespmem:$0x1FEC0] =	vst v63  }
0x3e: {  	s30 =	rddreg [dreg:$0x17]  }
0x3f: {  	[spmem:s30] =	stream.linear.scatter [tilespmem:s9], [sflag:$0x7], $0x1650, $0x38;
	[tilespmem:$0x1FEC0] =	vst v63  }
0x40: {  	s31 =	rddreg [dreg:$0x18]  }
0x41: {  	[spmem:s31] =	stream.linear.scatter [tilespmem:s9], [sflag:$0x7], $0x1650, $0x38;
	[tilespmem:$0x1FEC0] =	vst v63  }
0x42: {  	s12 =	rddreg [dreg:$0x1a]  }
0x43: {  	[spmem:s11] =	stream.linear.scatter [tilespmem:s9], [sflag:$0x7], $0x1650, $0x38;
	[tilespmem:$0x1FEC0] =	vst v63  }
0x44: {  	s14 =	rddreg [dreg:$0x1b]  }
0x45: {  	[spmem:s12] =	stream.linear.scatter [tilespmem:s9], [sflag:$0x7], $0x1650, $0x38;
	[tilespmem:$0x1FEC0] =	vst v63  }
0x46: {  	s15 =	rddreg [dreg:$0x1c]  }
0x47: {  	[spmem:s14] =	stream.linear.scatter [tilespmem:s9], [sflag:$0x7], $0x1650, $0x38;
	[tilespmem:$0x1FEC0] =	vst v63  }
0x48: {  	s16 =	rddreg [dreg:$0x1d]  }
0x49: {  	[spmem:s15] =	stream.linear.scatter [tilespmem:s9], [sflag:$0x7], $0x1650, $0x38;
	[tilespmem:$0x1FEC0] =	vst v63  }
0x4a: {  	s21 =	rddreg [dreg:$0x1e]  }
0x4b: {  	[spmem:s16] =	stream.linear.scatter [tilespmem:s9], [sflag:$0x7], $0x1650, $0x38;
	[tilespmem:$0x1FEC0] =	vst v63  }
0x4c: {  	s24 =	rddreg [dreg:$0x1f]  }
0x4d: {  	[spmem:s21] =	stream.linear.scatter [tilespmem:s9], [sflag:$0x7], $0x1650, $0x38;
	[tilespmem:$0x1FEC0] =	vst v63  }
0x4e: {  	s30 =	sld [smem:$0x7FC]  }
0x4f: {  	[spmem:s24] =	stream.linear.scatter [tilespmem:s9], [sflag:$0x7], $0x1650, $0x38;
	[tilespmem:$0x1FEC0] =	vst v63  }
0x50: {  	_ = 	snop  }
0x51: {  	[spmem:s30] =	stream.linear.scatter [tilespmem:s9], [sflag:$0x7], $0x820, $0x38;
	[tilespmem:$0x1FEC0] =	vst v63  }
0x52: {  	_ =	swait.ge [sflag:s22], $0x1650  }
0x53: {  	[sflag:s22] =	ssyncset.done $0x0  }
0x54: {  	[sflag:s22] =	ssyncadd.s32 $0xFFFFE9B0  }
0x55: {  	_ =	swait.ge [sflag:s22], $0x1650  }
0x56: {  	[sflag:s22] =	ssyncset.done $0x0  }
0x57: {  	[sflag:s22] =	ssyncadd.s32 $0xFFFFE9B0  }
0x58: {  	_ =	swait.ge [sflag:s22], $0x1650  }
0x59: {  	[sflag:s22] =	ssyncset.done $0x0  }
0x5a: {  	[sflag:s22] =	ssyncadd.s32 $0xFFFFE9B0  }
0x5b: {  	_ =	swait.ge [sflag:s22], $0x1650  }
0x5c: {  	[sflag:s22] =	ssyncset.done $0x0  }
0x5d: {  	[sflag:s22] =	ssyncadd.s32 $0xFFFFE9B0  }
0x5e: {  	_ =	swait.ge [sflag:s22], $0x1650  }
0x5f: {  	[sflag:s22] =	ssyncset.done $0x0  }
0x60: {  	[sflag:s22] =	ssyncadd.s32 $0xFFFFE9B0  }
0x61: {  	_ =	swait.ge [sflag:s22], $0x1650  }
0x62: {  	[sflag:s22] =	ssyncset.done $0x0  }
0x63: {  	[sflag:s22] =	ssyncadd.s32 $0xFFFFE9B0  }
0x64: {  	_ =	swait.ge [sflag:s22], $0x1650  }
0x65: {  	[sflag:s22] =	ssyncset.done $0x0  }
0x66: {  	[sflag:s22] =	ssyncadd.s32 $0xFFFFE9B0  }
0x67: {  	_ =	swait.ge [sflag:s22], $0x1650  }
0x68: {  	[sflag:s22] =	ssyncset.done $0x0  }
0x69: {  	[sflag:s22] =	ssyncadd.s32 $0xFFFFE9B0  }
0x6a: {  	_ =	swait.ge [sflag:s22], $0x1650  }
0x6b: {  	[sflag:s22] =	ssyncset.done $0x0  }
0x6c: {  	[sflag:s22] =	ssyncadd.s32 $0xFFFFE9B0  }
0x6d: {  	_ =	swait.ge [sflag:s22], $0x1650  }
0x6e: {  	[sflag:s22] =	ssyncset.done $0x0  }
0x6f: {  	[sflag:s22] =	ssyncadd.s32 $0xFFFFE9B0  }
0x70: {  	_ =	swait.ge [sflag:s22], $0x1650  }
0x71: {  	[sflag:s22] =	ssyncset.done $0x0  }
0x72: {  	[sflag:s22] =	ssyncadd.s32 $0xFFFFE9B0  }
0x73: {  	_ =	swait.ge [sflag:s22], $0x1650  }
0x74: {  	[sflag:s22] =	ssyncset.done $0x0  }
0x75: {  	[sflag:s22] =	ssyncadd.s32 $0xFFFFE9B0  }
0x76: {  	_ =	swait.ge [sflag:s22], $0x1650  }
0x77: {  	[sflag:s22] =	ssyncset.done $0x0  }
0x78: {  	[sflag:s22] =	ssyncadd.s32 $0xFFFFE9B0  }
0x79: {  	_ =	swait.ge [sflag:s22], $0x1650  }
0x7a: {  	[sflag:s22] =	ssyncset.done $0x0  }
0x7b: {  	[sflag:s22] =	ssyncadd.s32 $0xFFFFE9B0  }
0x7c: {  	_ =	swait.ge [sflag:s22], $0x1650  }
0x7d: {  	[sflag:s22] =	ssyncset.done $0x0  }
0x7e: {  	[sflag:s22] =	ssyncadd.s32 $0xFFFFE9B0  }
0x7f: {  	_ =	swait.ge [sflag:s22], $0x1650  }
0x80: {  	[sflag:s22] =	ssyncset.done $0x0  }
0x81: {  	[sflag:s22] =	ssyncadd.s32 $0xFFFFE9B0  }
0x82: {  	_ =	swait.ge [sflag:s22], $0x1650  }
0x83: {  	[sflag:s22] =	ssyncset.done $0x0  }
0x84: {  	[sflag:s22] =	ssyncadd.s32 $0xFFFFE9B0  }
0x85: {  	_ =	swait.ge [sflag:s22], $0x1650  }
0x86: {  	[sflag:s22] =	ssyncset.done $0x0  }
0x87: {  	[sflag:s22] =	ssyncadd.s32 $0xFFFFE9B0  }
0x88: {  	_ =	swait.ge [sflag:s22], $0x820  }
0x89: {  	[sflag:s22] =	ssyncset.done $0x0  }
0x8a: {  	s31 =	simm.s32 $0x0;
	[sflag:s22] =	ssyncadd.s32 $0xFFFFF7E0  }
0x8b: {  	v2 =	vor.u32 s31, v1;
	s9 =	simm.s32 $0x2000;
	[bflag:$0x0] =	sbarrier.arrive $0xFFFF  }
0x8c: {  	s11 =	simm.s32 $0x2400;
	[tilespmem:s9+$0x0] =	vst v2  }
0x8d: {  	s12 =	simm.s32 $0x10;
	[tilespmem:s11+$0x0] =	vst v0  }
.LBB2_5:
0x8e: {  	p0 =	sne.s32 s12, $0x3F0  }
.Ltmp1:
0x8f: {  	_ = 	snop;
	(pc) =	sbr.rel @p0 .LBB2_5-.Ltmp1, $4  }
0x90: {  	_ = 	snop  }
0x91: {  	v2 =	vor.u32 s12, v1;
	s9 =	sadd.s32 $0x10, s9  }
0x92: {  	s12 =	sadd.s32 $0x10, s12;
	s11 =	sadd.s32 $0x10, s11;
	[tilespmem:s9+$0x0] =	vst v2  }
0x93: {  	[tilespmem:s11+$0x0] =	vst v0  }
0x94: {  	s8 =	simm.s32 $0x2000;
	s9 =	simm.s32 $0x2400;
	s11 =	simm.s32 $0x0  }
0x95: {  	[spmem:s2] =	stream.indirect.scatter.add.f32 [tilespmem:s9], [sflag:$0x4], $0x1, s8, s23, $0xb8;
	[tilespmem:$0x1FEC0] =	vst v63  }
0x96: {  	s9 =	simm.s32 $0x2800;
	v2 =	vor.u32 s11, v1  }
0x97: {  	s11 =	simm.s32 $0x2C00;
	[tilespmem:s9+$0x0] =	vst v2  }
0x98: {  	s12 =	simm.s32 $0x10;
	[tilespmem:s11+$0x0] =	vst v0  }
.LBB2_7:
0x99: {  	p0 =	sne.s32 s12, $0x3F0  }
.Ltmp2:
0x9a: {  	_ = 	snop;
	(pc) =	sbr.rel @p0 .LBB2_7-.Ltmp2, $4  }
0x9b: {  	_ = 	snop  }
0x9c: {  	v2 =	vor.u32 s12, v1;
	s9 =	sadd.s32 $0x10, s9  }
0x9d: {  	s12 =	sadd.s32 $0x10, s12;
	s11 =	sadd.s32 $0x10, s11;
	[tilespmem:s9+$0x0] =	vst v2  }
0x9e: {  	[tilespmem:s11+$0x0] =	vst v0  }
0x9f: {  	s8 =	simm.s32 $0x2800;
	s9 =	simm.s32 $0x2C00;
	s11 =	simm.s32 $0x0  }
0xa0: {  	[spmem:s2] =	stream.indirect.scatter.add.f32 [tilespmem:s9], [sflag:$0x5], $0x1, s8, s23, $0xb8;
	[tilespmem:$0x1FEC0] =	vst v63  }
0xa1: {  	s9 =	simm.s32 $0x3000;
	v2 =	vor.u32 s11, v1  }
0xa2: {  	s11 =	simm.s32 $0x3400;
	[tilespmem:s9+$0x0] =	vst v2  }
0xa3: {  	s12 =	simm.s32 $0x10;
	[tilespmem:s11+$0x0] =	vst v0  }
.LBB2_9:
0xa4: {  	p0 =	sne.s32 s12, $0x3F0  }
.Ltmp3:
0xa5: {  	_ = 	snop;
	(pc) =	sbr.rel @p0 .LBB2_9-.Ltmp3, $4  }
0xa6: {  	_ = 	snop  }
0xa7: {  	v2 =	vor.u32 s12, v1;
	s9 =	sadd.s32 $0x10, s9  }
0xa8: {  	s12 =	sadd.s32 $0x10, s12;
	s11 =	sadd.s32 $0x10, s11;
	[tilespmem:s9+$0x0] =	vst v2  }
0xa9: {  	[tilespmem:s11+$0x0] =	vst v0  }
0xaa: {  	s14 =	rddreg [dreg:$0xf]  }
0xab: {  	s15 =	rddreg [dreg:$0x10]  }
0xac: {  	s8 =	simm.s32 $0x3000;
	s9 =	simm.s32 $0x3400;
	s16 =	rddreg [dreg:$0x11]  }
0xad: {  	[spmem:s2] =	stream.indirect.scatter.add.f32 [tilespmem:s9], [sflag:$0x6], $0x1, s8, s23, $0xb8;
	[tilespmem:$0x1FEC0] =	vst v63  }
0xae: {  	s21 =	rddreg [dreg:$0x12];
	s9 =	simm.s32 $0x0  }
0xaf: {  	[tilespmem:s9], [sflag:$0x1] =	stream.linear.gather [hbm4b:s14+s9], $0x400, $0x38;
	[tilespmem:$0x1FEC0] =	vst v63  }
0xb0: {  	[smem:$0x7F9] =	sst s13  }
0xb1: {  	[tilespmem:s23], [sflag:$0x1] =	stream.linear.gather [hbm4b:s15+s9], $0x400, $0x38;
	[tilespmem:$0x1FEC0] =	vst v63  }
0xb2: {  	s11 =	smul.u32 $0x199C00, s13;
	s30 =	rddreg [dreg:$0x6]  }
0xb3: {  	[tilespmem:s17], [sflag:$0x1] =	stream.linear.gather [hbm4b:s16+s9], $0x400, $0x38;
	[tilespmem:$0x1FEC0] =	vst v63  }
0xb4: {  	s24 =	rddreg [dreg:$0x13];
	s11 =	sadd.s32 s30, s11  }
0xb5: {  	[tilespmem:s18], [sflag:$0x2] =	stream.linear.gather [hbm4b:s21+s9], $0x400, $0x38;
	[tilespmem:$0x1FEC0] =	vst v63  }
0xb6: {  	s31 =	rddreg [dreg:$0x14];
	v2 =	vmov s11  }
0xb7: {  	v2 =	vsub.s32 $0x0, v2;
	[tilespmem:s10], [sflag:$0x2] =	stream.linear.gather [hbm4b:s24+s9], $0x400, $0x38;
	[tilespmem:$0x1FEC0] =	vst v63  }
0xb8: {  	[smem:$0x7FA] =	sst s11;
	v2 =	vbroadcast v2, $0x0  }
0xb9: {  	[tilespmem:s26], [sflag:$0x2] =	stream.linear.gather [hbm4b:s31+s9], $0x400, $0x38;
	[tilespmem:$0x1FEC0] =	vst v63  }
.LBB2_11:
0xba: {  	_ =	swait.ge [sflag:s28], $0x400  }
0xbb: {  	[sflag:s28] =	ssyncset.done $0x0  }
0xbc: {  	[sflag:s28] =	ssyncadd.s32 $0xFFFFFC00  }
0xbd: {  	_ =	swait.ge [sflag:s28], $0x400  }
0xbe: {  	[sflag:s28] =	ssyncset.done $0x0  }
0xbf: {  	[sflag:s28] =	ssyncadd.s32 $0xFFFFFC00  }
0xc0: {  	_ =	swait.ge [sflag:s28], $0x400  }
0xc1: {  	[sflag:s28] =	ssyncset.done $0x0  }
0xc2: {  	[sflag:s28] =	ssyncadd.s32 $0xFFFFFC00  }
0xc3: {  	_ =	swait.ge [sflag:s29], $0x400  }
0xc4: {  	[sflag:s29] =	ssyncset.done $0x0  }
0xc5: {  	s11 =	simm.s32 $0x20;
	[sflag:s29] =	ssyncadd.s32 $0xFFFFFC00  }
0xc6: {  	s24 =	simm.s32 $0x420;
	v3 =	vld [tilespmem:s11+$0x10]  }
0xc7: {  	v4 =	vld [tilespmem:s24+$0x10]  }
0xc8: {  	v5 =	vld [tilespmem:s24+$0xFFFFFFE0]  }
0xc9: {  	v8 =	vld [tilespmem:s11+$0xFFFFFFF0]  }
0xca: {  	s12 =	simm.s32 $0x820;
	v9 =	vld [tilespmem:s24+$0xFFFFFFF0]  }
0xcb: {  	v10 =	vld [tilespmem:s12+$0x10]  }
0xcc: {  	v13 =	vld [tilespmem:s11+$0x0]  }
0xcd: {  	s15 =	simm.s32 $0x300;
	v7 =	vshll.u32 v3, $0xC;
	v4 =	vadd.s32 v2, v4  }
0xce: {  	v12 =	vor.u32 s15, v1;
	v6 =	vld [tilespmem:s24+$0x0];
	v11 =	vadd.s32 v7, v4  }
0xcf: {  	s14 =	simm.s32 $0x0;
	v3 =	vadd.s32 v2, v5;
	v8 =	vshll.u32 v8, $0xC;
	v7 =	vld [tilespmem:s11+$0xFFFFFFE0];
	vm0 =	vlt.u32 v11, $0x199C00  }
0xd0: {  	v5 =	vor.u32 s14, v1;
	v14 =	vadd.s32 v2, v9;
	v9 =	vld [tilespmem:s12+$0xFFFFFFF0];
	s11 =	simm.s32 $0x1820;
	v15 =	vsel vm0, v11, v12  }
0xd1: {  	s16 =	simm.s32 $0x100;
	s21 =	simm.s32 $0x200;
	s14 =	simm.s32 $0x1C20;
	v13 =	vshll.u32 v13, $0xC;
	v4 =	vld [tilespmem:s12+$0xFFFFFFE0];
	v11 =	vadd.s32 v8, v14;
	v14 =	vnsel vm0, $0x0, v10;
	[tilespmem:s11+$0x10] =	vst v15  }
0xd2: {  	s30 =	simm.s32 $0x0;
	v12 =	vor.u32 s16, v1;
	v8 =	vld [tilespmem:s12+$0x0];
	v10 =	vor.u32 s21, v1;
	s16 =	simm.s32 $0x60;
	vm0 =	vlt.u32 v11, $0x199C00;
	[tilespmem:s14+$0x10] =	vst v14  }
.LBB2_12:
0xd3: {  	v14 =	vld [tilespmem:s16+$0x10];
	v11 =	vsel vm0, v11, v12;
	v6 =	vadd.s32 v2, v6;
	s24 =	sadd.s32 $0x40, s24  }
0xd4: {  	v12 =	vld [tilespmem:s24+$0x10];
	v7 =	vshll.u32 v7, $0xC;
	[tilespmem:s11+$0xFFFFFFF0] =	vst v11;
	v6 =	vadd.s32 v13, v6  }
0xd5: {  	s30 =	sadd.s32 $0x40, s30;
	v11 =	vld [tilespmem:s24+$0xFFFFFFE0];
	v3 =	vadd.s32 v7, v3;
	vm1 =	vlt.u32 v6, $0x199C00  }
0xd6: {  	p0 =	slt.u32 s30, $0x3C0;
	v13 =	vld [tilespmem:s16+$0xFFFFFFF0];
	vm2 =	vlt.u32 v3, $0x199C00;
	v7 =	vnsel vm0, $0x0, v9;
	v9 =	vsel vm1, v6, v10  }
0xd7: {  	s12 =	sadd.s32 $0x40, s12;
	v10 =	vld [tilespmem:s24+$0xFFFFFFF0];
	v3 =	vsel vm2, v3, v5;
	v4 =	vnsel vm2, $0x0, v4;
	[tilespmem:s14+$0xFFFFFFF0] =	vst v7;
	v5 =	vnsel vm1, $0x0, v8  }
0xd8: {  	v8 =	vld [tilespmem:s12+$0x10];
	[tilespmem:s11+$0xFFFFFFE0] =	vst v3  }
0xd9: {  	v7 =	vshll.u32 v14, $0xC;
	v15 =	vld [tilespmem:s16+$0x0];
	v12 =	vadd.s32 v2, v12;
	[tilespmem:s14+$0xFFFFFFE0] =	vst v4  }
.Ltmp4:
0xda: {  	s15 =	sadd.s32 $0x400, s15;
	v3 =	vadd.s32 v2, v11;
	v6 =	vld [tilespmem:s24+$0x0];
	v11 =	vadd.s32 v7, v12;
	[tilespmem:s11+$0x0] =	vst v9;
	(pc) =	sbr.rel @p0 .LBB2_12-.Ltmp4, $4  }
0xdb: {  	s21 =	sadd.s32 $0xFFFFFD00, s15;
	s31 =	sadd.s32 $0xFFFFFE00, s15;
	v9 =	vor.u32 s15, v1;
	v7 =	vld [tilespmem:s16+$0xFFFFFFE0];
	v12 =	vshll.u32 v13, $0xC;
	vm0 =	vlt.u32 v11, $0x199C00;
	[tilespmem:s14+$0x0] =	vst v5  }
0xdc: {  	s11 =	sadd.s32 $0x40, s11;
	v5 =	vor.u32 s21, v1;
	s21 =	sadd.s32 $0xFFFFFF00, s15;
	v4 =	vld [tilespmem:s12+$0xFFFFFFE0];
	v10 =	vadd.s32 v2, v10;
	v13 =	vsel vm0, v11, v9  }
0xdd: {  	s14 =	sadd.s32 $0x40, s14;
	v9 =	vld [tilespmem:s12+$0xFFFFFFF0];
	v11 =	vadd.s32 v12, v10;
	v12 =	vor.u32 s31, v1;
	[tilespmem:s11+$0x10] =	vst v13;
	v14 =	vnsel vm0, $0x0, v8  }
0xde: {  	s16 =	sadd.s32 $0x40, s16;
	v10 =	vor.u32 s21, v1;
	vm0 =	vlt.u32 v11, $0x199C00;
	v8 =	vld [tilespmem:s12+$0x0];
	v13 =	vshll.u32 v15, $0xC;
	[tilespmem:s14+$0x10] =	vst v14  }
0xdf: {  	_ = 	snop  }
0xe0: {  	v7 =	vshll.u32 v7, $0xC  }
0xe1: {  	v11 =	vsel vm0, v11, v12;
	v3 =	vadd.s32 v7, v3  }
0xe2: {  	v6 =	vadd.s32 v2, v6;
	[tilespmem:s11+$0xFFFFFFF0] =	vst v11;
	vm1 =	vlt.u32 v3, $0x199C00;
	v7 =	vnsel vm0, $0x0, v9  }
0xe3: {  	v6 =	vadd.s32 v13, v6;
	v3 =	vsel vm1, v3, v5;
	[tilespmem:s14+$0xFFFFFFF0] =	vst v7  }
0xe4: {  	vm0 =	vlt.u32 v6, $0x199C00;
	v4 =	vnsel vm1, $0x0, v4;
	[tilespmem:s11+$0xFFFFFFE0] =	vst v3  }
0xe5: {  	v3 =	vsel vm0, v6, v10;
	[tilespmem:s14+$0xFFFFFFE0] =	vst v4  }
0xe6: {  	v4 =	vnsel vm0, $0x0, v8;
	[tilespmem:s11+$0x0] =	vst v3  }
0xe7: {  	s8 =	simm.s32 $0x1800;
	s13 =	simm.s32 $0x1C00;
	[tilespmem:s14+$0x0] =	vst v4;
	s14 =	sshll.u32 s9, $0xC  }
0xe8: {  	[spmem:s2] =	stream.indirect.scatter.add.f32 [tilespmem:s13], [sflag:$0x3], $0x1, s8, s23, $0xb8;
	[tilespmem:$0x1FEC0] =	vst v63  }
0xe9: {  	s31 =	sadd.s32 s14, s19  }
0xea: {  	s11 =	sadd.s32 $0x800, s31  }
0xeb: {  	s11 =	sshrl.u32 s11, $0x3  }
0xec: {  	s12 =	sadd.s32 s1, s11  }
0xed: {  	[tilespmem:s4], [sflag:$0x1] =	stream.linear.gather [hbm4b:s12+s4], $0x400, $0x38;
	[tilespmem:$0x1FEC0] =	vst v63  }
0xee: {  	s15 =	sadd.s32 s5, s11  }
0xef: {  	[tilespmem:s23], [sflag:$0x1] =	stream.linear.gather [hbm4b:s15+s4], $0x400, $0x38;
	[tilespmem:$0x1FEC0] =	vst v63  }
0xf0: {  	s11 =	sadd.s32 s7, s11  }
0xf1: {  	[tilespmem:s17], [sflag:$0x1] =	stream.linear.gather [hbm4b:s11+s4], $0x400, $0x38;
	[tilespmem:$0x1FEC0] =	vst v63  }
0xf2: {  	_ =	swait.ge [sflag:s0], $0x400  }
0xf3: {  	[sflag:s0] =	ssyncset.done $0x0  }
0xf4: {  	[sflag:s0] =	ssyncadd.s32 $0xFFFFFC00  }
0xf5: {  	_ =	swait.ge [sflag:s0], $0x400  }
0xf6: {  	[sflag:s0] =	ssyncset.done $0x0  }
0xf7: {  	[sflag:s0] =	ssyncadd.s32 $0xFFFFFC00  }
0xf8: {  	_ =	swait.ge [sflag:s0], $0x400  }
0xf9: {  	[sflag:s0] =	ssyncset.done $0x0  }
0xfa: {  	[sflag:s0] =	ssyncadd.s32 $0xFFFFFC00  }
0xfb: {  	_ =	swait.ge [sflag:s3], $0x400  }
0xfc: {  	[sflag:s3] =	ssyncset.done $0x0  }
0xfd: {  	s16 =	simm.s32 $0xC20;
	[sflag:s3] =	ssyncadd.s32 $0xFFFFFC00  }
0xfe: {  	s24 =	simm.s32 $0x1020;
	v3 =	vld [tilespmem:s16+$0x10]  }
0xff: {  	v4 =	vld [tilespmem:s24+$0x10]  }
0x100: {  	v5 =	vld [tilespmem:s24+$0xFFFFFFE0]  }
0x101: {  	v8 =	vld [tilespmem:s16+$0xFFFFFFF0]  }
0x102: {  	s12 =	simm.s32 $0x1420;
	v9 =	vld [tilespmem:s24+$0xFFFFFFF0]  }
0x103: {  	v10 =	vld [tilespmem:s12+$0x10]  }
0x104: {  	v13 =	vld [tilespmem:s16+$0x0]  }
0x105: {  	v7 =	vshll.u32 v3, $0xC;
	v4 =	vadd.s32 v2, v4  }
0x106: {  	s15 =	simm.s32 $0x300;
	v6 =	vld [tilespmem:s24+$0x0];
	v3 =	vadd.s32 v2, v5;
	v11 =	vadd.s32 v7, v4  }
0x107: {  	s21 =	simm.s32 $0x0;
	v12 =	vshll.u32 v8, $0xC;
	v8 =	vor.u32 s15, v1;
	v7 =	vld [tilespmem:s16+$0xFFFFFFE0];
	vm0 =	vlt.u32 v11, $0x199C00  }
0x108: {  	s11 =	simm.s32 $0x2020;
	v5 =	vor.u32 s21, v1;
	v9 =	vadd.s32 v2, v9;
	v4 =	vld [tilespmem:s12+$0xFFFFFFE0];
	v14 =	vsel vm0, v11, v8  }
0x109: {  	s14 =	simm.s32 $0x2420;
	s21 =	simm.s32 $0x200;
	v13 =	vshll.u32 v13, $0xC;
	s16 =	simm.s32 $0x100;
	v8 =	vld [tilespmem:s12+$0xFFFFFFF0];
	v11 =	vadd.s32 v12, v9;
	[tilespmem:s11+$0x10] =	vst v14;
	v14 =	vnsel vm0, $0x0, v10  }
0x10a: {  	s30 =	sshll.u32 s9, $0x2;
	v12 =	vor.u32 s16, v1;
	s16 =	simm.s32 $0x0;
	v9 =	vld [tilespmem:s12+$0x0];
	vm0 =	vlt.u32 v11, $0x199C00;
	v10 =	vor.u32 s21, v1;
	s21 =	simm.s32 $0xC60;
	[tilespmem:s14+$0x10] =	vst v14  }
.LBB2_14:
0x10b: {  	v14 =	vld [tilespmem:s21+$0x10];
	v11 =	vsel vm0, v11, v12;
	v6 =	vadd.s32 v2, v6;
	s24 =	sadd.s32 $0x40, s24  }
0x10c: {  	v12 =	vld [tilespmem:s24+$0x10];
	v7 =	vshll.u32 v7, $0xC;
	[tilespmem:s11+$0xFFFFFFF0] =	vst v11;
	v6 =	vadd.s32 v13, v6  }
0x10d: {  	s16 =	sadd.s32 $0x40, s16;
	v11 =	vld [tilespmem:s24+$0xFFFFFFE0];
	v3 =	vadd.s32 v7, v3;
	vm1 =	vlt.u32 v6, $0x199C00  }
0x10e: {  	p0 =	slt.u32 s16, $0x3C0;
	v13 =	vld [tilespmem:s21+$0xFFFFFFF0];
	vm2 =	vlt.u32 v3, $0x199C00;
	v7 =	vnsel vm0, $0x0, v8;
	v8 =	vsel vm1, v6, v10  }
0x10f: {  	s12 =	sadd.s32 $0x40, s12;
	v10 =	vld [tilespmem:s24+$0xFFFFFFF0];
	v3 =	vsel vm2, v3, v5;
	v4 =	vnsel vm2, $0x0, v4;
	[tilespmem:s14+$0xFFFFFFF0] =	vst v7;
	v5 =	vnsel vm1, $0x0, v9  }
0x110: {  	v9 =	vld [tilespmem:s12+$0x10];
	[tilespmem:s11+$0xFFFFFFE0] =	vst v3  }
0x111: {  	v7 =	vshll.u32 v14, $0xC;
	v15 =	vld [tilespmem:s21+$0x0];
	v12 =	vadd.s32 v2, v12;
	[tilespmem:s14+$0xFFFFFFE0] =	vst v4  }
.Ltmp5:
0x112: {  	s15 =	sadd.s32 $0x400, s15;
	v3 =	vadd.s32 v2, v11;
	v6 =	vld [tilespmem:s24+$0x0];
	v11 =	vadd.s32 v7, v12;
	[tilespmem:s11+$0x0] =	vst v8;
	(pc) =	sbr.rel @p0 .LBB2_14-.Ltmp5, $4  }
0x113: {  	s8 =	sadd.s32 $0xFFFFFD00, s15;
	s13 =	sadd.s32 $0xFFFFFE00, s15;
	v8 =	vor.u32 s15, v1;
	v7 =	vld [tilespmem:s21+$0xFFFFFFE0];
	v12 =	vshll.u32 v13, $0xC;
	vm0 =	vlt.u32 v11, $0x199C00;
	[tilespmem:s14+$0x0] =	vst v5  }
0x114: {  	s11 =	sadd.s32 $0x40, s11;
	v5 =	vor.u32 s8, v1;
	s8 =	sadd.s32 $0xFFFFFF00, s15;
	v4 =	vld [tilespmem:s12+$0xFFFFFFE0];
	v10 =	vadd.s32 v2, v10;
	v13 =	vsel vm0, v11, v8  }
0x115: {  	s14 =	sadd.s32 $0x40, s14;
	v8 =	vld [tilespmem:s12+$0xFFFFFFF0];
	v11 =	vadd.s32 v12, v10;
	v12 =	vor.u32 s13, v1;
	[tilespmem:s11+$0x10] =	vst v13;
	v14 =	vnsel vm0, $0x0, v9  }
0x116: {  	s21 =	sadd.s32 $0x40, s21;
	v10 =	vor.u32 s8, v1;
	vm0 =	vlt.u32 v11, $0x199C00;
	v9 =	vld [tilespmem:s12+$0x0];
	v13 =	vshll.u32 v15, $0xC;
	[tilespmem:s14+$0x10] =	vst v14  }
0x117: {  	_ = 	snop  }
0x118: {  	v7 =	vshll.u32 v7, $0xC  }
0x119: {  	v11 =	vsel vm0, v11, v12;
	v3 =	vadd.s32 v7, v3  }
0x11a: {  	v6 =	vadd.s32 v2, v6;
	[tilespmem:s11+$0xFFFFFFF0] =	vst v11;
	vm1 =	vlt.u32 v3, $0x199C00;
	v7 =	vnsel vm0, $0x0, v8  }
0x11b: {  	v6 =	vadd.s32 v13, v6;
	v3 =	vsel vm1, v3, v5;
	[tilespmem:s14+$0xFFFFFFF0] =	vst v7  }
0x11c: {  	vm0 =	vlt.u32 v6, $0x199C00;
	v4 =	vnsel vm1, $0x0, v4;
	[tilespmem:s11+$0xFFFFFFE0] =	vst v3  }
0x11d: {  	v3 =	vsel vm0, v6, v10;
	[tilespmem:s14+$0xFFFFFFE0] =	vst v4  }
0x11e: {  	v4 =	vnsel vm0, $0x0, v9;
	[tilespmem:s11+$0x0] =	vst v3  }
0x11f: {  	s8 =	simm.s32 $0x2000;
	s12 =	simm.s32 $0x2400;
	s13 =	sadd.s32 $0xC00, s31;
	[tilespmem:s14+$0x0] =	vst v4  }
0x120: {  	[spmem:s2] =	stream.indirect.scatter.add.f32 [tilespmem:s12], [sflag:$0x4], $0x1, s8, s23, $0xb8;
	[tilespmem:$0x1FEC0] =	vst v63  }
0x121: {  	s8 =	sshrl.u32 s13, $0x3  }
0x122: {  	s14 =	sadd.s32 s1, s8  }
0x123: {  	[tilespmem:s18], [sflag:$0x2] =	stream.linear.gather [hbm4b:s14+s4], $0x400, $0x38;
	[tilespmem:$0x1FEC0] =	vst v63  }
0x124: {  	s15 =	sadd.s32 s5, s8  }
0x125: {  	[tilespmem:s10], [sflag:$0x2] =	stream.linear.gather [hbm4b:s15+s4], $0x400, $0x38;
	[tilespmem:$0x1FEC0] =	vst v63  }
0x126: {  	s8 =	sadd.s32 s7, s8  }
0x127: {  	[tilespmem:s26], [sflag:$0x2] =	stream.linear.gather [hbm4b:s8+s4], $0x400, $0x38;
	[tilespmem:$0x1FEC0] =	vst v63  }
0x128: {  	_ =	swait.ge [sflag:s28], $0x400  }
0x129: {  	[sflag:s28] =	ssyncset.done $0x0  }
0x12a: {  	[sflag:s28] =	ssyncadd.s32 $0xFFFFFC00  }
0x12b: {  	_ =	swait.ge [sflag:s28], $0x400  }
0x12c: {  	[sflag:s28] =	ssyncset.done $0x0  }
0x12d: {  	[sflag:s28] =	ssyncadd.s32 $0xFFFFFC00  }
0x12e: {  	_ =	swait.ge [sflag:s28], $0x400  }
0x12f: {  	[sflag:s28] =	ssyncset.done $0x0  }
0x130: {  	[sflag:s28] =	ssyncadd.s32 $0xFFFFFC00  }
0x131: {  	_ =	swait.ge [sflag:s25], $0x400  }
0x132: {  	[sflag:s25] =	ssyncset.done $0x0  }
0x133: {  	s16 =	simm.s32 $0x20;
	[sflag:s25] =	ssyncadd.s32 $0xFFFFFC00  }
0x134: {  	s24 =	simm.s32 $0x420;
	v3 =	vld [tilespmem:s16+$0x10]  }
0x135: {  	v4 =	vld [tilespmem:s24+$0x10]  }
0x136: {  	v5 =	vld [tilespmem:s24+$0xFFFFFFE0]  }
0x137: {  	v8 =	vld [tilespmem:s16+$0xFFFFFFF0]  }
0x138: {  	s12 =	simm.s32 $0x820;
	v9 =	vld [tilespmem:s24+$0xFFFFFFF0]  }
0x139: {  	v10 =	vld [tilespmem:s12+$0x10]  }
0x13a: {  	v13 =	vld [tilespmem:s16+$0x0]  }
0x13b: {  	s15 =	simm.s32 $0x300;
	v7 =	vshll.u32 v3, $0xC;
	v4 =	vadd.s32 v2, v4  }
0x13c: {  	v12 =	vor.u32 s15, v1;
	v6 =	vld [tilespmem:s24+$0x0];
	v11 =	vadd.s32 v7, v4  }
0x13d: {  	s21 =	simm.s32 $0x0;
	v3 =	vadd.s32 v2, v5;
	v8 =	vshll.u32 v8, $0xC;
	v7 =	vld [tilespmem:s16+$0xFFFFFFE0];
	vm0 =	vlt.u32 v11, $0x199C00  }
0x13e: {  	s11 =	simm.s32 $0x2820;
	v5 =	vor.u32 s21, v1;
	v14 =	vadd.s32 v2, v9;
	v9 =	vld [tilespmem:s12+$0xFFFFFFF0];
	v15 =	vsel vm0, v11, v12  }
0x13f: {  	s31 =	simm.s32 $0x200;
	s13 =	simm.s32 $0x100;
	s14 =	simm.s32 $0x2C20;
	v13 =	vshll.u32 v13, $0xC;
	v4 =	vld [tilespmem:s12+$0xFFFFFFE0];
	v11 =	vadd.s32 v8, v14;
	v14 =	vnsel vm0, $0x0, v10;
	[tilespmem:s11+$0x10] =	vst v15  }
0x140: {  	s21 =	simm.s32 $0x60;
	s16 =	simm.s32 $0x0;
	v12 =	vor.u32 s13, v1;
	v8 =	vld [tilespmem:s12+$0x0];
	v10 =	vor.u32 s31, v1;
	vm0 =	vlt.u32 v11, $0x199C00;
	[tilespmem:s14+$0x10] =	vst v14  }
.LBB2_16:
0x141: {  	v14 =	vld [tilespmem:s21+$0x10];
	v11 =	vsel vm0, v11, v12;
	v6 =	vadd.s32 v2, v6;
	s24 =	sadd.s32 $0x40, s24  }
0x142: {  	v12 =	vld [tilespmem:s24+$0x10];
	v7 =	vshll.u32 v7, $0xC;
	[tilespmem:s11+$0xFFFFFFF0] =	vst v11;
	v6 =	vadd.s32 v13, v6  }
0x143: {  	s16 =	sadd.s32 $0x40, s16;
	v11 =	vld [tilespmem:s24+$0xFFFFFFE0];
	v3 =	vadd.s32 v7, v3;
	vm1 =	vlt.u32 v6, $0x199C00  }
0x144: {  	p0 =	slt.u32 s16, $0x3C0;
	v13 =	vld [tilespmem:s21+$0xFFFFFFF0];
	vm2 =	vlt.u32 v3, $0x199C00;
	v7 =	vnsel vm0, $0x0, v9;
	v9 =	vsel vm1, v6, v10  }
0x145: {  	s12 =	sadd.s32 $0x40, s12;
	v10 =	vld [tilespmem:s24+$0xFFFFFFF0];
	v3 =	vsel vm2, v3, v5;
	v4 =	vnsel vm2, $0x0, v4;
	[tilespmem:s14+$0xFFFFFFF0] =	vst v7;
	v5 =	vnsel vm1, $0x0, v8  }
0x146: {  	v8 =	vld [tilespmem:s12+$0x10];
	[tilespmem:s11+$0xFFFFFFE0] =	vst v3  }
0x147: {  	v7 =	vshll.u32 v14, $0xC;
	v15 =	vld [tilespmem:s21+$0x0];
	v12 =	vadd.s32 v2, v12;
	[tilespmem:s14+$0xFFFFFFE0] =	vst v4  }
.Ltmp6:
0x148: {  	s15 =	sadd.s32 $0x400, s15;
	v3 =	vadd.s32 v2, v11;
	v6 =	vld [tilespmem:s24+$0x0];
	v11 =	vadd.s32 v7, v12;
	[tilespmem:s11+$0x0] =	vst v9;
	(pc) =	sbr.rel @p0 .LBB2_16-.Ltmp6, $4  }
0x149: {  	s8 =	sadd.s32 $0xFFFFFD00, s15;
	s13 =	sadd.s32 $0xFFFFFE00, s15;
	v9 =	vor.u32 s15, v1;
	v7 =	vld [tilespmem:s21+$0xFFFFFFE0];
	v12 =	vshll.u32 v13, $0xC;
	vm0 =	vlt.u32 v11, $0x199C00;
	[tilespmem:s14+$0x0] =	vst v5  }
0x14a: {  	s11 =	sadd.s32 $0x40, s11;
	v5 =	vor.u32 s8, v1;
	s8 =	sadd.s32 $0xFFFFFF00, s15;
	v4 =	vld [tilespmem:s12+$0xFFFFFFE0];
	v10 =	vadd.s32 v2, v10;
	v13 =	vsel vm0, v11, v9  }
0x14b: {  	s14 =	sadd.s32 $0x40, s14;
	v9 =	vld [tilespmem:s12+$0xFFFFFFF0];
	v11 =	vadd.s32 v12, v10;
	v12 =	vor.u32 s13, v1;
	[tilespmem:s11+$0x10] =	vst v13;
	v14 =	vnsel vm0, $0x0, v8  }
0x14c: {  	s21 =	sadd.s32 $0x40, s21;
	v10 =	vor.u32 s8, v1;
	vm0 =	vlt.u32 v11, $0x199C00;
	v8 =	vld [tilespmem:s12+$0x0];
	v13 =	vshll.u32 v15, $0xC;
	[tilespmem:s14+$0x10] =	vst v14  }
0x14d: {  	_ = 	snop  }
0x14e: {  	v7 =	vshll.u32 v7, $0xC  }
0x14f: {  	v11 =	vsel vm0, v11, v12;
	v3 =	vadd.s32 v7, v3  }
0x150: {  	v6 =	vadd.s32 v2, v6;
	[tilespmem:s11+$0xFFFFFFF0] =	vst v11;
	vm1 =	vlt.u32 v3, $0x199C00;
	v7 =	vnsel vm0, $0x0, v9  }
0x151: {  	v6 =	vadd.s32 v13, v6;
	v3 =	vsel vm1, v3, v5;
	[tilespmem:s14+$0xFFFFFFF0] =	vst v7  }
0x152: {  	vm0 =	vlt.u32 v6, $0x199C00;
	v4 =	vnsel vm1, $0x0, v4;
	[tilespmem:s11+$0xFFFFFFE0] =	vst v3  }
0x153: {  	v3 =	vsel vm0, v6, v10;
	[tilespmem:s14+$0xFFFFFFE0] =	vst v4  }
0x154: {  	v4 =	vnsel vm0, $0x0, v8;
	[tilespmem:s11+$0x0] =	vst v3  }
0x155: {  	s8 =	simm.s32 $0x2800;
	[tilespmem:s14+$0x0] =	vst v4  }
0x156: {  	s31 =	simm.s32 $0x2C00;
	s12 =	smin.u32 s30, $0x63;
	s13 =	sld [smem:$0x7FD]  }
0x157: {  	[spmem:s2] =	stream.indirect.scatter.add.f32 [tilespmem:s31], [sflag:$0x5], $0x1, s8, s23, $0xb8;
	[tilespmem:$0x1FEC0] =	vst v63  }
0x158: {  	s8 =	sshll.u32 s12, $0xA  }
0x159: {  	s8 =	sadd.s32 s8, s13  }
0x15a: {  	s8 =	sshrl.u32 s8, $0x3  }
0x15b: {  	s14 =	sadd.s32 s1, s8  }
0x15c: {  	[tilespmem:s4], [sflag:$0x1] =	stream.linear.gather [hbm4b:s14+s4], $0x400, $0x38;
	[tilespmem:$0x1FEC0] =	vst v63  }
0x15d: {  	s15 =	sadd.s32 s5, s8  }
0x15e: {  	[tilespmem:s23], [sflag:$0x1] =	stream.linear.gather [hbm4b:s15+s4], $0x400, $0x38;
	[tilespmem:$0x1FEC0] =	vst v63  }
0x15f: {  	s8 =	sadd.s32 s7, s8  }
0x160: {  	[tilespmem:s17], [sflag:$0x1] =	stream.linear.gather [hbm4b:s8+s4], $0x400, $0x38;
	[tilespmem:$0x1FEC0] =	vst v63  }
0x161: {  	_ =	swait.ge [sflag:s0], $0x400  }
0x162: {  	[sflag:s0] =	ssyncset.done $0x0  }
0x163: {  	[sflag:s0] =	ssyncadd.s32 $0xFFFFFC00  }
0x164: {  	_ =	swait.ge [sflag:s0], $0x400  }
0x165: {  	[sflag:s0] =	ssyncset.done $0x0  }
0x166: {  	[sflag:s0] =	ssyncadd.s32 $0xFFFFFC00  }
0x167: {  	_ =	swait.ge [sflag:s0], $0x400  }
0x168: {  	[sflag:s0] =	ssyncset.done $0x0  }
0x169: {  	[sflag:s0] =	ssyncadd.s32 $0xFFFFFC00  }
0x16a: {  	_ =	swait.ge [sflag:s6], $0x400  }
0x16b: {  	[sflag:s6] =	ssyncset.done $0x0  }
0x16c: {  	s16 =	simm.s32 $0xC20;
	[sflag:s6] =	ssyncadd.s32 $0xFFFFFC00  }
0x16d: {  	s24 =	simm.s32 $0x1020;
	v3 =	vld [tilespmem:s16+$0x10]  }
0x16e: {  	v4 =	vld [tilespmem:s24+$0x10]  }
0x16f: {  	v5 =	vld [tilespmem:s24+$0xFFFFFFE0]  }
0x170: {  	v8 =	vld [tilespmem:s16+$0xFFFFFFF0]  }
0x171: {  	s12 =	simm.s32 $0x1420;
	v9 =	vld [tilespmem:s24+$0xFFFFFFF0]  }
0x172: {  	v10 =	vld [tilespmem:s12+$0x10]  }
0x173: {  	v13 =	vld [tilespmem:s16+$0x0]  }
0x174: {  	s15 =	simm.s32 $0x300;
	v7 =	vshll.u32 v3, $0xC;
	v4 =	vadd.s32 v2, v4  }
0x175: {  	v12 =	vor.u32 s15, v1;
	v6 =	vld [tilespmem:s24+$0x0];
	v11 =	vadd.s32 v7, v4  }
0x176: {  	s21 =	simm.s32 $0x0;
	v3 =	vadd.s32 v2, v5;
	v8 =	vshll.u32 v8, $0xC;
	v7 =	vld [tilespmem:s16+$0xFFFFFFE0];
	vm0 =	vlt.u32 v11, $0x199C00  }
0x177: {  	s11 =	simm.s32 $0x3020;
	v5 =	vor.u32 s21, v1;
	v14 =	vadd.s32 v2, v9;
	v9 =	vld [tilespmem:s12+$0xFFFFFFF0];
	v15 =	vsel vm0, v11, v12  }
0x178: {  	s31 =	simm.s32 $0x200;
	s13 =	simm.s32 $0x100;
	s14 =	simm.s32 $0x3420;
	v13 =	vshll.u32 v13, $0xC;
	v4 =	vld [tilespmem:s12+$0xFFFFFFE0];
	v11 =	vadd.s32 v8, v14;
	v14 =	vnsel vm0, $0x0, v10;
	[tilespmem:s11+$0x10] =	vst v15  }
0x179: {  	s21 =	simm.s32 $0xC60;
	s16 =	simm.s32 $0x0;
	v12 =	vor.u32 s13, v1;
	v8 =	vld [tilespmem:s12+$0x0];
	v10 =	vor.u32 s31, v1;
	vm0 =	vlt.u32 v11, $0x199C00;
	[tilespmem:s14+$0x10] =	vst v14  }
.LBB2_18:
0x17a: {  	v14 =	vld [tilespmem:s21+$0x10];
	v11 =	vsel vm0, v11, v12;
	v6 =	vadd.s32 v2, v6;
	s24 =	sadd.s32 $0x40, s24  }
0x17b: {  	v12 =	vld [tilespmem:s24+$0x10];
	v7 =	vshll.u32 v7, $0xC;
	[tilespmem:s11+$0xFFFFFFF0] =	vst v11;
	v6 =	vadd.s32 v13, v6  }
0x17c: {  	s16 =	sadd.s32 $0x40, s16;
	v11 =	vld [tilespmem:s24+$0xFFFFFFE0];
	v3 =	vadd.s32 v7, v3;
	vm1 =	vlt.u32 v6, $0x199C00  }
0x17d: {  	p0 =	slt.u32 s16, $0x3C0;
	v13 =	vld [tilespmem:s21+$0xFFFFFFF0];
	vm2 =	vlt.u32 v3, $0x199C00;
	v7 =	vnsel vm0, $0x0, v9;
	v9 =	vsel vm1, v6, v10  }
0x17e: {  	s12 =	sadd.s32 $0x40, s12;
	v10 =	vld [tilespmem:s24+$0xFFFFFFF0];
	v3 =	vsel vm2, v3, v5;
	v4 =	vnsel vm2, $0x0, v4;
	[tilespmem:s14+$0xFFFFFFF0] =	vst v7;
	v5 =	vnsel vm1, $0x0, v8  }
0x17f: {  	v8 =	vld [tilespmem:s12+$0x10];
	[tilespmem:s11+$0xFFFFFFE0] =	vst v3  }
0x180: {  	v7 =	vshll.u32 v14, $0xC;
	v15 =	vld [tilespmem:s21+$0x0];
	v12 =	vadd.s32 v2, v12;
	[tilespmem:s14+$0xFFFFFFE0] =	vst v4  }
.Ltmp7:
0x181: {  	s15 =	sadd.s32 $0x400, s15;
	v3 =	vadd.s32 v2, v11;
	v6 =	vld [tilespmem:s24+$0x0];
	v11 =	vadd.s32 v7, v12;
	[tilespmem:s11+$0x0] =	vst v9;
	(pc) =	sbr.rel @p0 .LBB2_18-.Ltmp7, $4  }
0x182: {  	s8 =	sadd.s32 $0xFFFFFD00, s15;
	s13 =	sadd.s32 $0xFFFFFE00, s15;
	v9 =	vor.u32 s15, v1;
	v7 =	vld [tilespmem:s21+$0xFFFFFFE0];
	v12 =	vshll.u32 v13, $0xC;
	vm0 =	vlt.u32 v11, $0x199C00;
	[tilespmem:s14+$0x0] =	vst v5  }
0x183: {  	s11 =	sadd.s32 $0x40, s11;
	v5 =	vor.u32 s8, v1;
	s8 =	sadd.s32 $0xFFFFFF00, s15;
	v4 =	vld [tilespmem:s12+$0xFFFFFFE0];
	v10 =	vadd.s32 v2, v10;
	v13 =	vsel vm0, v11, v9  }
0x184: {  	s14 =	sadd.s32 $0x40, s14;
	v9 =	vld [tilespmem:s12+$0xFFFFFFF0];
	v11 =	vadd.s32 v12, v10;
	v12 =	vor.u32 s13, v1;
	[tilespmem:s11+$0x10] =	vst v13;
	v14 =	vnsel vm0, $0x0, v8  }
0x185: {  	s21 =	sadd.s32 $0x40, s21;
	v10 =	vor.u32 s8, v1;
	vm0 =	vlt.u32 v11, $0x199C00;
	v8 =	vld [tilespmem:s12+$0x0];
	v13 =	vshll.u32 v15, $0xC;
	[tilespmem:s14+$0x10] =	vst v14  }
0x186: {  	_ = 	snop  }
0x187: {  	v7 =	vshll.u32 v7, $0xC  }
0x188: {  	v11 =	vsel vm0, v11, v12;
	v3 =	vadd.s32 v7, v3  }
0x189: {  	v6 =	vadd.s32 v2, v6;
	[tilespmem:s11+$0xFFFFFFF0] =	vst v11;
	vm1 =	vlt.u32 v3, $0x199C00;
	v62 =	vnsel vm0, $0x0, v9  }
0x18a: {  	v6 =	vadd.s32 v13, v6;
	v3 =	vsel vm1, v3, v5;
	[tilespmem:s14+$0xFFFFFFF0] =	vst v62  }
0x18b: {  	vm15 =	vlt.u32 v6, $0x199C00;
	v4 =	vnsel vm1, $0x0, v4;
	[tilespmem:s11+$0xFFFFFFE0] =	vst v3  }
0x18c: {  	v3 =	vsel vm15, v6, v10;
	[tilespmem:s14+$0xFFFFFFE0] =	vst v4  }
0x18d: {  	v63 =	vnsel vm15, $0x0, v8;
	[tilespmem:s11+$0x0] =	vst v3  }
0x18e: {  	s8 =	simm.s32 $0x3000;
	s21 =	simm.s32 $0x3400;
	s24 =	smin.u32 s30, $0x62;
	[tilespmem:s14+$0x0] =	vst v63  }
0x18f: {  	[spmem:s2] =	stream.indirect.scatter.add.f32 [tilespmem:s21], [sflag:$0x6], $0x1, s8, s23, $0xb8;
	[tilespmem:$0x1FEC0] =	vst v63  }
0x190: {  	s8 =	sshll.u32 s24, $0xA  }
0x191: {  	s8 =	sadd.s32 s8, s20  }
0x192: {  	s9 =	sadd.s32 $0x1, s9;
	s8 =	sshrl.u32 s8, $0x3  }
0x193: {  	p0 =	sne.s32 s9, $0x1A;
	s30 =	sadd.s32 s1, s8  }
0x194: {  	[tilespmem:s18], [sflag:$0x2] =	stream.linear.gather [hbm4b:s30+s4], $0x400, $0x38;
	[tilespmem:$0x1FEC0] =	vst v63  }
.Ltmp8:
0x195: {  	_ = 	snop;
	(pc) =	sbr.rel @p0 .LBB2_11-.Ltmp8, $4  }
0x196: {  	s31 =	sadd.s32 s5, s8  }
0x197: {  	[tilespmem:s10], [sflag:$0x2] =	stream.linear.gather [hbm4b:s31+s4], $0x400, $0x38;
	[tilespmem:$0x1FEC0] =	vst v63  }
0x198: {  	s8 =	sadd.s32 s7, s8  }
0x199: {  	[tilespmem:s26], [sflag:$0x2] =	stream.linear.gather [hbm4b:s8+s4], $0x400, $0x38;
	[tilespmem:$0x1FEC0] =	vst v63  }
0x19a: {  	_ =	swait.ge [sflag:s29], $0x400  }
0x19b: {  	[sflag:s29] =	ssyncset.done $0x0  }
0x19c: {  	[sflag:s29] =	ssyncadd.s32 $0xFFFFFC00  }
0x19d: {  	_ =	swait.ge [sflag:s3], $0x400  }
0x19e: {  	[sflag:s3] =	ssyncset.done $0x0  }
0x19f: {  	[sflag:s3] =	ssyncadd.s32 $0xFFFFFC00  }
0x1a0: {  	_ =	swait.ge [sflag:s25], $0x400  }
0x1a1: {  	[sflag:s25] =	ssyncset.done $0x0  }
0x1a2: {  	[sflag:s25] =	ssyncadd.s32 $0xFFFFFC00  }
0x1a3: {  	_ =	swait.ge [sflag:s28], $0x400  }
0x1a4: {  	[sflag:s28] =	ssyncset.done $0x0  }
0x1a5: {  	[sflag:s28] =	ssyncadd.s32 $0xFFFFFC00  }
0x1a6: {  	_ =	swait.ge [sflag:s28], $0x400  }
0x1a7: {  	[sflag:s28] =	ssyncset.done $0x0  }
0x1a8: {  	[sflag:s28] =	ssyncadd.s32 $0xFFFFFC00  }
0x1a9: {  	_ =	swait.ge [sflag:s28], $0x400  }
0x1aa: {  	[sflag:s28] =	ssyncset.done $0x0  }
0x1ab: {  	[sflag:s28] =	ssyncadd.s32 $0xFFFFFC00  }
0x1ac: {  	_ =	swait.ge [sflag:s0], $0x400  }
0x1ad: {  	[sflag:s0] =	ssyncset.done $0x0  }
0x1ae: {  	[sflag:s0] =	ssyncadd.s32 $0xFFFFFC00  }
0x1af: {  	_ =	swait.ge [sflag:s0], $0x400  }
0x1b0: {  	[sflag:s0] =	ssyncset.done $0x0  }
0x1b1: {  	[sflag:s0] =	ssyncadd.s32 $0xFFFFFC00  }
0x1b2: {  	_ =	swait.ge [sflag:s0], $0x400  }
0x1b3: {  	[sflag:s0] =	ssyncset.done $0x0  }
0x1b4: {  	[sflag:s0] =	ssyncadd.s32 $0xFFFFFC00  }
0x1b5: {  	[bflag:$0x0] =	sbarrier.arrive $0xFFFF  }
0x1b6: {  	s11 =	simm.s32 $0x3800;
	s31 =	simm.s32 $0x8;
	s12 =	rddreg [dreg:$0x7]  }
0x1b7: {  	[tilespmem:s11], [sflag:$0x8] =	stream.linear.gather [spmem:s12], $0x1650, $0x38;
	[tilespmem:$0x1FEC0] =	vst v63  }
0x1b8: {  	_ =	swait.ge [sflag:s31], $0x1650  }
0x1b9: {  	s9 =	sld [smem:$0x7FA];
	_ =	sdelay $0x1  }
0x1ba: {  	s8 =	rddreg [dreg:$0x4]  }
0x1bb: {  	s8 =	sadd.s32 s8, s9  }
0x1bc: {  	[sflag:s31] =	ssyncset.done $0x0;
	s21 =	rddreg [dreg:$0x5];
	s8 =	sshrl.u32 s8, $0x3  }
0x1bd: {  	[sflag:s31] =	ssyncadd.s32 $0xFFFFE9B0;
	s9 =	sadd.s32 s21, s8  }
0x1be: {  	[hbm4b:s9+s4] =	stream.linear.scatter [tilespmem:s11], [sflag:$0x7], $0x1650, $0x38;
	[tilespmem:$0x1FEC0] =	vst v63  }
0x1bf: {  	s13 =	simm.s32 $0x4E80;
	s24 =	rddreg [dreg:$0x8]  }
0x1c0: {  	[tilespmem:s13], [sflag:$0x8] =	stream.linear.gather [spmem:s24], $0x1650, $0x38;
	[tilespmem:$0x1FEC0] =	vst v63  }
0x1c1: {  	_ =	swait.ge [sflag:s31], $0x1650  }
0x1c2: {  	[sflag:s31] =	ssyncset.done $0x0  }
0x1c3: {  	s14 =	sadd.s32 $0x2CA, s9;
	[sflag:s31] =	ssyncadd.s32 $0xFFFFE9B0  }
0x1c4: {  	[hbm4b:s14+s4] =	stream.linear.scatter [tilespmem:s13], [sflag:$0x7], $0x1650, $0x38;
	[tilespmem:$0x1FEC0] =	vst v63  }
0x1c5: {  	_ =	swait.ge [sflag:s22], $0x1650  }
0x1c6: {  	[sflag:s22] =	ssyncset.done $0x0  }
0x1c7: {  	s14 =	rddreg [dreg:$0x9];
	[sflag:s22] =	ssyncadd.s32 $0xFFFFE9B0  }
0x1c8: {  	[tilespmem:s11], [sflag:$0x8] =	stream.linear.gather [spmem:s14], $0x1650, $0x38;
	[tilespmem:$0x1FEC0] =	vst v63  }
0x1c9: {  	_ =	swait.ge [sflag:s31], $0x1650  }
0x1ca: {  	[sflag:s31] =	ssyncset.done $0x0  }
0x1cb: {  	s15 =	sadd.s32 $0x594, s9;
	[sflag:s31] =	ssyncadd.s32 $0xFFFFE9B0  }
0x1cc: {  	[hbm4b:s15+s4] =	stream.linear.scatter [tilespmem:s11], [sflag:$0x7], $0x1650, $0x38;
	[tilespmem:$0x1FEC0] =	vst v63  }
0x1cd: {  	_ =	swait.ge [sflag:s22], $0x1650  }
0x1ce: {  	[sflag:s22] =	ssyncset.done $0x0  }
0x1cf: {  	s15 =	rddreg [dreg:$0xa];
	[sflag:s22] =	ssyncadd.s32 $0xFFFFE9B0  }
0x1d0: {  	[tilespmem:s13], [sflag:$0x8] =	stream.linear.gather [spmem:s15], $0x1650, $0x38;
	[tilespmem:$0x1FEC0] =	vst v63  }
0x1d1: {  	_ =	swait.ge [sflag:s31], $0x1650  }
0x1d2: {  	[sflag:s31] =	ssyncset.done $0x0  }
0x1d3: {  	s16 =	sadd.s32 $0x85E, s9;
	[sflag:s31] =	ssyncadd.s32 $0xFFFFE9B0  }
0x1d4: {  	[hbm4b:s16+s4] =	stream.linear.scatter [tilespmem:s13], [sflag:$0x7], $0x1650, $0x38;
	[tilespmem:$0x1FEC0] =	vst v63  }
0x1d5: {  	_ =	swait.ge [sflag:s22], $0x1650  }
0x1d6: {  	[sflag:s22] =	ssyncset.done $0x0  }
0x1d7: {  	s16 =	rddreg [dreg:$0xb];
	[sflag:s22] =	ssyncadd.s32 $0xFFFFE9B0  }
0x1d8: {  	[tilespmem:s11], [sflag:$0x8] =	stream.linear.gather [spmem:s16], $0x1650, $0x38;
	[tilespmem:$0x1FEC0] =	vst v63  }
0x1d9: {  	_ =	swait.ge [sflag:s31], $0x1650  }
0x1da: {  	[sflag:s31] =	ssyncset.done $0x0  }
0x1db: {  	s21 =	sadd.s32 $0xB28, s9;
	[sflag:s31] =	ssyncadd.s32 $0xFFFFE9B0  }
0x1dc: {  	[hbm4b:s21+s4] =	stream.linear.scatter [tilespmem:s11], [sflag:$0x7], $0x1650, $0x38;
	[tilespmem:$0x1FEC0] =	vst v63  }
0x1dd: {  	_ =	swait.ge [sflag:s22], $0x1650  }
0x1de: {  	[sflag:s22] =	ssyncset.done $0x0  }
0x1df: {  	s21 =	rddreg [dreg:$0xc];
	[sflag:s22] =	ssyncadd.s32 $0xFFFFE9B0  }
0x1e0: {  	[tilespmem:s13], [sflag:$0x8] =	stream.linear.gather [spmem:s21], $0x1650, $0x38;
	[tilespmem:$0x1FEC0] =	vst v63  }
0x1e1: {  	_ =	swait.ge [sflag:s31], $0x1650  }
0x1e2: {  	[sflag:s31] =	ssyncset.done $0x0  }
0x1e3: {  	s24 =	sadd.s32 $0xDF2, s9;
	[sflag:s31] =	ssyncadd.s32 $0xFFFFE9B0  }
0x1e4: {  	[hbm4b:s24+s4] =	stream.linear.scatter [tilespmem:s13], [sflag:$0x7], $0x1650, $0x38;
	[tilespmem:$0x1FEC0] =	vst v63  }
0x1e5: {  	_ =	swait.ge [sflag:s22], $0x1650  }
0x1e6: {  	[sflag:s22] =	ssyncset.done $0x0  }
0x1e7: {  	s24 =	rddreg [dreg:$0xd];
	[sflag:s22] =	ssyncadd.s32 $0xFFFFE9B0  }
0x1e8: {  	[tilespmem:s11], [sflag:$0x8] =	stream.linear.gather [spmem:s24], $0x1650, $0x38;
	[tilespmem:$0x1FEC0] =	vst v63  }
0x1e9: {  	_ =	swait.ge [sflag:s31], $0x1650  }
0x1ea: {  	[sflag:s31] =	ssyncset.done $0x0  }
0x1eb: {  	s8 =	sadd.s32 $0x10BC, s9;
	[sflag:s31] =	ssyncadd.s32 $0xFFFFE9B0  }
0x1ec: {  	[hbm4b:s8+s4] =	stream.linear.scatter [tilespmem:s11], [sflag:$0x7], $0x1650, $0x38;
	[tilespmem:$0x1FEC0] =	vst v63  }
0x1ed: {  	_ =	swait.ge [sflag:s22], $0x1650  }
0x1ee: {  	[sflag:s22] =	ssyncset.done $0x0  }
0x1ef: {  	s30 =	rddreg [dreg:$0xe];
	[sflag:s22] =	ssyncadd.s32 $0xFFFFE9B0  }
0x1f0: {  	[tilespmem:s13], [sflag:$0x8] =	stream.linear.gather [spmem:s30], $0x1650, $0x38;
	[tilespmem:$0x1FEC0] =	vst v63  }
0x1f1: {  	_ =	swait.ge [sflag:s31], $0x1650  }
0x1f2: {  	[sflag:s31] =	ssyncset.done $0x0  }
0x1f3: {  	s8 =	sadd.s32 $0x1386, s9;
	[sflag:s31] =	ssyncadd.s32 $0xFFFFE9B0  }
0x1f4: {  	[hbm4b:s8+s4] =	stream.linear.scatter [tilespmem:s13], [sflag:$0x7], $0x1650, $0x38;
	[tilespmem:$0x1FEC0] =	vst v63  }
0x1f5: {  	_ =	swait.ge [sflag:s22], $0x1650  }
0x1f6: {  	[sflag:s22] =	ssyncset.done $0x0  }
0x1f7: {  	s8 =	rddreg [dreg:$0x16];
	[sflag:s22] =	ssyncadd.s32 $0xFFFFE9B0  }
0x1f8: {  	[tilespmem:s11], [sflag:$0x8] =	stream.linear.gather [spmem:s8], $0x1650, $0x38;
	[tilespmem:$0x1FEC0] =	vst v63  }
0x1f9: {  	_ =	swait.ge [sflag:s31], $0x1650  }
0x1fa: {  	[sflag:s31] =	ssyncset.done $0x0  }
0x1fb: {  	s8 =	sadd.s32 $0x1650, s9;
	[sflag:s31] =	ssyncadd.s32 $0xFFFFE9B0  }
0x1fc: {  	[hbm4b:s8+s4] =	stream.linear.scatter [tilespmem:s11], [sflag:$0x7], $0x1650, $0x38;
	[tilespmem:$0x1FEC0] =	vst v63  }
0x1fd: {  	_ =	swait.ge [sflag:s22], $0x1650  }
0x1fe: {  	[sflag:s22] =	ssyncset.done $0x0  }
0x1ff: {  	s8 =	rddreg [dreg:$0x17];
	[sflag:s22] =	ssyncadd.s32 $0xFFFFE9B0  }
0x200: {  	[tilespmem:s13], [sflag:$0x8] =	stream.linear.gather [spmem:s8], $0x1650, $0x38;
	[tilespmem:$0x1FEC0] =	vst v63  }
0x201: {  	_ =	swait.ge [sflag:s31], $0x1650  }
0x202: {  	[sflag:s31] =	ssyncset.done $0x0  }
0x203: {  	s8 =	sadd.s32 $0x191A, s9;
	[sflag:s31] =	ssyncadd.s32 $0xFFFFE9B0  }
0x204: {  	[hbm4b:s8+s4] =	stream.linear.scatter [tilespmem:s13], [sflag:$0x7], $0x1650, $0x38;
	[tilespmem:$0x1FEC0] =	vst v63  }
0x205: {  	_ =	swait.ge [sflag:s22], $0x1650  }
0x206: {  	[sflag:s22] =	ssyncset.done $0x0  }
0x207: {  	s8 =	rddreg [dreg:$0x18];
	[sflag:s22] =	ssyncadd.s32 $0xFFFFE9B0  }
0x208: {  	[tilespmem:s11], [sflag:$0x8] =	stream.linear.gather [spmem:s8], $0x1650, $0x38;
	[tilespmem:$0x1FEC0] =	vst v63  }
0x209: {  	_ =	swait.ge [sflag:s31], $0x1650  }
0x20a: {  	[sflag:s31] =	ssyncset.done $0x0  }
0x20b: {  	s8 =	sadd.s32 $0x1BE4, s9;
	[sflag:s31] =	ssyncadd.s32 $0xFFFFE9B0  }
0x20c: {  	[hbm4b:s8+s4] =	stream.linear.scatter [tilespmem:s11], [sflag:$0x7], $0x1650, $0x38;
	[tilespmem:$0x1FEC0] =	vst v63  }
0x20d: {  	_ =	swait.ge [sflag:s22], $0x1650  }
0x20e: {  	[sflag:s22] =	ssyncset.done $0x0  }
0x20f: {  	s8 =	rddreg [dreg:$0x19];
	[sflag:s22] =	ssyncadd.s32 $0xFFFFE9B0  }
0x210: {  	[tilespmem:s13], [sflag:$0x8] =	stream.linear.gather [spmem:s8], $0x1650, $0x38;
	[tilespmem:$0x1FEC0] =	vst v63  }
0x211: {  	_ =	swait.ge [sflag:s31], $0x1650  }
0x212: {  	[sflag:s31] =	ssyncset.done $0x0  }
0x213: {  	s8 =	sadd.s32 $0x1EAE, s9;
	[sflag:s31] =	ssyncadd.s32 $0xFFFFE9B0  }
0x214: {  	[hbm4b:s8+s4] =	stream.linear.scatter [tilespmem:s13], [sflag:$0x7], $0x1650, $0x38;
	[tilespmem:$0x1FEC0] =	vst v63  }
0x215: {  	_ =	swait.ge [sflag:s22], $0x1650  }
0x216: {  	[sflag:s22] =	ssyncset.done $0x0  }
0x217: {  	s8 =	rddreg [dreg:$0x1a];
	[sflag:s22] =	ssyncadd.s32 $0xFFFFE9B0  }
0x218: {  	[tilespmem:s11], [sflag:$0x8] =	stream.linear.gather [spmem:s8], $0x1650, $0x38;
	[tilespmem:$0x1FEC0] =	vst v63  }
0x219: {  	_ =	swait.ge [sflag:s31], $0x1650  }
0x21a: {  	[sflag:s31] =	ssyncset.done $0x0  }
0x21b: {  	s8 =	sadd.s32 $0x2178, s9;
	[sflag:s31] =	ssyncadd.s32 $0xFFFFE9B0  }
0x21c: {  	[hbm4b:s8+s4] =	stream.linear.scatter [tilespmem:s11], [sflag:$0x7], $0x1650, $0x38;
	[tilespmem:$0x1FEC0] =	vst v63  }
0x21d: {  	_ =	swait.ge [sflag:s22], $0x1650  }
0x21e: {  	[sflag:s22] =	ssyncset.done $0x0  }
0x21f: {  	s8 =	rddreg [dreg:$0x1b];
	[sflag:s22] =	ssyncadd.s32 $0xFFFFE9B0  }
0x220: {  	[tilespmem:s13], [sflag:$0x8] =	stream.linear.gather [spmem:s8], $0x1650, $0x38;
	[tilespmem:$0x1FEC0] =	vst v63  }
0x221: {  	_ =	swait.ge [sflag:s31], $0x1650  }
0x222: {  	[sflag:s31] =	ssyncset.done $0x0  }
0x223: {  	s8 =	sadd.s32 $0x2442, s9;
	[sflag:s31] =	ssyncadd.s32 $0xFFFFE9B0  }
0x224: {  	[hbm4b:s8+s4] =	stream.linear.scatter [tilespmem:s13], [sflag:$0x7], $0x1650, $0x38;
	[tilespmem:$0x1FEC0] =	vst v63  }
0x225: {  	_ =	swait.ge [sflag:s22], $0x1650  }
0x226: {  	[sflag:s22] =	ssyncset.done $0x0  }
0x227: {  	s8 =	rddreg [dreg:$0x1c];
	[sflag:s22] =	ssyncadd.s32 $0xFFFFE9B0  }
0x228: {  	[tilespmem:s11], [sflag:$0x8] =	stream.linear.gather [spmem:s8], $0x1650, $0x38;
	[tilespmem:$0x1FEC0] =	vst v63  }
0x229: {  	_ =	swait.ge [sflag:s31], $0x1650  }
0x22a: {  	[sflag:s31] =	ssyncset.done $0x0  }
0x22b: {  	s8 =	sadd.s32 $0x270C, s9;
	[sflag:s31] =	ssyncadd.s32 $0xFFFFE9B0  }
0x22c: {  	[hbm4b:s8+s4] =	stream.linear.scatter [tilespmem:s11], [sflag:$0x7], $0x1650, $0x38;
	[tilespmem:$0x1FEC0] =	vst v63  }
0x22d: {  	_ =	swait.ge [sflag:s22], $0x1650  }
0x22e: {  	[sflag:s22] =	ssyncset.done $0x0  }
0x22f: {  	s8 =	rddreg [dreg:$0x1d];
	[sflag:s22] =	ssyncadd.s32 $0xFFFFE9B0  }
0x230: {  	[tilespmem:s13], [sflag:$0x8] =	stream.linear.gather [spmem:s8], $0x1650, $0x38;
	[tilespmem:$0x1FEC0] =	vst v63  }
0x231: {  	_ =	swait.ge [sflag:s31], $0x1650  }
0x232: {  	[sflag:s31] =	ssyncset.done $0x0  }
0x233: {  	s8 =	sadd.s32 $0x29D6, s9;
	[sflag:s31] =	ssyncadd.s32 $0xFFFFE9B0  }
0x234: {  	[hbm4b:s8+s4] =	stream.linear.scatter [tilespmem:s13], [sflag:$0x7], $0x1650, $0x38;
	[tilespmem:$0x1FEC0] =	vst v63  }
0x235: {  	_ =	swait.ge [sflag:s22], $0x1650  }
0x236: {  	[sflag:s22] =	ssyncset.done $0x0  }
0x237: {  	s8 =	rddreg [dreg:$0x1e];
	[sflag:s22] =	ssyncadd.s32 $0xFFFFE9B0  }
0x238: {  	[tilespmem:s11], [sflag:$0x8] =	stream.linear.gather [spmem:s8], $0x1650, $0x38;
	[tilespmem:$0x1FEC0] =	vst v63  }
0x239: {  	_ =	swait.ge [sflag:s31], $0x1650  }
0x23a: {  	[sflag:s31] =	ssyncset.done $0x0  }
0x23b: {  	s8 =	sadd.s32 $0x2CA0, s9;
	[sflag:s31] =	ssyncadd.s32 $0xFFFFE9B0  }
0x23c: {  	[hbm4b:s8+s4] =	stream.linear.scatter [tilespmem:s11], [sflag:$0x7], $0x1650, $0x38;
	[tilespmem:$0x1FEC0] =	vst v63  }
0x23d: {  	_ =	swait.ge [sflag:s22], $0x1650  }
0x23e: {  	[sflag:s22] =	ssyncset.done $0x0  }
0x23f: {  	s8 =	rddreg [dreg:$0x1f];
	[sflag:s22] =	ssyncadd.s32 $0xFFFFE9B0  }
0x240: {  	[tilespmem:s13], [sflag:$0x8] =	stream.linear.gather [spmem:s8], $0x1650, $0x38;
	[tilespmem:$0x1FEC0] =	vst v63  }
0x241: {  	_ =	swait.ge [sflag:s31], $0x1650  }
0x242: {  	[sflag:s31] =	ssyncset.done $0x0  }
0x243: {  	s8 =	sadd.s32 $0x2F6A, s9;
	[sflag:s31] =	ssyncadd.s32 $0xFFFFE9B0  }
0x244: {  	[hbm4b:s8+s4] =	stream.linear.scatter [tilespmem:s13], [sflag:$0x7], $0x1650, $0x38;
	[tilespmem:$0x1FEC0] =	vst v63  }
0x245: {  	_ =	swait.ge [sflag:s22], $0x1650  }
0x246: {  	s13 =	sld [smem:$0x7FC]  }
0x247: {  	[sflag:s22] =	ssyncset.done $0x0  }
0x248: {  	[sflag:s22] =	ssyncadd.s32 $0xFFFFE9B0  }
0x249: {  	[tilespmem:s11], [sflag:$0x8] =	stream.linear.gather [spmem:s13], $0x820, $0x38;
	[tilespmem:$0x1FEC0] =	vst v63  }
0x24a: {  	_ =	swait.ge [sflag:s31], $0x820  }
0x24b: {  	[sflag:s31] =	ssyncset.done $0x0  }
0x24c: {  	s9 =	sadd.s32 $0x3234, s9;
	[sflag:s31] =	ssyncadd.s32 $0xFFFFF7E0  }
0x24d: {  	[hbm4b:s9+s4] =	stream.linear.scatter [tilespmem:s11], [sflag:$0x7], $0x820, $0x38;
	[tilespmem:$0x1FEC0] =	vst v63  }
0x24e: {  	s31 =	rddreg [dreg:$0x8];
	_ =	swait.ge [sflag:s22], $0x820  }
0x24f: {  	[sflag:s22] =	ssyncset.done $0x0  }
0x250: {  	[sflag:s22] =	ssyncadd.s32 $0xFFFFF7E0  }
0x251: {  	_ =	swait.ge [sflag:s22], $0x1650  }
0x252: {  	s11 =	sld [smem:$0x7F9];
	_ =	sdelay $0x2  }
0x253: {  	s13 =	sadd.s32 $0x1, s11  }
0x254: {  	p0 =	sne.s32 s13, $0x5  }
.Ltmp9:
0x255: {  	_ = 	snop;
	(pc) =	sbr.rel @p0 .LBB2_2-.Ltmp9, $3  }
0x256: {  	_ =	sdelay $0x1  }
0x257: {  	[sflag:s22] =	ssyncset.done $0x0  }
0x258: {  	[sflag:s22] =	ssyncadd.s32 $0xFFFFE9B0  }
0x259: {  	s9 =	sld [smem:$0x7FB];
	_ =	sdelay $0x2  }
0x25a: {  	s8 =	rddreg [dreg:$0x15];
	s9 =	sadd.s32 $0x1, s9  }
0x25b: {  	p0 =	sne.s32 s9, s8  }
.Ltmp10:
0x25c: {  	_ = 	snop;
	(pc) =	sbr.rel @p0 .LBB2_1-.Ltmp10, $1  }
0x25d: {  	_ =	sdelay $0x3  }
0x25e: {  	_ =	sfence.sel $0x180000  }
0x25f: {  	[bflag:$0x0] =	sbarrier.arrive $0xFFFF  }
0x260: {  	_ =	strace $0x90000047  }
0x261: {  	s0 =	stileid.u32;
	[bflag:$0x2] =	sbarrier.arrive $0xFFFF  }
0x262: {  	p0 =	sne.s32 s0, $0x0;
	s0 =	rddreg [dreg:$0x3]  }
0x263: {  	s0 =	sadd.s32 @!p0 $0x100000, s0  }
0x264: {  	[sflag:s0] =	ssyncadd.tile.s32 @!p0 $0x1;
	_ =	shalt  }
.Lfunc_end2:
_tile_overlayer_lowered:
.L_overlay_start_2:
0x265: {  	(tag) =	ssettag $0x2  }
0x266: {  	s0 =	rddreg [dreg:$0x0];
	s2 =	stileid.u32  }
0x267: {  	s1 =	rddreg [dreg:$0x1];
	p0 =	sne.s32 s2, $0x0  }
0x268: {  	s3 =	rddreg [dreg:$0x2];
	[bflag:$0x3] =	sbarrier.arrive $0xFFFF;
	s2 =	simm.s32 @!p0 $0x1C08  }
0x269: {  	[timem:s3], [sflag:s2] =	dma.local @!p0 [hbm:s0], s1  }
0x26a: {  	s0 =	simm.s32 @!p0 $0x8  }
0x26b: {  	_ =	swait.ge @!p0 [sflag:s0], s1  }
0x26c: {  	s1 =	ssub.s32 @!p0 $0x0, s1;
	[sflag:s0] =	ssyncset.done @!p0 $0x0  }
0x26d: {  	[sflag:s0] =	ssyncadd.s32 @!p0 s1  }
0x26e: {  	[bflag:$0x3] =	sbarrier.arrive $0xFFFF  }
0x26f: {  	_ =	shalt  }

</sc_bundles>
